<compile_context>
chip_gen: v7x
topology: tpu7x:2x2x1
jax: 0.10.2.dev20260603
libtpu: 0.0.44.dev20260713+nightly
codegen_flags: <defaults>
</compile_context>

<pallas_src>
import functools

import jax
import jax.numpy as jnp
from jax import lax
from jax.experimental import pallas as pl
from jax.experimental.pallas import tpu as pltpu
from jax.experimental.pallas import tpu_sc as plsc

LANES = 16


def _make_sc_pool(batch, seq, emb, n_workers):
    bpw = batch // n_workers
    mesh = plsc.VectorSubcoreMesh(core_axis_name="c", subcore_axis_name="s")
    n_cores = 2
    nj = emb // LANES

    @functools.partial(
        pl.kernel,
        mesh=mesh,
        out_type=jax.ShapeDtypeStruct((batch, emb), jnp.float32),
        scratch_types=[
            pltpu.VMEM((bpw, seq), jnp.int32),
            pltpu.VMEM((seq, emb), jnp.float32),
            pltpu.VMEM((seq, emb), jnp.float32),
            pltpu.VMEM((bpw, emb), jnp.float32),
            pltpu.SemaphoreType.DMA,
            pltpu.SemaphoreType.DMA,
        ],
    )
    def sc_pool(idx_hbm, table_hbm, out_hbm, idx_v, rows0, rows1, out_v, sem0, sem1):
        wid = lax.axis_index("s") * n_cores + lax.axis_index("c")
        base = wid * bpw
        pltpu.sync_copy(idx_hbm.at[pl.ds(base, bpw)], idx_v)

        rows = (rows0, rows1)
        sems = (sem0, sem1)

        def fire(bb, rbuf, sem):
            def body(i, _):
                vec = idx_v[bb, pl.ds(i * LANES, LANES)]
                for k in range(LANES):
                    s = i * LANES + k
                    pltpu.async_copy(
                        table_hbm.at[pl.ds(vec[k], 1), :],
                        rbuf.at[pl.ds(s, 1), :],
                        sem,
                    )
                return 0

            lax.fori_loop(0, seq // LANES, body, 0)
            rem = seq % LANES
            if rem:
                vec = idx_v[bb, pl.ds(seq - LANES, LANES)]
                for k in range(LANES - rem, LANES):
                    s = seq - LANES + k
                    pltpu.async_copy(
                        table_hbm.at[pl.ds(vec[k], 1), :],
                        rbuf.at[pl.ds(s, 1), :],
                        sem,
                    )

        def wait_fetch(rbuf, sem):
            pltpu.make_async_copy(
                table_hbm.at[pl.ds(0, seq), :], rbuf, sem
            ).wait()

        def reduce_rows(rbuf, b):
            def inner(i, accs):
                new = list(accs)
                for k in range(8):
                    s8 = i * 8 + k
                    for j in range(nj):
                        new[j] = new[j] + rbuf[s8, pl.ds(j * LANES, LANES)]
                return tuple(new)

            accs = tuple(jnp.zeros((LANES,), jnp.float32) for _ in range(nj))
            accs = lax.fori_loop(0, seq // 8, inner, accs)
            for j in range(nj):
                out_v[b, pl.ds(j * LANES, LANES)] = accs[j]

        fire(0, rows0, sem0)

        def outer(b2, _):
            b = b2 * 2
            for p in range(2):
                bb = b + p

                @pl.when(bb + 1 < bpw)
                def _():
                    fire(bb + 1, rows[1 - p], sems[1 - p])

                wait_fetch(rows[p], sems[p])
                reduce_rows(rows[p], bb)
            return 0

        lax.fori_loop(0, bpw // 2, outer, 0)
        pltpu.sync_copy(out_v, out_hbm.at[pl.ds(base, bpw)])

    return sc_pool


def _dense_body(inv_seq, x_ref, w1_ref, b1_ref, w2_ref, b2_ref, o_ref):
    x = x_ref[...] * inv_seq
    h = jnp.dot(x, w1_ref[...], preferred_element_type=jnp.float32) + b1_ref[...]
    h = jnp.maximum(h, 0.0)
    logits = jnp.dot(h, w2_ref[...], preferred_element_type=jnp.float32) + b2_ref[...]
    m = jnp.max(logits, axis=-1, keepdims=True)
    e = jnp.exp(logits - m)
    o_ref[...] = e / jnp.sum(e, axis=-1, keepdims=True)


def kernel(inputs, emb_table, W1, b1, W2, b2):
    batch, seq = inputs.shape
    vocab, emb = emb_table.shape
    n_classes = W2.shape[1]

    idx = inputs.astype(jnp.int32)
    sc_pool = _make_sc_pool(batch, seq, emb, 32)
    pooled = sc_pool(idx, emb_table)

    dense = pl.pallas_call(
        functools.partial(_dense_body, 1.0 / seq),
        out_shape=jax.ShapeDtypeStruct((batch, n_classes), jnp.float32),
    )
    return dense(pooled, W1, b1.reshape(1, -1), W2, b2.reshape(1, -1))

# --- scband reference (transcript-rebuilt; emitter-appended) ---
"""Pipeline reference for scband-tiny-llmmodel-57062935494835 (READ-ONLY COPY).

The authoritative reference and input builder live on the scoring server;
editing this copy changes nothing except your own understanding.
"""

import jax, jax.numpy as jnp
import numpy as np

VOCAB = 1000000
EMB = 64
HIDDEN = 16
NUM_CLASSES = 10
BATCH = 4096
SEQ = 200


def setup_inputs(seed: int = 0) -> dict:
    key = jax.random.key(seed)
    k_idx, k_emb, k_w1, k_b1, k_w2, k_b2 = jax.random.split(key, 6)
    inputs = jax.random.randint(k_idx, (BATCH, SEQ), 0, VOCAB, dtype=jnp.int64 if jax.config.jax_enable_x64 else jnp.int32)
    emb_table = jax.random.normal(k_emb, (VOCAB, EMB), dtype=jnp.float32) * 0.05
    W1 = jax.random.normal(k_w1, (EMB, HIDDEN), dtype=jnp.float32) * (1.0 / np.sqrt(EMB))
    b1 = jnp.zeros((HIDDEN,), dtype=jnp.float32)
    W2 = jax.random.normal(k_w2, (HIDDEN, NUM_CLASSES), dtype=jnp.float32) * (1.0 / np.sqrt(HIDDEN))
    b2 = jnp.zeros((NUM_CLASSES,), dtype=jnp.float32)
    return {"inputs": inputs, "emb_table": emb_table, "W1": W1, "b1": b1, "W2": W2, "b2": b2}


def reference(inputs, emb_table, W1, b1, W2, b2):
    # Embedding lookup: [B, S] -> [B, S, E]
    x = jnp.take(emb_table, inputs, axis=0)
    # GlobalAveragePooling1D over sequence axis
    x = jnp.mean(x, axis=1)
    # Dense(16, relu)
    x = jax.nn.relu(x @ W1 + b1)
    # Dense(num_classes, softmax)
    logits = x @ W2 + b2
    return jax.nn.softmax(logits, axis=-1)

if __name__ == "__main__":
    import jax
    _d = setup_inputs()
    print(jax.jit(kernel)(*tuple(_d.values())))

</pallas_src>

<mosaic_0001>
#map = affine_map<(d0, d1) -> (0, 0)>
module attributes {stable_mosaic.version = 14 : i64} {
  func.func @sc_pool(%arg0: i32, %arg1: i32, %arg2: memref<4096x200xi32, #tpu.memory_space<hbm>>, %arg3: memref<1000000x64xf32, #tpu.memory_space<hbm>>, %arg4: memref<4096x64xf32, #tpu.memory_space<hbm>>, %arg5: memref<128x200xi32, #tpu.memory_space<vmem>>, %arg6: memref<200x64xf32, #tpu.memory_space<vmem>>, %arg7: memref<200x64xf32, #tpu.memory_space<vmem>>, %arg8: memref<128x64xf32, #tpu.memory_space<vmem>>, %arg9: memref<!tpu.dma_semaphore, #tpu.memory_space<semaphore_mem>>, %arg10: memref<!tpu.dma_semaphore, #tpu.memory_space<semaphore_mem>>) attributes {dimension_semantics = [#tpu.dimension_semantics<core_parallel>, #tpu.dimension_semantics<subcore_parallel>], iteration_bounds = array<i64: 2, 16>, scalar_prefetch = 0 : i64, scratch_operands = 6 : i64, tpu.core_type = #tpu.core_type<sc_vector_subcore>, window_params = [{transform_indices = #map}, {transform_indices = #map}, {transform_indices = #map}]} {
    %mul3A = arith.constant 2 : i32
    %mul3A_0 = arith.muli %arg1, %mul3A : i32
    %add3A = arith.addi %mul3A_0, %arg0 : i32
    %mul3A_1 = arith.constant 128 : i32
    %mul3A_2 = arith.muli %add3A, %mul3A_1 : i32
    "tpu.region"() ({
      %run_scoped3A = tpu.sem_alloc : memref<!tpu.dma_semaphore, #tpu.memory_space<semaphore_mem>>
      %dma_start3A_113 = arith.constant 0 : i32
      %dma_start3A_114 = tpu.memref_slice %arg2[%mul3A_2, %dma_start3A_113] : memref<4096x200xi32, #tpu.memory_space<hbm>> -> memref<128x200xi32, #tpu.memory_space<hbm>>
      %dma_start3A_115 = arith.constant 0 : i32
      %dma_start3A_116 = tpu.memref_slice %arg2[%mul3A_2, %dma_start3A_115] : memref<4096x200xi32, #tpu.memory_space<hbm>> -> memref<128x200xi32, #tpu.memory_space<hbm>>
      tpu.enqueue_dma source(%dma_start3A_116 : memref<128x200xi32, #tpu.memory_space<hbm>>) target(%arg5 : memref<128x200xi32, #tpu.memory_space<vmem>>) target_semaphore(%run_scoped3A : memref<!tpu.dma_semaphore, #tpu.memory_space<semaphore_mem>>)
      %dma_wait3A = arith.constant 0 : i32
      %dma_wait3A_117 = tpu.memref_slice %arg2[%mul3A_2, %dma_wait3A] : memref<4096x200xi32, #tpu.memory_space<hbm>> -> memref<128x200xi32, #tpu.memory_space<hbm>>
      %dma_wait3A_118 = arith.constant 0 : i32
      %dma_wait3A_119 = tpu.memref_slice %arg2[%mul3A_2, %dma_wait3A_118] : memref<4096x200xi32, #tpu.memory_space<hbm>> -> memref<128x200xi32, #tpu.memory_space<hbm>>
      tpu.wait_dma2 semaphore(%run_scoped3A : memref<!tpu.dma_semaphore, #tpu.memory_space<semaphore_mem>>) src(%dma_wait3A_119 : memref<128x200xi32, #tpu.memory_space<hbm>>) dst(%arg5 : memref<128x200xi32, #tpu.memory_space<vmem>>)
      tpu.yield
    }) : () -> ()
    %scan3A = arith.constant 0 : i32
    %scan3A_3 = arith.constant 0 : i32
    %scan3A_4 = arith.constant 12 : i32
    %scan3A_5 = arith.addi %scan3A_3, %scan3A_4 : i32
    %scan3A_6 = arith.constant 1 : i32
    %scan3A_7 = scf.for %scan3A_113 = %scan3A_3 to %scan3A_5 step %scan3A_6 iter_args(%scan3A_114 = %scan3A) -> (i32)  : i32 {
      %mul3A_115 = arith.constant 16 : i32
      %mul3A_116 = arith.muli %scan3A_113, %mul3A_115 : i32
      %get3A_117 = arith.constant 0 : i32
      %get3A_118 = arith.index_cast %get3A_117 : i32 to index
      %get3A_119 = arith.index_cast %mul3A_116 : i32 to index
      %get3A_120 = tpu.vector_load %arg5[%get3A_118, %get3A_119] {strides = array<i32>} : memref<128x200xi32, #tpu.memory_space<vmem>>, vector<1x16xi32>,
      %get3A_121 = vector.shape_cast %get3A_120 : vector<1x16xi32> to vector<16xi32>
      %mul3A_122 = arith.constant 16 : i32
      %mul3A_123 = arith.muli %scan3A_113, %mul3A_122 : i32
      %add3A_124 = arith.constant 0 : i32
      %add3A_125 = arith.addi %mul3A_123, %add3A_124 : i32
      %slice3A_126 = vector.extract_strided_slice %get3A_121 {offsets = [0], sizes = [1], strides = [1]} : vector<16xi32> to vector<1xi32>
      %squeeze3A_127 = vector.extract %slice3A_126[0] : i32 from vector<1xi32>
      %dma_start3A_128 = arith.constant 0 : i32
      %dma_start3A_129 = tpu.memref_slice %arg6[%add3A_125, %dma_start3A_128] : memref<200x64xf32, #tpu.memory_space<vmem>> -> memref<1x64xf32, #tpu.memory_space<vmem>>
      %dma_start3A_130 = arith.constant 0 : i32
      %dma_start3A_131 = tpu.memref_slice %arg3[%squeeze3A_127, %dma_start3A_130] : memref<1000000x64xf32, #tpu.memory_space<hbm>> -> memref<1x64xf32, #tpu.memory_space<hbm>>
      %dma_start3A_132 = arith.constant 0 : i32
      %dma_start3A_133 = tpu.memref_slice %arg6[%add3A_125, %dma_start3A_132] : memref<200x64xf32, #tpu.memory_space<vmem>> -> memref<1x64xf32, #tpu.memory_space<vmem>>
      %dma_start3A_134 = arith.constant 0 : i32
      %dma_start3A_135 = tpu.memref_slice %arg3[%squeeze3A_127, %dma_start3A_134] : memref<1000000x64xf32, #tpu.memory_space<hbm>> -> memref<1x64xf32, #tpu.memory_space<hbm>>
      tpu.enqueue_dma source(%dma_start3A_135 : memref<1x64xf32, #tpu.memory_space<hbm>>) target(%dma_start3A_133 : memref<1x64xf32, #tpu.memory_space<vmem>>) target_semaphore(%arg9 : memref<!tpu.dma_semaphore, #tpu.memory_space<semaphore_mem>>)
      %mul3A_136 = arith.constant 16 : i32
      %mul3A_137 = arith.muli %scan3A_113, %mul3A_136 : i32
      %add3A_138 = arith.constant 1 : i32
      %add3A_139 = arith.addi %mul3A_137, %add3A_138 : i32
      %slice3A_140 = vector.extract_strided_slice %get3A_121 {offsets = [1], sizes = [1], strides = [1]} : vector<16xi32> to vector<1xi32>
      %squeeze3A_141 = vector.extract %slice3A_140[0] : i32 from vector<1xi32>
      %dma_start3A_142 = arith.constant 0 : i32
      %dma_start3A_143 = tpu.memref_slice %arg6[%add3A_139, %dma_start3A_142] : memref<200x64xf32, #tpu.memory_space<vmem>> -> memref<1x64xf32, #tpu.memory_space<vmem>>
      %dma_start3A_144 = arith.constant 0 : i32
      %dma_start3A_145 = tpu.memref_slice %arg3[%squeeze3A_141, %dma_start3A_144] : memref<1000000x64xf32, #tpu.memory_space<hbm>> -> memref<1x64xf32, #tpu.memory_space<hbm>>
      %dma_start3A_146 = arith.constant 0 : i32
      %dma_start3A_147 = tpu.memref_slice %arg6[%add3A_139, %dma_start3A_146] : memref<200x64xf32, #tpu.memory_space<vmem>> -> memref<1x64xf32, #tpu.memory_space<vmem>>
      %dma_start3A_148 = arith.constant 0 : i32
      %dma_start3A_149 = tpu.memref_slice %arg3[%squeeze3A_141, %dma_start3A_148] : memref<1000000x64xf32, #tpu.memory_space<hbm>> -> memref<1x64xf32, #tpu.memory_space<hbm>>
      tpu.enqueue_dma source(%dma_start3A_149 : memref<1x64xf32, #tpu.memory_space<hbm>>) target(%dma_start3A_147 : memref<1x64xf32, #tpu.memory_space<vmem>>) target_semaphore(%arg9 : memref<!tpu.dma_semaphore, #tpu.memory_space<semaphore_mem>>)
      %mul3A_150 = arith.constant 16 : i32
      %mul3A_151 = arith.muli %scan3A_113, %mul3A_150 : i32
      %add3A_152 = arith.constant 2 : i32
      %add3A_153 = arith.addi %mul3A_151, %add3A_152 : i32
      %slice3A_154 = vector.extract_strided_slice %get3A_121 {offsets = [2], sizes = [1], strides = [1]} : vector<16xi32> to vector<1xi32>
      %squeeze3A_155 = vector.extract %slice3A_154[0] : i32 from vector<1xi32>
      %dma_start3A_156 = arith.constant 0 : i32
      %dma_start3A_157 = tpu.memref_slice %arg6[%add3A_153, %dma_start3A_156] : memref<200x64xf32, #tpu.memory_space<vmem>> -> memref<1x64xf32, #tpu.memory_space<vmem>>
      %dma_start3A_158 = arith.constant 0 : i32
      %dma_start3A_159 = tpu.memref_slice %arg3[%squeeze3A_155, %dma_start3A_158] : memref<1000000x64xf32, #tpu.memory_space<hbm>> -> memref<1x64xf32, #tpu.memory_space<hbm>>
      %dma_start3A_160 = arith.constant 0 : i32
      %dma_start3A_161 = tpu.memref_slice %arg6[%add3A_153, %dma_start3A_160] : memref<200x64xf32, #tpu.memory_space<vmem>> -> memref<1x64xf32, #tpu.memory_space<vmem>>
      %dma_start3A_162 = arith.constant 0 : i32
      %dma_start3A_163 = tpu.memref_slice %arg3[%squeeze3A_155, %dma_start3A_162] : memref<1000000x64xf32, #tpu.memory_space<hbm>> -> memref<1x64xf32, #tpu.memory_space<hbm>>
      tpu.enqueue_dma source(%dma_start3A_163 : memref<1x64xf32, #tpu.memory_space<hbm>>) target(%dma_start3A_161 : memref<1x64xf32, #tpu.memory_space<vmem>>) target_semaphore(%arg9 : memref<!tpu.dma_semaphore, #tpu.memory_space<semaphore_mem>>)
      %mul3A_164 = arith.constant 16 : i32
      %mul3A_165 = arith.muli %scan3A_113, %mul3A_164 : i32
      %add3A_166 = arith.constant 3 : i32
      %add3A_167 = arith.addi %mul3A_165, %add3A_166 : i32
      %slice3A_168 = vector.extract_strided_slice %get3A_121 {offsets = [3], sizes = [1], strides = [1]} : vector<16xi32> to vector<1xi32>
      %squeeze3A_169 = vector.extract %slice3A_168[0] : i32 from vector<1xi32>
      %dma_start3A_170 = arith.constant 0 : i32
      %dma_start3A_171 = tpu.memref_slice %arg6[%add3A_167, %dma_start3A_170] : memref<200x64xf32, #tpu.memory_space<vmem>> -> memref<1x64xf32, #tpu.memory_space<vmem>>
      %dma_start3A_172 = arith.constant 0 : i32
      %dma_start3A_173 = tpu.memref_slice %arg3[%squeeze3A_169, %dma_start3A_172] : memref<1000000x64xf32, #tpu.memory_space<hbm>> -> memref<1x64xf32, #tpu.memory_space<hbm>>
      %dma_start3A_174 = arith.constant 0 : i32
      %dma_start3A_175 = tpu.memref_slice %arg6[%add3A_167, %dma_start3A_174] : memref<200x64xf32, #tpu.memory_space<vmem>> -> memref<1x64xf32, #tpu.memory_space<vmem>>
      %dma_start3A_176 = arith.constant 0 : i32
      %dma_start3A_177 = tpu.memref_slice %arg3[%squeeze3A_169, %dma_start3A_176] : memref<1000000x64xf32, #tpu.memory_space<hbm>> -> memref<1x64xf32, #tpu.memory_space<hbm>>
      tpu.enqueue_dma source(%dma_start3A_177 : memref<1x64xf32, #tpu.memory_space<hbm>>) target(%dma_start3A_175 : memref<1x64xf32, #tpu.memory_space<vmem>>) target_semaphore(%arg9 : memref<!tpu.dma_semaphore, #tpu.memory_space<semaphore_mem>>)
      %mul3A_178 = arith.constant 16 : i32
      %mul3A_179 = arith.muli %scan3A_113, %mul3A_178 : i32
      %add3A_180 = arith.constant 4 : i32
      %add3A_181 = arith.addi %mul3A_179, %add3A_180 : i32
      %slice3A_182 = vector.extract_strided_slice %get3A_121 {offsets = [4], sizes = [1], strides = [1]} : vector<16xi32> to vector<1xi32>
      %squeeze3A_183 = vector.extract %slice3A_182[0] : i32 from vector<1xi32>
      %dma_start3A_184 = arith.constant 0 : i32
      %dma_start3A_185 = tpu.memref_slice %arg6[%add3A_181, %dma_start3A_184] : memref<200x64xf32, #tpu.memory_space<vmem>> -> memref<1x64xf32, #tpu.memory_space<vmem>>
      %dma_start3A_186 = arith.constant 0 : i32
      %dma_start3A_187 = tpu.memref_slice %arg3[%squeeze3A_183, %dma_start3A_186] : memref<1000000x64xf32, #tpu.memory_space<hbm>> -> memref<1x64xf32, #tpu.memory_space<hbm>>
      %dma_start3A_188 = arith.constant 0 : i32
      %dma_start3A_189 = tpu.memref_slice %arg6[%add3A_181, %dma_start3A_188] : memref<200x64xf32, #tpu.memory_space<vmem>> -> memref<1x64xf32, #tpu.memory_space<vmem>>
      %dma_start3A_190 = arith.constant 0 : i32
      %dma_start3A_191 = tpu.memref_slice %arg3[%squeeze3A_183, %dma_start3A_190] : memref<1000000x64xf32, #tpu.memory_space<hbm>> -> memref<1x64xf32, #tpu.memory_space<hbm>>
      tpu.enqueue_dma source(%dma_start3A_191 : memref<1x64xf32, #tpu.memory_space<hbm>>) target(%dma_start3A_189 : memref<1x64xf32, #tpu.memory_space<vmem>>) target_semaphore(%arg9 : memref<!tpu.dma_semaphore, #tpu.memory_space<semaphore_mem>>)
      %mul3A_192 = arith.constant 16 : i32
      %mul3A_193 = arith.muli %scan3A_113, %mul3A_192 : i32
      %add3A_194 = arith.constant 5 : i32
      %add3A_195 = arith.addi %mul3A_193, %add3A_194 : i32
      %slice3A_196 = vector.extract_strided_slice %get3A_121 {offsets = [5], sizes = [1], strides = [1]} : vector<16xi32> to vector<1xi32>
      %squeeze3A_197 = vector.extract %slice3A_196[0] : i32 from vector<1xi32>
      %dma_start3A_198 = arith.constant 0 : i32
      %dma_start3A_199 = tpu.memref_slice %arg6[%add3A_195, %dma_start3A_198] : memref<200x64xf32, #tpu.memory_space<vmem>> -> memref<1x64xf32, #tpu.memory_space<vmem>>
      %dma_start3A_200 = arith.constant 0 : i32
      %dma_start3A_201 = tpu.memref_slice %arg3[%squeeze3A_197, %dma_start3A_200] : memref<1000000x64xf32, #tpu.memory_space<hbm>> -> memref<1x64xf32, #tpu.memory_space<hbm>>
      %dma_start3A_202 = arith.constant 0 : i32
      %dma_start3A_203 = tpu.memref_slice %arg6[%add3A_195, %dma_start3A_202] : memref<200x64xf32, #tpu.memory_space<vmem>> -> memref<1x64xf32, #tpu.memory_space<vmem>>
      %dma_start3A_204 = arith.constant 0 : i32
      %dma_start3A_205 = tpu.memref_slice %arg3[%squeeze3A_197, %dma_start3A_204] : memref<1000000x64xf32, #tpu.memory_space<hbm>> -> memref<1x64xf32, #tpu.memory_space<hbm>>
      tpu.enqueue_dma source(%dma_start3A_205 : memref<1x64xf32, #tpu.memory_space<hbm>>) target(%dma_start3A_203 : memref<1x64xf32, #tpu.memory_space<vmem>>) target_semaphore(%arg9 : memref<!tpu.dma_semaphore, #tpu.memory_space<semaphore_mem>>)
      %mul3A_206 = arith.constant 16 : i32
      %mul3A_207 = arith.muli %scan3A_113, %mul3A_206 : i32
      %add3A_208 = arith.constant 6 : i32
      %add3A_209 = arith.addi %mul3A_207, %add3A_208 : i32
      %slice3A_210 = vector.extract_strided_slice %get3A_121 {offsets = [6], sizes = [1], strides = [1]} : vector<16xi32> to vector<1xi32>
      %squeeze3A_211 = vector.extract %slice3A_210[0] : i32 from vector<1xi32>
      %dma_start3A_212 = arith.constant 0 : i32
      %dma_start3A_213 = tpu.memref_slice %arg6[%add3A_209, %dma_start3A_212] : memref<200x64xf32, #tpu.memory_space<vmem>> -> memref<1x64xf32, #tpu.memory_space<vmem>>
      %dma_start3A_214 = arith.constant 0 : i32
      %dma_start3A_215 = tpu.memref_slice %arg3[%squeeze3A_211, %dma_start3A_214] : memref<1000000x64xf32, #tpu.memory_space<hbm>> -> memref<1x64xf32, #tpu.memory_space<hbm>>
      %dma_start3A_216 = arith.constant 0 : i32
      %dma_start3A_217 = tpu.memref_slice %arg6[%add3A_209, %dma_start3A_216] : memref<200x64xf32, #tpu.memory_space<vmem>> -> memref<1x64xf32, #tpu.memory_space<vmem>>
      %dma_start3A_218 = arith.constant 0 : i32
      %dma_start3A_219 = tpu.memref_slice %arg3[%squeeze3A_211, %dma_start3A_218] : memref<1000000x64xf32, #tpu.memory_space<hbm>> -> memref<1x64xf32, #tpu.memory_space<hbm>>
      tpu.enqueue_dma source(%dma_start3A_219 : memref<1x64xf32, #tpu.memory_space<hbm>>) target(%dma_start3A_217 : memref<1x64xf32, #tpu.memory_space<vmem>>) target_semaphore(%arg9 : memref<!tpu.dma_semaphore, #tpu.memory_space<semaphore_mem>>)
      %mul3A_220 = arith.constant 16 : i32
      %mul3A_221 = arith.muli %scan3A_113, %mul3A_220 : i32
      %add3A_222 = arith.constant 7 : i32
      %add3A_223 = arith.addi %mul3A_221, %add3A_222 : i32
      %slice3A_224 = vector.extract_strided_slice %get3A_121 {offsets = [7], sizes = [1], strides = [1]} : vector<16xi32> to vector<1xi32>
      %squeeze3A_225 = vector.extract %slice3A_224[0] : i32 from vector<1xi32>
      %dma_start3A_226 = arith.constant 0 : i32
      %dma_start3A_227 = tpu.memref_slice %arg6[%add3A_223, %dma_start3A_226] : memref<200x64xf32, #tpu.memory_space<vmem>> -> memref<1x64xf32, #tpu.memory_space<vmem>>
      %dma_start3A_228 = arith.constant 0 : i32
      %dma_start3A_229 = tpu.memref_slice %arg3[%squeeze3A_225, %dma_start3A_228] : memref<1000000x64xf32, #tpu.memory_space<hbm>> -> memref<1x64xf32, #tpu.memory_space<hbm>>
      %dma_start3A_230 = arith.constant 0 : i32
      %dma_start3A_231 = tpu.memref_slice %arg6[%add3A_223, %dma_start3A_230] : memref<200x64xf32, #tpu.memory_space<vmem>> -> memref<1x64xf32, #tpu.memory_space<vmem>>
      %dma_start3A_232 = arith.constant 0 : i32
      %dma_start3A_233 = tpu.memref_slice %arg3[%squeeze3A_225, %dma_start3A_232] : memref<1000000x64xf32, #tpu.memory_space<hbm>> -> memref<1x64xf32, #tpu.memory_space<hbm>>
      tpu.enqueue_dma source(%dma_start3A_233 : memref<1x64xf32, #tpu.memory_space<hbm>>) target(%dma_start3A_231 : memref<1x64xf32, #tpu.memory_space<vmem>>) target_semaphore(%arg9 : memref<!tpu.dma_semaphore, #tpu.memory_space<semaphore_mem>>)
      %mul3A_234 = arith.constant 16 : i32
      %mul3A_235 = arith.muli %scan3A_113, %mul3A_234 : i32
      %add3A_236 = arith.constant 8 : i32
      %add3A_237 = arith.addi %mul3A_235, %add3A_236 : i32
      %slice3A_238 = vector.extract_strided_slice %get3A_121 {offsets = [8], sizes = [1], strides = [1]} : vector<16xi32> to vector<1xi32>
      %squeeze3A_239 = vector.extract %slice3A_238[0] : i32 from vector<1xi32>
      %dma_start3A_240 = arith.constant 0 : i32
      %dma_start3A_241 = tpu.memref_slice %arg6[%add3A_237, %dma_start3A_240] : memref<200x64xf32, #tpu.memory_space<vmem>> -> memref<1x64xf32, #tpu.memory_space<vmem>>
      %dma_start3A_242 = arith.constant 0 : i32
      %dma_start3A_243 = tpu.memref_slice %arg3[%squeeze3A_239, %dma_start3A_242] : memref<1000000x64xf32, #tpu.memory_space<hbm>> -> memref<1x64xf32, #tpu.memory_space<hbm>>
      %dma_start3A_244 = arith.constant 0 : i32
      %dma_start3A_245 = tpu.memref_slice %arg6[%add3A_237, %dma_start3A_244] : memref<200x64xf32, #tpu.memory_space<vmem>> -> memref<1x64xf32, #tpu.memory_space<vmem>>
      %dma_start3A_246 = arith.constant 0 : i32
      %dma_start3A_247 = tpu.memref_slice %arg3[%squeeze3A_239, %dma_start3A_246] : memref<1000000x64xf32, #tpu.memory_space<hbm>> -> memref<1x64xf32, #tpu.memory_space<hbm>>
      tpu.enqueue_dma source(%dma_start3A_247 : memref<1x64xf32, #tpu.memory_space<hbm>>) target(%dma_start3A_245 : memref<1x64xf32, #tpu.memory_space<vmem>>) target_semaphore(%arg9 : memref<!tpu.dma_semaphore, #tpu.memory_space<semaphore_mem>>)
      %mul3A_248 = arith.constant 16 : i32
      %mul3A_249 = arith.muli %scan3A_113, %mul3A_248 : i32
      %add3A_250 = arith.constant 9 : i32
      %add3A_251 = arith.addi %mul3A_249, %add3A_250 : i32
      %slice3A_252 = vector.extract_strided_slice %get3A_121 {offsets = [9], sizes = [1], strides = [1]} : vector<16xi32> to vector<1xi32>
      %squeeze3A_253 = vector.extract %slice3A_252[0] : i32 from vector<1xi32>
      %dma_start3A_254 = arith.constant 0 : i32
      %dma_start3A_255 = tpu.memref_slice %arg6[%add3A_251, %dma_start3A_254] : memref<200x64xf32, #tpu.memory_space<vmem>> -> memref<1x64xf32, #tpu.memory_space<vmem>>
      %dma_start3A_256 = arith.constant 0 : i32
      %dma_start3A_257 = tpu.memref_slice %arg3[%squeeze3A_253, %dma_start3A_256] : memref<1000000x64xf32, #tpu.memory_space<hbm>> -> memref<1x64xf32, #tpu.memory_space<hbm>>
      %dma_start3A_258 = arith.constant 0 : i32
      %dma_start3A_259 = tpu.memref_slice %arg6[%add3A_251, %dma_start3A_258] : memref<200x64xf32, #tpu.memory_space<vmem>> -> memref<1x64xf32, #tpu.memory_space<vmem>>
      %dma_start3A_260 = arith.constant 0 : i32
      %dma_start3A_261 = tpu.memref_slice %arg3[%squeeze3A_253, %dma_start3A_260] : memref<1000000x64xf32, #tpu.memory_space<hbm>> -> memref<1x64xf32, #tpu.memory_space<hbm>>
      tpu.enqueue_dma source(%dma_start3A_261 : memref<1x64xf32, #tpu.memory_space<hbm>>) target(%dma_start3A_259 : memref<1x64xf32, #tpu.memory_space<vmem>>) target_semaphore(%arg9 : memref<!tpu.dma_semaphore, #tpu.memory_space<semaphore_mem>>)
      %mul3A_262 = arith.constant 16 : i32
      %mul3A_263 = arith.muli %scan3A_113, %mul3A_262 : i32
      %add3A_264 = arith.constant 10 : i32
      %add3A_265 = arith.addi %mul3A_263, %add3A_264 : i32
      %slice3A_266 = vector.extract_strided_slice %get3A_121 {offsets = [10], sizes = [1], strides = [1]} : vector<16xi32> to vector<1xi32>
      %squeeze3A_267 = vector.extract %slice3A_266[0] : i32 from vector<1xi32>
      %dma_start3A_268 = arith.constant 0 : i32
      %dma_start3A_269 = tpu.memref_slice %arg6[%add3A_265, %dma_start3A_268] : memref<200x64xf32, #tpu.memory_space<vmem>> -> memref<1x64xf32, #tpu.memory_space<vmem>>
      %dma_start3A_270 = arith.constant 0 : i32
      %dma_start3A_271 = tpu.memref_slice %arg3[%squeeze3A_267, %dma_start3A_270] : memref<1000000x64xf32, #tpu.memory_space<hbm>> -> memref<1x64xf32, #tpu.memory_space<hbm>>
      %dma_start3A_272 = arith.constant 0 : i32
      %dma_start3A_273 = tpu.memref_slice %arg6[%add3A_265, %dma_start3A_272] : memref<200x64xf32, #tpu.memory_space<vmem>> -> memref<1x64xf32, #tpu.memory_space<vmem>>
      %dma_start3A_274 = arith.constant 0 : i32
      %dma_start3A_275 = tpu.memref_slice %arg3[%squeeze3A_267, %dma_start3A_274] : memref<1000000x64xf32, #tpu.memory_space<hbm>> -> memref<1x64xf32, #tpu.memory_space<hbm>>
      tpu.enqueue_dma source(%dma_start3A_275 : memref<1x64xf32, #tpu.memory_space<hbm>>) target(%dma_start3A_273 : memref<1x64xf32, #tpu.memory_space<vmem>>) target_semaphore(%arg9 : memref<!tpu.dma_semaphore, #tpu.memory_space<semaphore_mem>>)
      %mul3A_276 = arith.constant 16 : i32
      %mul3A_277 = arith.muli %scan3A_113, %mul3A_276 : i32
      %add3A_278 = arith.constant 11 : i32
      %add3A_279 = arith.addi %mul3A_277, %add3A_278 : i32
      %slice3A_280 = vector.extract_strided_slice %get3A_121 {offsets = [11], sizes = [1], strides = [1]} : vector<16xi32> to vector<1xi32>
      %squeeze3A_281 = vector.extract %slice3A_280[0] : i32 from vector<1xi32>
      %dma_start3A_282 = arith.constant 0 : i32
      %dma_start3A_283 = tpu.memref_slice %arg6[%add3A_279, %dma_start3A_282] : memref<200x64xf32, #tpu.memory_space<vmem>> -> memref<1x64xf32, #tpu.memory_space<vmem>>
      %dma_start3A_284 = arith.constant 0 : i32
      %dma_start3A_285 = tpu.memref_slice %arg3[%squeeze3A_281, %dma_start3A_284] : memref<1000000x64xf32, #tpu.memory_space<hbm>> -> memref<1x64xf32, #tpu.memory_space<hbm>>
      %dma_start3A_286 = arith.constant 0 : i32
      %dma_start3A_287 = tpu.memref_slice %arg6[%add3A_279, %dma_start3A_286] : memref<200x64xf32, #tpu.memory_space<vmem>> -> memref<1x64xf32, #tpu.memory_space<vmem>>
      %dma_start3A_288 = arith.constant 0 : i32
      %dma_start3A_289 = tpu.memref_slice %arg3[%squeeze3A_281, %dma_start3A_288] : memref<1000000x64xf32, #tpu.memory_space<hbm>> -> memref<1x64xf32, #tpu.memory_space<hbm>>
      tpu.enqueue_dma source(%dma_start3A_289 : memref<1x64xf32, #tpu.memory_space<hbm>>) target(%dma_start3A_287 : memref<1x64xf32, #tpu.memory_space<vmem>>) target_semaphore(%arg9 : memref<!tpu.dma_semaphore, #tpu.memory_space<semaphore_mem>>)
      %mul3A_290 = arith.constant 16 : i32
      %mul3A_291 = arith.muli %scan3A_113, %mul3A_290 : i32
      %add3A_292 = arith.constant 12 : i32
      %add3A_293 = arith.addi %mul3A_291, %add3A_292 : i32
      %slice3A_294 = vector.extract_strided_slice %get3A_121 {offsets = [12], sizes = [1], strides = [1]} : vector<16xi32> to vector<1xi32>
      %squeeze3A_295 = vector.extract %slice3A_294[0] : i32 from vector<1xi32>
      %dma_start3A_296 = arith.constant 0 : i32
      %dma_start3A_297 = tpu.memref_slice %arg6[%add3A_293, %dma_start3A_296] : memref<200x64xf32, #tpu.memory_space<vmem>> -> memref<1x64xf32, #tpu.memory_space<vmem>>
      %dma_start3A_298 = arith.constant 0 : i32
      %dma_start3A_299 = tpu.memref_slice %arg3[%squeeze3A_295, %dma_start3A_298] : memref<1000000x64xf32, #tpu.memory_space<hbm>> -> memref<1x64xf32, #tpu.memory_space<hbm>>
      %dma_start3A_300 = arith.constant 0 : i32
      %dma_start3A_301 = tpu.memref_slice %arg6[%add3A_293, %dma_start3A_300] : memref<200x64xf32, #tpu.memory_space<vmem>> -> memref<1x64xf32, #tpu.memory_space<vmem>>
      %dma_start3A_302 = arith.constant 0 : i32
      %dma_start3A_303 = tpu.memref_slice %arg3[%squeeze3A_295, %dma_start3A_302] : memref<1000000x64xf32, #tpu.memory_space<hbm>> -> memref<1x64xf32, #tpu.memory_space<hbm>>
      tpu.enqueue_dma source(%dma_start3A_303 : memref<1x64xf32, #tpu.memory_space<hbm>>) target(%dma_start3A_301 : memref<1x64xf32, #tpu.memory_space<vmem>>) target_semaphore(%arg9 : memref<!tpu.dma_semaphore, #tpu.memory_space<semaphore_mem>>)
      %mul3A_304 = arith.constant 16 : i32
      %mul3A_305 = arith.muli %scan3A_113, %mul3A_304 : i32
      %add3A_306 = arith.constant 13 : i32
      %add3A_307 = arith.addi %mul3A_305, %add3A_306 : i32
      %slice3A_308 = vector.extract_strided_slice %get3A_121 {offsets = [13], sizes = [1], strides = [1]} : vector<16xi32> to vector<1xi32>
      %squeeze3A_309 = vector.extract %slice3A_308[0] : i32 from vector<1xi32>
      %dma_start3A_310 = arith.constant 0 : i32
      %dma_start3A_311 = tpu.memref_slice %arg6[%add3A_307, %dma_start3A_310] : memref<200x64xf32, #tpu.memory_space<vmem>> -> memref<1x64xf32, #tpu.memory_space<vmem>>
      %dma_start3A_312 = arith.constant 0 : i32
      %dma_start3A_313 = tpu.memref_slice %arg3[%squeeze3A_309, %dma_start3A_312] : memref<1000000x64xf32, #tpu.memory_space<hbm>> -> memref<1x64xf32, #tpu.memory_space<hbm>>
      %dma_start3A_314 = arith.constant 0 : i32
      %dma_start3A_315 = tpu.memref_slice %arg6[%add3A_307, %dma_start3A_314] : memref<200x64xf32, #tpu.memory_space<vmem>> -> memref<1x64xf32, #tpu.memory_space<vmem>>
      %dma_start3A_316 = arith.constant 0 : i32
      %dma_start3A_317 = tpu.memref_slice %arg3[%squeeze3A_309, %dma_start3A_316] : memref<1000000x64xf32, #tpu.memory_space<hbm>> -> memref<1x64xf32, #tpu.memory_space<hbm>>
      tpu.enqueue_dma source(%dma_start3A_317 : memref<1x64xf32, #tpu.memory_space<hbm>>) target(%dma_start3A_315 : memref<1x64xf32, #tpu.memory_space<vmem>>) target_semaphore(%arg9 : memref<!tpu.dma_semaphore, #tpu.memory_space<semaphore_mem>>)
      %mul3A_318 = arith.constant 16 : i32
      %mul3A_319 = arith.muli %scan3A_113, %mul3A_318 : i32
      %add3A_320 = arith.constant 14 : i32
      %add3A_321 = arith.addi %mul3A_319, %add3A_320 : i32
      %slice3A_322 = vector.extract_strided_slice %get3A_121 {offsets = [14], sizes = [1], strides = [1]} : vector<16xi32> to vector<1xi32>
      %squeeze3A_323 = vector.extract %slice3A_322[0] : i32 from vector<1xi32>
      %dma_start3A_324 = arith.constant 0 : i32
      %dma_start3A_325 = tpu.memref_slice %arg6[%add3A_321, %dma_start3A_324] : memref<200x64xf32, #tpu.memory_space<vmem>> -> memref<1x64xf32, #tpu.memory_space<vmem>>
      %dma_start3A_326 = arith.constant 0 : i32
      %dma_start3A_327 = tpu.memref_slice %arg3[%squeeze3A_323, %dma_start3A_326] : memref<1000000x64xf32, #tpu.memory_space<hbm>> -> memref<1x64xf32, #tpu.memory_space<hbm>>
      %dma_start3A_328 = arith.constant 0 : i32
      %dma_start3A_329 = tpu.memref_slice %arg6[%add3A_321, %dma_start3A_328] : memref<200x64xf32, #tpu.memory_space<vmem>> -> memref<1x64xf32, #tpu.memory_space<vmem>>
      %dma_start3A_330 = arith.constant 0 : i32
      %dma_start3A_331 = tpu.memref_slice %arg3[%squeeze3A_323, %dma_start3A_330] : memref<1000000x64xf32, #tpu.memory_space<hbm>> -> memref<1x64xf32, #tpu.memory_space<hbm>>
      tpu.enqueue_dma source(%dma_start3A_331 : memref<1x64xf32, #tpu.memory_space<hbm>>) target(%dma_start3A_329 : memref<1x64xf32, #tpu.memory_space<vmem>>) target_semaphore(%arg9 : memref<!tpu.dma_semaphore, #tpu.memory_space<semaphore_mem>>)
      %mul3A_332 = arith.constant 16 : i32
      %mul3A_333 = arith.muli %scan3A_113, %mul3A_332 : i32
      %add3A_334 = arith.constant 15 : i32
      %add3A_335 = arith.addi %mul3A_333, %add3A_334 : i32
      %slice3A_336 = vector.extract_strided_slice %get3A_121 {offsets = [15], sizes = [1], strides = [1]} : vector<16xi32> to vector<1xi32>
      %squeeze3A_337 = vector.extract %slice3A_336[0] : i32 from vector<1xi32>
      %dma_start3A_338 = arith.constant 0 : i32
      %dma_start3A_339 = tpu.memref_slice %arg6[%add3A_335, %dma_start3A_338] : memref<200x64xf32, #tpu.memory_space<vmem>> -> memref<1x64xf32, #tpu.memory_space<vmem>>
      %dma_start3A_340 = arith.constant 0 : i32
      %dma_start3A_341 = tpu.memref_slice %arg3[%squeeze3A_337, %dma_start3A_340] : memref<1000000x64xf32, #tpu.memory_space<hbm>> -> memref<1x64xf32, #tpu.memory_space<hbm>>
      %dma_start3A_342 = arith.constant 0 : i32
      %dma_start3A_343 = tpu.memref_slice %arg6[%add3A_335, %dma_start3A_342] : memref<200x64xf32, #tpu.memory_space<vmem>> -> memref<1x64xf32, #tpu.memory_space<vmem>>
      %dma_start3A_344 = arith.constant 0 : i32
      %dma_start3A_345 = tpu.memref_slice %arg3[%squeeze3A_337, %dma_start3A_344] : memref<1000000x64xf32, #tpu.memory_space<hbm>> -> memref<1x64xf32, #tpu.memory_space<hbm>>
      tpu.enqueue_dma source(%dma_start3A_345 : memref<1x64xf32, #tpu.memory_space<hbm>>) target(%dma_start3A_343 : memref<1x64xf32, #tpu.memory_space<vmem>>) target_semaphore(%arg9 : memref<!tpu.dma_semaphore, #tpu.memory_space<semaphore_mem>>)
      %scan3A_346 = arith.constant 0 : i32
      scf.yield %scan3A_346 : i32
    }
    %scan3A_8 = arith.constant 12 : i32
    %get3A = arith.constant 0 : i32
    %get3A_9 = arith.index_cast %get3A : i32 to index
    %get3A_10 = arith.constant 184 : index
    %get3A_11 = tpu.vector_load %arg5[%get3A_9, %get3A_10] {strides = array<i32>} : memref<128x200xi32, #tpu.memory_space<vmem>>, vector<1x16xi32>,
    %get3A_12 = vector.shape_cast %get3A_11 : vector<1x16xi32> to vector<16xi32>
    %slice3A = vector.extract_strided_slice %get3A_12 {offsets = [8], sizes = [1], strides = [1]} : vector<16xi32> to vector<1xi32>
    %squeeze3A = vector.extract %slice3A[0] : i32 from vector<1xi32>
    %dma_start3A = arith.constant 192 : i32
    %dma_start3A_13 = arith.constant 0 : i32
    %dma_start3A_14 = tpu.memref_slice %arg6[%dma_start3A, %dma_start3A_13] : memref<200x64xf32, #tpu.memory_space<vmem>> -> memref<1x64xf32, #tpu.memory_space<vmem>>
    %dma_start3A_15 = arith.constant 0 : i32
    %dma_start3A_16 = tpu.memref_slice %arg3[%squeeze3A, %dma_start3A_15] : memref<1000000x64xf32, #tpu.memory_space<hbm>> -> memref<1x64xf32, #tpu.memory_space<hbm>>
    %dma_start3A_17 = arith.constant 192 : i32
    %dma_start3A_18 = arith.constant 0 : i32
    %dma_start3A_19 = tpu.memref_slice %arg6[%dma_start3A_17, %dma_start3A_18] : memref<200x64xf32, #tpu.memory_space<vmem>> -> memref<1x64xf32, #tpu.memory_space<vmem>>
    %dma_start3A_20 = arith.constant 0 : i32
    %dma_start3A_21 = tpu.memref_slice %arg3[%squeeze3A, %dma_start3A_20] : memref<1000000x64xf32, #tpu.memory_space<hbm>> -> memref<1x64xf32, #tpu.memory_space<hbm>>
    tpu.enqueue_dma source(%dma_start3A_21 : memref<1x64xf32, #tpu.memory_space<hbm>>) target(%dma_start3A_19 : memref<1x64xf32, #tpu.memory_space<vmem>>) target_semaphore(%arg9 : memref<!tpu.dma_semaphore, #tpu.memory_space<semaphore_mem>>)
    %slice3A_22 = vector.extract_strided_slice %get3A_12 {offsets = [9], sizes = [1], strides = [1]} : vector<16xi32> to vector<1xi32>
    %squeeze3A_23 = vector.extract %slice3A_22[0] : i32 from vector<1xi32>
    %dma_start3A_24 = arith.constant 193 : i32
    %dma_start3A_25 = arith.constant 0 : i32
    %dma_start3A_26 = tpu.memref_slice %arg6[%dma_start3A_24, %dma_start3A_25] : memref<200x64xf32, #tpu.memory_space<vmem>> -> memref<1x64xf32, #tpu.memory_space<vmem>>
    %dma_start3A_27 = arith.constant 0 : i32
    %dma_start3A_28 = tpu.memref_slice %arg3[%squeeze3A_23, %dma_start3A_27] : memref<1000000x64xf32, #tpu.memory_space<hbm>> -> memref<1x64xf32, #tpu.memory_space<hbm>>
    %dma_start3A_29 = arith.constant 193 : i32
    %dma_start3A_30 = arith.constant 0 : i32
    %dma_start3A_31 = tpu.memref_slice %arg6[%dma_start3A_29, %dma_start3A_30] : memref<200x64xf32, #tpu.memory_space<vmem>> -> memref<1x64xf32, #tpu.memory_space<vmem>>
    %dma_start3A_32 = arith.constant 0 : i32
    %dma_start3A_33 = tpu.memref_slice %arg3[%squeeze3A_23, %dma_start3A_32] : memref<1000000x64xf32, #tpu.memory_space<hbm>> -> memref<1x64xf32, #tpu.memory_space<hbm>>
    tpu.enqueue_dma source(%dma_start3A_33 : memref<1x64xf32, #tpu.memory_space<hbm>>) target(%dma_start3A_31 : memref<1x64xf32, #tpu.memory_space<vmem>>) target_semaphore(%arg9 : memref<!tpu.dma_semaphore, #tpu.memory_space<semaphore_mem>>)
    %slice3A_34 = vector.extract_strided_slice %get3A_12 {offsets = [10], sizes = [1], strides = [1]} : vector<16xi32> to vector<1xi32>
    %squeeze3A_35 = vector.extract %slice3A_34[0] : i32 from vector<1xi32>
    %dma_start3A_36 = arith.constant 194 : i32
    %dma_start3A_37 = arith.constant 0 : i32
    %dma_start3A_38 = tpu.memref_slice %arg6[%dma_start3A_36, %dma_start3A_37] : memref<200x64xf32, #tpu.memory_space<vmem>> -> memref<1x64xf32, #tpu.memory_space<vmem>>
    %dma_start3A_39 = arith.constant 0 : i32
    %dma_start3A_40 = tpu.memref_slice %arg3[%squeeze3A_35, %dma_start3A_39] : memref<1000000x64xf32, #tpu.memory_space<hbm>> -> memref<1x64xf32, #tpu.memory_space<hbm>>
    %dma_start3A_41 = arith.constant 194 : i32
    %dma_start3A_42 = arith.constant 0 : i32
    %dma_start3A_43 = tpu.memref_slice %arg6[%dma_start3A_41, %dma_start3A_42] : memref<200x64xf32, #tpu.memory_space<vmem>> -> memref<1x64xf32, #tpu.memory_space<vmem>>
    %dma_start3A_44 = arith.constant 0 : i32
    %dma_start3A_45 = tpu.memref_slice %arg3[%squeeze3A_35, %dma_start3A_44] : memref<1000000x64xf32, #tpu.memory_space<hbm>> -> memref<1x64xf32, #tpu.memory_space<hbm>>
    tpu.enqueue_dma source(%dma_start3A_45 : memref<1x64xf32, #tpu.memory_space<hbm>>) target(%dma_start3A_43 : memref<1x64xf32, #tpu.memory_space<vmem>>) target_semaphore(%arg9 : memref<!tpu.dma_semaphore, #tpu.memory_space<semaphore_mem>>)
    %slice3A_46 = vector.extract_strided_slice %get3A_12 {offsets = [11], sizes = [1], strides = [1]} : vector<16xi32> to vector<1xi32>
    %squeeze3A_47 = vector.extract %slice3A_46[0] : i32 from vector<1xi32>
    %dma_start3A_48 = arith.constant 195 : i32
    %dma_start3A_49 = arith.constant 0 : i32
    %dma_start3A_50 = tpu.memref_slice %arg6[%dma_start3A_48, %dma_start3A_49] : memref<200x64xf32, #tpu.memory_space<vmem>> -> memref<1x64xf32, #tpu.memory_space<vmem>>
    %dma_start3A_51 = arith.constant 0 : i32
    %dma_start3A_52 = tpu.memref_slice %arg3[%squeeze3A_47, %dma_start3A_51] : memref<1000000x64xf32, #tpu.memory_space<hbm>> -> memref<1x64xf32, #tpu.memory_space<hbm>>
    %dma_start3A_53 = arith.constant 195 : i32
    %dma_start3A_54 = arith.constant 0 : i32
    %dma_start3A_55 = tpu.memref_slice %arg6[%dma_start3A_53, %dma_start3A_54] : memref<200x64xf32, #tpu.memory_space<vmem>> -> memref<1x64xf32, #tpu.memory_space<vmem>>
    %dma_start3A_56 = arith.constant 0 : i32
    %dma_start3A_57 = tpu.memref_slice %arg3[%squeeze3A_47, %dma_start3A_56] : memref<1000000x64xf32, #tpu.memory_space<hbm>> -> memref<1x64xf32, #tpu.memory_space<hbm>>
    tpu.enqueue_dma source(%dma_start3A_57 : memref<1x64xf32, #tpu.memory_space<hbm>>) target(%dma_start3A_55 : memref<1x64xf32, #tpu.memory_space<vmem>>) target_semaphore(%arg9 : memref<!tpu.dma_semaphore, #tpu.memory_space<semaphore_mem>>)
    %slice3A_58 = vector.extract_strided_slice %get3A_12 {offsets = [12], sizes = [1], strides = [1]} : vector<16xi32> to vector<1xi32>
    %squeeze3A_59 = vector.extract %slice3A_58[0] : i32 from vector<1xi32>
    %dma_start3A_60 = arith.constant 196 : i32
    %dma_start3A_61 = arith.constant 0 : i32
    %dma_start3A_62 = tpu.memref_slice %arg6[%dma_start3A_60, %dma_start3A_61] : memref<200x64xf32, #tpu.memory_space<vmem>> -> memref<1x64xf32, #tpu.memory_space<vmem>>
    %dma_start3A_63 = arith.constant 0 : i32
    %dma_start3A_64 = tpu.memref_slice %arg3[%squeeze3A_59, %dma_start3A_63] : memref<1000000x64xf32, #tpu.memory_space<hbm>> -> memref<1x64xf32, #tpu.memory_space<hbm>>
    %dma_start3A_65 = arith.constant 196 : i32
    %dma_start3A_66 = arith.constant 0 : i32
    %dma_start3A_67 = tpu.memref_slice %arg6[%dma_start3A_65, %dma_start3A_66] : memref<200x64xf32, #tpu.memory_space<vmem>> -> memref<1x64xf32, #tpu.memory_space<vmem>>
    %dma_start3A_68 = arith.constant 0 : i32
    %dma_start3A_69 = tpu.memref_slice %arg3[%squeeze3A_59, %dma_start3A_68] : memref<1000000x64xf32, #tpu.memory_space<hbm>> -> memref<1x64xf32, #tpu.memory_space<hbm>>
    tpu.enqueue_dma source(%dma_start3A_69 : memref<1x64xf32, #tpu.memory_space<hbm>>) target(%dma_start3A_67 : memref<1x64xf32, #tpu.memory_space<vmem>>) target_semaphore(%arg9 : memref<!tpu.dma_semaphore, #tpu.memory_space<semaphore_mem>>)
    %slice3A_70 = vector.extract_strided_slice %get3A_12 {offsets = [13], sizes = [1], strides = [1]} : vector<16xi32> to vector<1xi32>
    %squeeze3A_71 = vector.extract %slice3A_70[0] : i32 from vector<1xi32>
    %dma_start3A_72 = arith.constant 197 : i32
    %dma_start3A_73 = arith.constant 0 : i32
    %dma_start3A_74 = tpu.memref_slice %arg6[%dma_start3A_72, %dma_start3A_73] : memref<200x64xf32, #tpu.memory_space<vmem>> -> memref<1x64xf32, #tpu.memory_space<vmem>>
    %dma_start3A_75 = arith.constant 0 : i32
    %dma_start3A_76 = tpu.memref_slice %arg3[%squeeze3A_71, %dma_start3A_75] : memref<1000000x64xf32, #tpu.memory_space<hbm>> -> memref<1x64xf32, #tpu.memory_space<hbm>>
    %dma_start3A_77 = arith.constant 197 : i32
    %dma_start3A_78 = arith.constant 0 : i32
    %dma_start3A_79 = tpu.memref_slice %arg6[%dma_start3A_77, %dma_start3A_78] : memref<200x64xf32, #tpu.memory_space<vmem>> -> memref<1x64xf32, #tpu.memory_space<vmem>>
    %dma_start3A_80 = arith.constant 0 : i32
    %dma_start3A_81 = tpu.memref_slice %arg3[%squeeze3A_71, %dma_start3A_80] : memref<1000000x64xf32, #tpu.memory_space<hbm>> -> memref<1x64xf32, #tpu.memory_space<hbm>>
    tpu.enqueue_dma source(%dma_start3A_81 : memref<1x64xf32, #tpu.memory_space<hbm>>) target(%dma_start3A_79 : memref<1x64xf32, #tpu.memory_space<vmem>>) target_semaphore(%arg9 : memref<!tpu.dma_semaphore, #tpu.memory_space<semaphore_mem>>)
    %slice3A_82 = vector.extract_strided_slice %get3A_12 {offsets = [14], sizes = [1], strides = [1]} : vector<16xi32> to vector<1xi32>
    %squeeze3A_83 = vector.extract %slice3A_82[0] : i32 from vector<1xi32>
    %dma_start3A_84 = arith.constant 198 : i32
    %dma_start3A_85 = arith.constant 0 : i32
    %dma_start3A_86 = tpu.memref_slice %arg6[%dma_start3A_84, %dma_start3A_85] : memref<200x64xf32, #tpu.memory_space<vmem>> -> memref<1x64xf32, #tpu.memory_space<vmem>>
    %dma_start3A_87 = arith.constant 0 : i32
    %dma_start3A_88 = tpu.memref_slice %arg3[%squeeze3A_83, %dma_start3A_87] : memref<1000000x64xf32, #tpu.memory_space<hbm>> -> memref<1x64xf32, #tpu.memory_space<hbm>>
    %dma_start3A_89 = arith.constant 198 : i32
    %dma_start3A_90 = arith.constant 0 : i32
    %dma_start3A_91 = tpu.memref_slice %arg6[%dma_start3A_89, %dma_start3A_90] : memref<200x64xf32, #tpu.memory_space<vmem>> -> memref<1x64xf32, #tpu.memory_space<vmem>>
    %dma_start3A_92 = arith.constant 0 : i32
    %dma_start3A_93 = tpu.memref_slice %arg3[%squeeze3A_83, %dma_start3A_92] : memref<1000000x64xf32, #tpu.memory_space<hbm>> -> memref<1x64xf32, #tpu.memory_space<hbm>>
    tpu.enqueue_dma source(%dma_start3A_93 : memref<1x64xf32, #tpu.memory_space<hbm>>) target(%dma_start3A_91 : memref<1x64xf32, #tpu.memory_space<vmem>>) target_semaphore(%arg9 : memref<!tpu.dma_semaphore, #tpu.memory_space<semaphore_mem>>)
    %slice3A_94 = vector.extract_strided_slice %get3A_12 {offsets = [15], sizes = [1], strides = [1]} : vector<16xi32> to vector<1xi32>
    %squeeze3A_95 = vector.extract %slice3A_94[0] : i32 from vector<1xi32>
    %dma_start3A_96 = arith.constant 199 : i32
    %dma_start3A_97 = arith.constant 0 : i32
    %dma_start3A_98 = tpu.memref_slice %arg6[%dma_start3A_96, %dma_start3A_97] : memref<200x64xf32, #tpu.memory_space<vmem>> -> memref<1x64xf32, #tpu.memory_space<vmem>>
    %dma_start3A_99 = arith.constant 0 : i32
    %dma_start3A_100 = tpu.memref_slice %arg3[%squeeze3A_95, %dma_start3A_99] : memref<1000000x64xf32, #tpu.memory_space<hbm>> -> memref<1x64xf32, #tpu.memory_space<hbm>>
    %dma_start3A_101 = arith.constant 199 : i32
    %dma_start3A_102 = arith.constant 0 : i32
    %dma_start3A_103 = tpu.memref_slice %arg6[%dma_start3A_101, %dma_start3A_102] : memref<200x64xf32, #tpu.memory_space<vmem>> -> memref<1x64xf32, #tpu.memory_space<vmem>>
    %dma_start3A_104 = arith.constant 0 : i32
    %dma_start3A_105 = tpu.memref_slice %arg3[%squeeze3A_95, %dma_start3A_104] : memref<1000000x64xf32, #tpu.memory_space<hbm>> -> memref<1x64xf32, #tpu.memory_space<hbm>>
    tpu.enqueue_dma source(%dma_start3A_105 : memref<1x64xf32, #tpu.memory_space<hbm>>) target(%dma_start3A_103 : memref<1x64xf32, #tpu.memory_space<vmem>>) target_semaphore(%arg9 : memref<!tpu.dma_semaphore, #tpu.memory_space<semaphore_mem>>)
    %scan3A_106 = arith.constant 0 : i32
    %scan3A_107 = arith.constant 0 : i32
    %scan3A_108 = arith.constant 64 : i32
    %scan3A_109 = arith.addi %scan3A_107, %scan3A_108 : i32
    %scan3A_110 = arith.constant 1 : i32
    %scan3A_111 = scf.for %scan3A_113 = %scan3A_107 to %scan3A_109 step %scan3A_110 iter_args(%scan3A_114 = %scan3A_106) -> (i32)  : i32 {
      %mul3A_115 = arith.constant 2 : i32
      %mul3A_116 = arith.muli %scan3A_113, %mul3A_115 : i32
      %add3A_117 = arith.constant 0 : i32
      %add3A_118 = arith.addi %mul3A_116, %add3A_117 : i32
      %add3A_119 = arith.constant 1 : i32
      %add3A_120 = arith.addi %add3A_118, %add3A_119 : i32
      %lt3A = arith.constant 128 : i32
      %lt3A_121 = arith.cmpi slt, %add3A_120, %lt3A : i32
      %convert_element_type3A = arith.extui %lt3A_121 : i1 to i32
      %cond3A = arith.constant 0 : i32
      %cond3A_122 = arith.cmpi ne, %convert_element_type3A, %cond3A : i32
      scf.if %cond3A_122 {
        %add3A_210 = arith.constant 1 : i32
        %add3A_211 = arith.addi %add3A_118, %add3A_210 : i32
        %scan3A_212 = arith.constant 0 : i32
        %scan3A_213 = arith.constant 0 : i32
        %scan3A_214 = arith.constant 12 : i32
        %scan3A_215 = arith.addi %scan3A_213, %scan3A_214 : i32
        %scan3A_216 = arith.constant 1 : i32
        %scan3A_217 = scf.for %scan3A_319 = %scan3A_213 to %scan3A_215 step %scan3A_216 iter_args(%scan3A_320 = %scan3A_212) -> (i32)  : i32 {
          %mul3A_321 = arith.constant 16 : i32
          %mul3A_322 = arith.muli %scan3A_319, %mul3A_321 : i32
          %get3A_323 = arith.index_cast %add3A_211 : i32 to index
          %get3A_324 = arith.index_cast %mul3A_322 : i32 to index
          %get3A_325 = tpu.vector_load %arg5[%get3A_323, %get3A_324] {strides = array<i32>} : memref<128x200xi32, #tpu.memory_space<vmem>>, vector<1x16xi32>,
          %get3A_326 = vector.shape_cast %get3A_325 : vector<1x16xi32> to vector<16xi32>
          %mul3A_327 = arith.constant 16 : i32
          %mul3A_328 = arith.muli %scan3A_319, %mul3A_327 : i32
          %add3A_329 = arith.constant 0 : i32
          %add3A_330 = arith.addi %mul3A_328, %add3A_329 : i32
          %slice3A_331 = vector.extract_strided_slice %get3A_326 {offsets = [0], sizes = [1], strides = [1]} : vector<16xi32> to vector<1xi32>
          %squeeze3A_332 = vector.extract %slice3A_331[0] : i32 from vector<1xi32>
          %dma_start3A_333 = arith.constant 0 : i32
          %dma_start3A_334 = tpu.memref_slice %arg7[%add3A_330, %dma_start3A_333] : memref<200x64xf32, #tpu.memory_space<vmem>> -> memref<1x64xf32, #tpu.memory_space<vmem>>
          %dma_start3A_335 = arith.constant 0 : i32
          %dma_start3A_336 = tpu.memref_slice %arg3[%squeeze3A_332, %dma_start3A_335] : memref<1000000x64xf32, #tpu.memory_space<hbm>> -> memref<1x64xf32, #tpu.memory_space<hbm>>
          %dma_start3A_337 = arith.constant 0 : i32
          %dma_start3A_338 = tpu.memref_slice %arg7[%add3A_330, %dma_start3A_337] : memref<200x64xf32, #tpu.memory_space<vmem>> -> memref<1x64xf32, #tpu.memory_space<vmem>>
          %dma_start3A_339 = arith.constant 0 : i32
          %dma_start3A_340 = tpu.memref_slice %arg3[%squeeze3A_332, %dma_start3A_339] : memref<1000000x64xf32, #tpu.memory_space<hbm>> -> memref<1x64xf32, #tpu.memory_space<hbm>>
          tpu.enqueue_dma source(%dma_start3A_340 : memref<1x64xf32, #tpu.memory_space<hbm>>) target(%dma_start3A_338 : memref<1x64xf32, #tpu.memory_space<vmem>>) target_semaphore(%arg10 : memref<!tpu.dma_semaphore, #tpu.memory_space<semaphore_mem>>)
          %mul3A_341 = arith.constant 16 : i32
          %mul3A_342 = arith.muli %scan3A_319, %mul3A_341 : i32
          %add3A_343 = arith.constant 1 : i32
          %add3A_344 = arith.addi %mul3A_342, %add3A_343 : i32
          %slice3A_345 = vector.extract_strided_slice %get3A_326 {offsets = [1], sizes = [1], strides = [1]} : vector<16xi32> to vector<1xi32>
          %squeeze3A_346 = vector.extract %slice3A_345[0] : i32 from vector<1xi32>
          %dma_start3A_347 = arith.constant 0 : i32
          %dma_start3A_348 = tpu.memref_slice %arg7[%add3A_344, %dma_start3A_347] : memref<200x64xf32, #tpu.memory_space<vmem>> -> memref<1x64xf32, #tpu.memory_space<vmem>>
          %dma_start3A_349 = arith.constant 0 : i32
          %dma_start3A_350 = tpu.memref_slice %arg3[%squeeze3A_346, %dma_start3A_349] : memref<1000000x64xf32, #tpu.memory_space<hbm>> -> memref<1x64xf32, #tpu.memory_space<hbm>>
          %dma_start3A_351 = arith.constant 0 : i32
          %dma_start3A_352 = tpu.memref_slice %arg7[%add3A_344, %dma_start3A_351] : memref<200x64xf32, #tpu.memory_space<vmem>> -> memref<1x64xf32, #tpu.memory_space<vmem>>
          %dma_start3A_353 = arith.constant 0 : i32
          %dma_start3A_354 = tpu.memref_slice %arg3[%squeeze3A_346, %dma_start3A_353] : memref<1000000x64xf32, #tpu.memory_space<hbm>> -> memref<1x64xf32, #tpu.memory_space<hbm>>
          tpu.enqueue_dma source(%dma_start3A_354 : memref<1x64xf32, #tpu.memory_space<hbm>>) target(%dma_start3A_352 : memref<1x64xf32, #tpu.memory_space<vmem>>) target_semaphore(%arg10 : memref<!tpu.dma_semaphore, #tpu.memory_space<semaphore_mem>>)
          %mul3A_355 = arith.constant 16 : i32
          %mul3A_356 = arith.muli %scan3A_319, %mul3A_355 : i32
          %add3A_357 = arith.constant 2 : i32
          %add3A_358 = arith.addi %mul3A_356, %add3A_357 : i32
          %slice3A_359 = vector.extract_strided_slice %get3A_326 {offsets = [2], sizes = [1], strides = [1]} : vector<16xi32> to vector<1xi32>
          %squeeze3A_360 = vector.extract %slice3A_359[0] : i32 from vector<1xi32>
          %dma_start3A_361 = arith.constant 0 : i32
          %dma_start3A_362 = tpu.memref_slice %arg7[%add3A_358, %dma_start3A_361] : memref<200x64xf32, #tpu.memory_space<vmem>> -> memref<1x64xf32, #tpu.memory_space<vmem>>
          %dma_start3A_363 = arith.constant 0 : i32
          %dma_start3A_364 = tpu.memref_slice %arg3[%squeeze3A_360, %dma_start3A_363] : memref<1000000x64xf32, #tpu.memory_space<hbm>> -> memref<1x64xf32, #tpu.memory_space<hbm>>
          %dma_start3A_365 = arith.constant 0 : i32
          %dma_start3A_366 = tpu.memref_slice %arg7[%add3A_358, %dma_start3A_365] : memref<200x64xf32, #tpu.memory_space<vmem>> -> memref<1x64xf32, #tpu.memory_space<vmem>>
          %dma_start3A_367 = arith.constant 0 : i32
          %dma_start3A_368 = tpu.memref_slice %arg3[%squeeze3A_360, %dma_start3A_367] : memref<1000000x64xf32, #tpu.memory_space<hbm>> -> memref<1x64xf32, #tpu.memory_space<hbm>>
          tpu.enqueue_dma source(%dma_start3A_368 : memref<1x64xf32, #tpu.memory_space<hbm>>) target(%dma_start3A_366 : memref<1x64xf32, #tpu.memory_space<vmem>>) target_semaphore(%arg10 : memref<!tpu.dma_semaphore, #tpu.memory_space<semaphore_mem>>)
          %mul3A_369 = arith.constant 16 : i32
          %mul3A_370 = arith.muli %scan3A_319, %mul3A_369 : i32
          %add3A_371 = arith.constant 3 : i32
          %add3A_372 = arith.addi %mul3A_370, %add3A_371 : i32
          %slice3A_373 = vector.extract_strided_slice %get3A_326 {offsets = [3], sizes = [1], strides = [1]} : vector<16xi32> to vector<1xi32>
          %squeeze3A_374 = vector.extract %slice3A_373[0] : i32 from vector<1xi32>
          %dma_start3A_375 = arith.constant 0 : i32
          %dma_start3A_376 = tpu.memref_slice %arg7[%add3A_372, %dma_start3A_375] : memref<200x64xf32, #tpu.memory_space<vmem>> -> memref<1x64xf32, #tpu.memory_space<vmem>>
          %dma_start3A_377 = arith.constant 0 : i32
          %dma_start3A_378 = tpu.memref_slice %arg3[%squeeze3A_374, %dma_start3A_377] : memref<1000000x64xf32, #tpu.memory_space<hbm>> -> memref<1x64xf32, #tpu.memory_space<hbm>>
          %dma_start3A_379 = arith.constant 0 : i32
          %dma_start3A_380 = tpu.memref_slice %arg7[%add3A_372, %dma_start3A_379] : memref<200x64xf32, #tpu.memory_space<vmem>> -> memref<1x64xf32, #tpu.memory_space<vmem>>
          %dma_start3A_381 = arith.constant 0 : i32
          %dma_start3A_382 = tpu.memref_slice %arg3[%squeeze3A_374, %dma_start3A_381] : memref<1000000x64xf32, #tpu.memory_space<hbm>> -> memref<1x64xf32, #tpu.memory_space<hbm>>
          tpu.enqueue_dma source(%dma_start3A_382 : memref<1x64xf32, #tpu.memory_space<hbm>>) target(%dma_start3A_380 : memref<1x64xf32, #tpu.memory_space<vmem>>) target_semaphore(%arg10 : memref<!tpu.dma_semaphore, #tpu.memory_space<semaphore_mem>>)
          %mul3A_383 = arith.constant 16 : i32
          %mul3A_384 = arith.muli %scan3A_319, %mul3A_383 : i32
          %add3A_385 = arith.constant 4 : i32
          %add3A_386 = arith.addi %mul3A_384, %add3A_385 : i32
          %slice3A_387 = vector.extract_strided_slice %get3A_326 {offsets = [4], sizes = [1], strides = [1]} : vector<16xi32> to vector<1xi32>
          %squeeze3A_388 = vector.extract %slice3A_387[0] : i32 from vector<1xi32>
          %dma_start3A_389 = arith.constant 0 : i32
          %dma_start3A_390 = tpu.memref_slice %arg7[%add3A_386, %dma_start3A_389] : memref<200x64xf32, #tpu.memory_space<vmem>> -> memref<1x64xf32, #tpu.memory_space<vmem>>
          %dma_start3A_391 = arith.constant 0 : i32
          %dma_start3A_392 = tpu.memref_slice %arg3[%squeeze3A_388, %dma_start3A_391] : memref<1000000x64xf32, #tpu.memory_space<hbm>> -> memref<1x64xf32, #tpu.memory_space<hbm>>
          %dma_start3A_393 = arith.constant 0 : i32
          %dma_start3A_394 = tpu.memref_slice %arg7[%add3A_386, %dma_start3A_393] : memref<200x64xf32, #tpu.memory_space<vmem>> -> memref<1x64xf32, #tpu.memory_space<vmem>>
          %dma_start3A_395 = arith.constant 0 : i32
          %dma_start3A_396 = tpu.memref_slice %arg3[%squeeze3A_388, %dma_start3A_395] : memref<1000000x64xf32, #tpu.memory_space<hbm>> -> memref<1x64xf32, #tpu.memory_space<hbm>>
          tpu.enqueue_dma source(%dma_start3A_396 : memref<1x64xf32, #tpu.memory_space<hbm>>) target(%dma_start3A_394 : memref<1x64xf32, #tpu.memory_space<vmem>>) target_semaphore(%arg10 : memref<!tpu.dma_semaphore, #tpu.memory_space<semaphore_mem>>)
          %mul3A_397 = arith.constant 16 : i32
          %mul3A_398 = arith.muli %scan3A_319, %mul3A_397 : i32
          %add3A_399 = arith.constant 5 : i32
          %add3A_400 = arith.addi %mul3A_398, %add3A_399 : i32
          %slice3A_401 = vector.extract_strided_slice %get3A_326 {offsets = [5], sizes = [1], strides = [1]} : vector<16xi32> to vector<1xi32>
          %squeeze3A_402 = vector.extract %slice3A_401[0] : i32 from vector<1xi32>
          %dma_start3A_403 = arith.constant 0 : i32
          %dma_start3A_404 = tpu.memref_slice %arg7[%add3A_400, %dma_start3A_403] : memref<200x64xf32, #tpu.memory_space<vmem>> -> memref<1x64xf32, #tpu.memory_space<vmem>>
          %dma_start3A_405 = arith.constant 0 : i32
          %dma_start3A_406 = tpu.memref_slice %arg3[%squeeze3A_402, %dma_start3A_405] : memref<1000000x64xf32, #tpu.memory_space<hbm>> -> memref<1x64xf32, #tpu.memory_space<hbm>>
          %dma_start3A_407 = arith.constant 0 : i32
          %dma_start3A_408 = tpu.memref_slice %arg7[%add3A_400, %dma_start3A_407] : memref<200x64xf32, #tpu.memory_space<vmem>> -> memref<1x64xf32, #tpu.memory_space<vmem>>
          %dma_start3A_409 = arith.constant 0 : i32
          %dma_start3A_410 = tpu.memref_slice %arg3[%squeeze3A_402, %dma_start3A_409] : memref<1000000x64xf32, #tpu.memory_space<hbm>> -> memref<1x64xf32, #tpu.memory_space<hbm>>
          tpu.enqueue_dma source(%dma_start3A_410 : memref<1x64xf32, #tpu.memory_space<hbm>>) target(%dma_start3A_408 : memref<1x64xf32, #tpu.memory_space<vmem>>) target_semaphore(%arg10 : memref<!tpu.dma_semaphore, #tpu.memory_space<semaphore_mem>>)
          %mul3A_411 = arith.constant 16 : i32
          %mul3A_412 = arith.muli %scan3A_319, %mul3A_411 : i32
          %add3A_413 = arith.constant 6 : i32
          %add3A_414 = arith.addi %mul3A_412, %add3A_413 : i32
          %slice3A_415 = vector.extract_strided_slice %get3A_326 {offsets = [6], sizes = [1], strides = [1]} : vector<16xi32> to vector<1xi32>
          %squeeze3A_416 = vector.extract %slice3A_415[0] : i32 from vector<1xi32>
          %dma_start3A_417 = arith.constant 0 : i32
          %dma_start3A_418 = tpu.memref_slice %arg7[%add3A_414, %dma_start3A_417] : memref<200x64xf32, #tpu.memory_space<vmem>> -> memref<1x64xf32, #tpu.memory_space<vmem>>
          %dma_start3A_419 = arith.constant 0 : i32
          %dma_start3A_420 = tpu.memref_slice %arg3[%squeeze3A_416, %dma_start3A_419] : memref<1000000x64xf32, #tpu.memory_space<hbm>> -> memref<1x64xf32, #tpu.memory_space<hbm>>
          %dma_start3A_421 = arith.constant 0 : i32
          %dma_start3A_422 = tpu.memref_slice %arg7[%add3A_414, %dma_start3A_421] : memref<200x64xf32, #tpu.memory_space<vmem>> -> memref<1x64xf32, #tpu.memory_space<vmem>>
          %dma_start3A_423 = arith.constant 0 : i32
          %dma_start3A_424 = tpu.memref_slice %arg3[%squeeze3A_416, %dma_start3A_423] : memref<1000000x64xf32, #tpu.memory_space<hbm>> -> memref<1x64xf32, #tpu.memory_space<hbm>>
          tpu.enqueue_dma source(%dma_start3A_424 : memref<1x64xf32, #tpu.memory_space<hbm>>) target(%dma_start3A_422 : memref<1x64xf32, #tpu.memory_space<vmem>>) target_semaphore(%arg10 : memref<!tpu.dma_semaphore, #tpu.memory_space<semaphore_mem>>)
          %mul3A_425 = arith.constant 16 : i32
          %mul3A_426 = arith.muli %scan3A_319, %mul3A_425 : i32
          %add3A_427 = arith.constant 7 : i32
          %add3A_428 = arith.addi %mul3A_426, %add3A_427 : i32
          %slice3A_429 = vector.extract_strided_slice %get3A_326 {offsets = [7], sizes = [1], strides = [1]} : vector<16xi32> to vector<1xi32>
          %squeeze3A_430 = vector.extract %slice3A_429[0] : i32 from vector<1xi32>
          %dma_start3A_431 = arith.constant 0 : i32
          %dma_start3A_432 = tpu.memref_slice %arg7[%add3A_428, %dma_start3A_431] : memref<200x64xf32, #tpu.memory_space<vmem>> -> memref<1x64xf32, #tpu.memory_space<vmem>>
          %dma_start3A_433 = arith.constant 0 : i32
          %dma_start3A_434 = tpu.memref_slice %arg3[%squeeze3A_430, %dma_start3A_433] : memref<1000000x64xf32, #tpu.memory_space<hbm>> -> memref<1x64xf32, #tpu.memory_space<hbm>>
          %dma_start3A_435 = arith.constant 0 : i32
          %dma_start3A_436 = tpu.memref_slice %arg7[%add3A_428, %dma_start3A_435] : memref<200x64xf32, #tpu.memory_space<vmem>> -> memref<1x64xf32, #tpu.memory_space<vmem>>
          %dma_start3A_437 = arith.constant 0 : i32
          %dma_start3A_438 = tpu.memref_slice %arg3[%squeeze3A_430, %dma_start3A_437] : memref<1000000x64xf32, #tpu.memory_space<hbm>> -> memref<1x64xf32, #tpu.memory_space<hbm>>
          tpu.enqueue_dma source(%dma_start3A_438 : memref<1x64xf32, #tpu.memory_space<hbm>>) target(%dma_start3A_436 : memref<1x64xf32, #tpu.memory_space<vmem>>) target_semaphore(%arg10 : memref<!tpu.dma_semaphore, #tpu.memory_space<semaphore_mem>>)
          %mul3A_439 = arith.constant 16 : i32
          %mul3A_440 = arith.muli %scan3A_319, %mul3A_439 : i32
          %add3A_441 = arith.constant 8 : i32
          %add3A_442 = arith.addi %mul3A_440, %add3A_441 : i32
          %slice3A_443 = vector.extract_strided_slice %get3A_326 {offsets = [8], sizes = [1], strides = [1]} : vector<16xi32> to vector<1xi32>
          %squeeze3A_444 = vector.extract %slice3A_443[0] : i32 from vector<1xi32>
          %dma_start3A_445 = arith.constant 0 : i32
          %dma_start3A_446 = tpu.memref_slice %arg7[%add3A_442, %dma_start3A_445] : memref<200x64xf32, #tpu.memory_space<vmem>> -> memref<1x64xf32, #tpu.memory_space<vmem>>
          %dma_start3A_447 = arith.constant 0 : i32
          %dma_start3A_448 = tpu.memref_slice %arg3[%squeeze3A_444, %dma_start3A_447] : memref<1000000x64xf32, #tpu.memory_space<hbm>> -> memref<1x64xf32, #tpu.memory_space<hbm>>
          %dma_start3A_449 = arith.constant 0 : i32
          %dma_start3A_450 = tpu.memref_slice %arg7[%add3A_442, %dma_start3A_449] : memref<200x64xf32, #tpu.memory_space<vmem>> -> memref<1x64xf32, #tpu.memory_space<vmem>>
          %dma_start3A_451 = arith.constant 0 : i32
          %dma_start3A_452 = tpu.memref_slice %arg3[%squeeze3A_444, %dma_start3A_451] : memref<1000000x64xf32, #tpu.memory_space<hbm>> -> memref<1x64xf32, #tpu.memory_space<hbm>>
          tpu.enqueue_dma source(%dma_start3A_452 : memref<1x64xf32, #tpu.memory_space<hbm>>) target(%dma_start3A_450 : memref<1x64xf32, #tpu.memory_space<vmem>>) target_semaphore(%arg10 : memref<!tpu.dma_semaphore, #tpu.memory_space<semaphore_mem>>)
          %mul3A_453 = arith.constant 16 : i32
          %mul3A_454 = arith.muli %scan3A_319, %mul3A_453 : i32
          %add3A_455 = arith.constant 9 : i32
          %add3A_456 = arith.addi %mul3A_454, %add3A_455 : i32
          %slice3A_457 = vector.extract_strided_slice %get3A_326 {offsets = [9], sizes = [1], strides = [1]} : vector<16xi32> to vector<1xi32>
          %squeeze3A_458 = vector.extract %slice3A_457[0] : i32 from vector<1xi32>
          %dma_start3A_459 = arith.constant 0 : i32
          %dma_start3A_460 = tpu.memref_slice %arg7[%add3A_456, %dma_start3A_459] : memref<200x64xf32, #tpu.memory_space<vmem>> -> memref<1x64xf32, #tpu.memory_space<vmem>>
          %dma_start3A_461 = arith.constant 0 : i32
          %dma_start3A_462 = tpu.memref_slice %arg3[%squeeze3A_458, %dma_start3A_461] : memref<1000000x64xf32, #tpu.memory_space<hbm>> -> memref<1x64xf32, #tpu.memory_space<hbm>>
          %dma_start3A_463 = arith.constant 0 : i32
          %dma_start3A_464 = tpu.memref_slice %arg7[%add3A_456, %dma_start3A_463] : memref<200x64xf32, #tpu.memory_space<vmem>> -> memref<1x64xf32, #tpu.memory_space<vmem>>
          %dma_start3A_465 = arith.constant 0 : i32
          %dma_start3A_466 = tpu.memref_slice %arg3[%squeeze3A_458, %dma_start3A_465] : memref<1000000x64xf32, #tpu.memory_space<hbm>> -> memref<1x64xf32, #tpu.memory_space<hbm>>
          tpu.enqueue_dma source(%dma_start3A_466 : memref<1x64xf32, #tpu.memory_space<hbm>>) target(%dma_start3A_464 : memref<1x64xf32, #tpu.memory_space<vmem>>) target_semaphore(%arg10 : memref<!tpu.dma_semaphore, #tpu.memory_space<semaphore_mem>>)
          %mul3A_467 = arith.constant 16 : i32
          %mul3A_468 = arith.muli %scan3A_319, %mul3A_467 : i32
          %add3A_469 = arith.constant 10 : i32
          %add3A_470 = arith.addi %mul3A_468, %add3A_469 : i32
          %slice3A_471 = vector.extract_strided_slice %get3A_326 {offsets = [10], sizes = [1], strides = [1]} : vector<16xi32> to vector<1xi32>
          %squeeze3A_472 = vector.extract %slice3A_471[0] : i32 from vector<1xi32>
          %dma_start3A_473 = arith.constant 0 : i32
          %dma_start3A_474 = tpu.memref_slice %arg7[%add3A_470, %dma_start3A_473] : memref<200x64xf32, #tpu.memory_space<vmem>> -> memref<1x64xf32, #tpu.memory_space<vmem>>
          %dma_start3A_475 = arith.constant 0 : i32
          %dma_start3A_476 = tpu.memref_slice %arg3[%squeeze3A_472, %dma_start3A_475] : memref<1000000x64xf32, #tpu.memory_space<hbm>> -> memref<1x64xf32, #tpu.memory_space<hbm>>
          %dma_start3A_477 = arith.constant 0 : i32
          %dma_start3A_478 = tpu.memref_slice %arg7[%add3A_470, %dma_start3A_477] : memref<200x64xf32, #tpu.memory_space<vmem>> -> memref<1x64xf32, #tpu.memory_space<vmem>>
          %dma_start3A_479 = arith.constant 0 : i32
          %dma_start3A_480 = tpu.memref_slice %arg3[%squeeze3A_472, %dma_start3A_479] : memref<1000000x64xf32, #tpu.memory_space<hbm>> -> memref<1x64xf32, #tpu.memory_space<hbm>>
          tpu.enqueue_dma source(%dma_start3A_480 : memref<1x64xf32, #tpu.memory_space<hbm>>) target(%dma_start3A_478 : memref<1x64xf32, #tpu.memory_space<vmem>>) target_semaphore(%arg10 : memref<!tpu.dma_semaphore, #tpu.memory_space<semaphore_mem>>)
          %mul3A_481 = arith.constant 16 : i32
          %mul3A_482 = arith.muli %scan3A_319, %mul3A_481 : i32
          %add3A_483 = arith.constant 11 : i32
          %add3A_484 = arith.addi %mul3A_482, %add3A_483 : i32
          %slice3A_485 = vector.extract_strided_slice %get3A_326 {offsets = [11], sizes = [1], strides = [1]} : vector<16xi32> to vector<1xi32>
          %squeeze3A_486 = vector.extract %slice3A_485[0] : i32 from vector<1xi32>
          %dma_start3A_487 = arith.constant 0 : i32
          %dma_start3A_488 = tpu.memref_slice %arg7[%add3A_484, %dma_start3A_487] : memref<200x64xf32, #tpu.memory_space<vmem>> -> memref<1x64xf32, #tpu.memory_space<vmem>>
          %dma_start3A_489 = arith.constant 0 : i32
          %dma_start3A_490 = tpu.memref_slice %arg3[%squeeze3A_486, %dma_start3A_489] : memref<1000000x64xf32, #tpu.memory_space<hbm>> -> memref<1x64xf32, #tpu.memory_space<hbm>>
          %dma_start3A_491 = arith.constant 0 : i32
          %dma_start3A_492 = tpu.memref_slice %arg7[%add3A_484, %dma_start3A_491] : memref<200x64xf32, #tpu.memory_space<vmem>> -> memref<1x64xf32, #tpu.memory_space<vmem>>
          %dma_start3A_493 = arith.constant 0 : i32
          %dma_start3A_494 = tpu.memref_slice %arg3[%squeeze3A_486, %dma_start3A_493] : memref<1000000x64xf32, #tpu.memory_space<hbm>> -> memref<1x64xf32, #tpu.memory_space<hbm>>
          tpu.enqueue_dma source(%dma_start3A_494 : memref<1x64xf32, #tpu.memory_space<hbm>>) target(%dma_start3A_492 : memref<1x64xf32, #tpu.memory_space<vmem>>) target_semaphore(%arg10 : memref<!tpu.dma_semaphore, #tpu.memory_space<semaphore_mem>>)
          %mul3A_495 = arith.constant 16 : i32
          %mul3A_496 = arith.muli %scan3A_319, %mul3A_495 : i32
          %add3A_497 = arith.constant 12 : i32
          %add3A_498 = arith.addi %mul3A_496, %add3A_497 : i32
          %slice3A_499 = vector.extract_strided_slice %get3A_326 {offsets = [12], sizes = [1], strides = [1]} : vector<16xi32> to vector<1xi32>
          %squeeze3A_500 = vector.extract %slice3A_499[0] : i32 from vector<1xi32>
          %dma_start3A_501 = arith.constant 0 : i32
          %dma_start3A_502 = tpu.memref_slice %arg7[%add3A_498, %dma_start3A_501] : memref<200x64xf32, #tpu.memory_space<vmem>> -> memref<1x64xf32, #tpu.memory_space<vmem>>
          %dma_start3A_503 = arith.constant 0 : i32
          %dma_start3A_504 = tpu.memref_slice %arg3[%squeeze3A_500, %dma_start3A_503] : memref<1000000x64xf32, #tpu.memory_space<hbm>> -> memref<1x64xf32, #tpu.memory_space<hbm>>
          %dma_start3A_505 = arith.constant 0 : i32
          %dma_start3A_506 = tpu.memref_slice %arg7[%add3A_498, %dma_start3A_505] : memref<200x64xf32, #tpu.memory_space<vmem>> -> memref<1x64xf32, #tpu.memory_space<vmem>>
          %dma_start3A_507 = arith.constant 0 : i32
          %dma_start3A_508 = tpu.memref_slice %arg3[%squeeze3A_500, %dma_start3A_507] : memref<1000000x64xf32, #tpu.memory_space<hbm>> -> memref<1x64xf32, #tpu.memory_space<hbm>>
          tpu.enqueue_dma source(%dma_start3A_508 : memref<1x64xf32, #tpu.memory_space<hbm>>) target(%dma_start3A_506 : memref<1x64xf32, #tpu.memory_space<vmem>>) target_semaphore(%arg10 : memref<!tpu.dma_semaphore, #tpu.memory_space<semaphore_mem>>)
          %mul3A_509 = arith.constant 16 : i32
          %mul3A_510 = arith.muli %scan3A_319, %mul3A_509 : i32
          %add3A_511 = arith.constant 13 : i32
          %add3A_512 = arith.addi %mul3A_510, %add3A_511 : i32
          %slice3A_513 = vector.extract_strided_slice %get3A_326 {offsets = [13], sizes = [1], strides = [1]} : vector<16xi32> to vector<1xi32>
          %squeeze3A_514 = vector.extract %slice3A_513[0] : i32 from vector<1xi32>
          %dma_start3A_515 = arith.constant 0 : i32
          %dma_start3A_516 = tpu.memref_slice %arg7[%add3A_512, %dma_start3A_515] : memref<200x64xf32, #tpu.memory_space<vmem>> -> memref<1x64xf32, #tpu.memory_space<vmem>>
          %dma_start3A_517 = arith.constant 0 : i32
          %dma_start3A_518 = tpu.memref_slice %arg3[%squeeze3A_514, %dma_start3A_517] : memref<1000000x64xf32, #tpu.memory_space<hbm>> -> memref<1x64xf32, #tpu.memory_space<hbm>>
          %dma_start3A_519 = arith.constant 0 : i32
          %dma_start3A_520 = tpu.memref_slice %arg7[%add3A_512, %dma_start3A_519] : memref<200x64xf32, #tpu.memory_space<vmem>> -> memref<1x64xf32, #tpu.memory_space<vmem>>
          %dma_start3A_521 = arith.constant 0 : i32
          %dma_start3A_522 = tpu.memref_slice %arg3[%squeeze3A_514, %dma_start3A_521] : memref<1000000x64xf32, #tpu.memory_space<hbm>> -> memref<1x64xf32, #tpu.memory_space<hbm>>
          tpu.enqueue_dma source(%dma_start3A_522 : memref<1x64xf32, #tpu.memory_space<hbm>>) target(%dma_start3A_520 : memref<1x64xf32, #tpu.memory_space<vmem>>) target_semaphore(%arg10 : memref<!tpu.dma_semaphore, #tpu.memory_space<semaphore_mem>>)
          %mul3A_523 = arith.constant 16 : i32
          %mul3A_524 = arith.muli %scan3A_319, %mul3A_523 : i32
          %add3A_525 = arith.constant 14 : i32
          %add3A_526 = arith.addi %mul3A_524, %add3A_525 : i32
          %slice3A_527 = vector.extract_strided_slice %get3A_326 {offsets = [14], sizes = [1], strides = [1]} : vector<16xi32> to vector<1xi32>
          %squeeze3A_528 = vector.extract %slice3A_527[0] : i32 from vector<1xi32>
          %dma_start3A_529 = arith.constant 0 : i32
          %dma_start3A_530 = tpu.memref_slice %arg7[%add3A_526, %dma_start3A_529] : memref<200x64xf32, #tpu.memory_space<vmem>> -> memref<1x64xf32, #tpu.memory_space<vmem>>
          %dma_start3A_531 = arith.constant 0 : i32
          %dma_start3A_532 = tpu.memref_slice %arg3[%squeeze3A_528, %dma_start3A_531] : memref<1000000x64xf32, #tpu.memory_space<hbm>> -> memref<1x64xf32, #tpu.memory_space<hbm>>
          %dma_start3A_533 = arith.constant 0 : i32
          %dma_start3A_534 = tpu.memref_slice %arg7[%add3A_526, %dma_start3A_533] : memref<200x64xf32, #tpu.memory_space<vmem>> -> memref<1x64xf32, #tpu.memory_space<vmem>>
          %dma_start3A_535 = arith.constant 0 : i32
          %dma_start3A_536 = tpu.memref_slice %arg3[%squeeze3A_528, %dma_start3A_535] : memref<1000000x64xf32, #tpu.memory_space<hbm>> -> memref<1x64xf32, #tpu.memory_space<hbm>>
          tpu.enqueue_dma source(%dma_start3A_536 : memref<1x64xf32, #tpu.memory_space<hbm>>) target(%dma_start3A_534 : memref<1x64xf32, #tpu.memory_space<vmem>>) target_semaphore(%arg10 : memref<!tpu.dma_semaphore, #tpu.memory_space<semaphore_mem>>)
          %mul3A_537 = arith.constant 16 : i32
          %mul3A_538 = arith.muli %scan3A_319, %mul3A_537 : i32
          %add3A_539 = arith.constant 15 : i32
          %add3A_540 = arith.addi %mul3A_538, %add3A_539 : i32
          %slice3A_541 = vector.extract_strided_slice %get3A_326 {offsets = [15], sizes = [1], strides = [1]} : vector<16xi32> to vector<1xi32>
          %squeeze3A_542 = vector.extract %slice3A_541[0] : i32 from vector<1xi32>
          %dma_start3A_543 = arith.constant 0 : i32
          %dma_start3A_544 = tpu.memref_slice %arg7[%add3A_540, %dma_start3A_543] : memref<200x64xf32, #tpu.memory_space<vmem>> -> memref<1x64xf32, #tpu.memory_space<vmem>>
          %dma_start3A_545 = arith.constant 0 : i32
          %dma_start3A_546 = tpu.memref_slice %arg3[%squeeze3A_542, %dma_start3A_545] : memref<1000000x64xf32, #tpu.memory_space<hbm>> -> memref<1x64xf32, #tpu.memory_space<hbm>>
          %dma_start3A_547 = arith.constant 0 : i32
          %dma_start3A_548 = tpu.memref_slice %arg7[%add3A_540, %dma_start3A_547] : memref<200x64xf32, #tpu.memory_space<vmem>> -> memref<1x64xf32, #tpu.memory_space<vmem>>
          %dma_start3A_549 = arith.constant 0 : i32
          %dma_start3A_550 = tpu.memref_slice %arg3[%squeeze3A_542, %dma_start3A_549] : memref<1000000x64xf32, #tpu.memory_space<hbm>> -> memref<1x64xf32, #tpu.memory_space<hbm>>
          tpu.enqueue_dma source(%dma_start3A_550 : memref<1x64xf32, #tpu.memory_space<hbm>>) target(%dma_start3A_548 : memref<1x64xf32, #tpu.memory_space<vmem>>) target_semaphore(%arg10 : memref<!tpu.dma_semaphore, #tpu.memory_space<semaphore_mem>>)
          %scan3A_551 = arith.constant 0 : i32
          scf.yield %scan3A_551 : i32
        }
        %scan3A_218 = arith.constant 12 : i32
        %get3A_219 = arith.index_cast %add3A_211 : i32 to index
        %get3A_220 = arith.constant 184 : index
        %get3A_221 = tpu.vector_load %arg5[%get3A_219, %get3A_220] {strides = array<i32>} : memref<128x200xi32, #tpu.memory_space<vmem>>, vector<1x16xi32>,
        %get3A_222 = vector.shape_cast %get3A_221 : vector<1x16xi32> to vector<16xi32>
        %slice3A_223 = vector.extract_strided_slice %get3A_222 {offsets = [8], sizes = [1], strides = [1]} : vector<16xi32> to vector<1xi32>
        %squeeze3A_224 = vector.extract %slice3A_223[0] : i32 from vector<1xi32>
        %dma_start3A_225 = arith.constant 192 : i32
        %dma_start3A_226 = arith.constant 0 : i32
        %dma_start3A_227 = tpu.memref_slice %arg7[%dma_start3A_225, %dma_start3A_226] : memref<200x64xf32, #tpu.memory_space<vmem>> -> memref<1x64xf32, #tpu.memory_space<vmem>>
        %dma_start3A_228 = arith.constant 0 : i32
        %dma_start3A_229 = tpu.memref_slice %arg3[%squeeze3A_224, %dma_start3A_228] : memref<1000000x64xf32, #tpu.memory_space<hbm>> -> memref<1x64xf32, #tpu.memory_space<hbm>>
        %dma_start3A_230 = arith.constant 192 : i32
        %dma_start3A_231 = arith.constant 0 : i32
        %dma_start3A_232 = tpu.memref_slice %arg7[%dma_start3A_230, %dma_start3A_231] : memref<200x64xf32, #tpu.memory_space<vmem>> -> memref<1x64xf32, #tpu.memory_space<vmem>>
        %dma_start3A_233 = arith.constant 0 : i32
        %dma_start3A_234 = tpu.memref_slice %arg3[%squeeze3A_224, %dma_start3A_233] : memref<1000000x64xf32, #tpu.memory_space<hbm>> -> memref<1x64xf32, #tpu.memory_space<hbm>>
        tpu.enqueue_dma source(%dma_start3A_234 : memref<1x64xf32, #tpu.memory_space<hbm>>) target(%dma_start3A_232 : memref<1x64xf32, #tpu.memory_space<vmem>>) target_semaphore(%arg10 : memref<!tpu.dma_semaphore, #tpu.memory_space<semaphore_mem>>)
        %slice3A_235 = vector.extract_strided_slice %get3A_222 {offsets = [9], sizes = [1], strides = [1]} : vector<16xi32> to vector<1xi32>
        %squeeze3A_236 = vector.extract %slice3A_235[0] : i32 from vector<1xi32>
        %dma_start3A_237 = arith.constant 193 : i32
        %dma_start3A_238 = arith.constant 0 : i32
        %dma_start3A_239 = tpu.memref_slice %arg7[%dma_start3A_237, %dma_start3A_238] : memref<200x64xf32, #tpu.memory_space<vmem>> -> memref<1x64xf32, #tpu.memory_space<vmem>>
        %dma_start3A_240 = arith.constant 0 : i32
        %dma_start3A_241 = tpu.memref_slice %arg3[%squeeze3A_236, %dma_start3A_240] : memref<1000000x64xf32, #tpu.memory_space<hbm>> -> memref<1x64xf32, #tpu.memory_space<hbm>>
        %dma_start3A_242 = arith.constant 193 : i32
        %dma_start3A_243 = arith.constant 0 : i32
        %dma_start3A_244 = tpu.memref_slice %arg7[%dma_start3A_242, %dma_start3A_243] : memref<200x64xf32, #tpu.memory_space<vmem>> -> memref<1x64xf32, #tpu.memory_space<vmem>>
        %dma_start3A_245 = arith.constant 0 : i32
        %dma_start3A_246 = tpu.memref_slice %arg3[%squeeze3A_236, %dma_start3A_245] : memref<1000000x64xf32, #tpu.memory_space<hbm>> -> memref<1x64xf32, #tpu.memory_space<hbm>>
        tpu.enqueue_dma source(%dma_start3A_246 : memref<1x64xf32, #tpu.memory_space<hbm>>) target(%dma_start3A_244 : memref<1x64xf32, #tpu.memory_space<vmem>>) target_semaphore(%arg10 : memref<!tpu.dma_semaphore, #tpu.memory_space<semaphore_mem>>)
        %slice3A_247 = vector.extract_strided_slice %get3A_222 {offsets = [10], sizes = [1], strides = [1]} : vector<16xi32> to vector<1xi32>
        %squeeze3A_248 = vector.extract %slice3A_247[0] : i32 from vector<1xi32>
        %dma_start3A_249 = arith.constant 194 : i32
        %dma_start3A_250 = arith.constant 0 : i32
        %dma_start3A_251 = tpu.memref_slice %arg7[%dma_start3A_249, %dma_start3A_250] : memref<200x64xf32, #tpu.memory_space<vmem>> -> memref<1x64xf32, #tpu.memory_space<vmem>>
        %dma_start3A_252 = arith.constant 0 : i32
        %dma_start3A_253 = tpu.memref_slice %arg3[%squeeze3A_248, %dma_start3A_252] : memref<1000000x64xf32, #tpu.memory_space<hbm>> -> memref<1x64xf32, #tpu.memory_space<hbm>>
        %dma_start3A_254 = arith.constant 194 : i32
        %dma_start3A_255 = arith.constant 0 : i32
        %dma_start3A_256 = tpu.memref_slice %arg7[%dma_start3A_254, %dma_start3A_255] : memref<200x64xf32, #tpu.memory_space<vmem>> -> memref<1x64xf32, #tpu.memory_space<vmem>>
        %dma_start3A_257 = arith.constant 0 : i32
        %dma_start3A_258 = tpu.memref_slice %arg3[%squeeze3A_248, %dma_start3A_257] : memref<1000000x64xf32, #tpu.memory_space<hbm>> -> memref<1x64xf32, #tpu.memory_space<hbm>>
        tpu.enqueue_dma source(%dma_start3A_258 : memref<1x64xf32, #tpu.memory_space<hbm>>) target(%dma_start3A_256 : memref<1x64xf32, #tpu.memory_space<vmem>>) target_semaphore(%arg10 : memref<!tpu.dma_semaphore, #tpu.memory_space<semaphore_mem>>)
        %slice3A_259 = vector.extract_strided_slice %get3A_222 {offsets = [11], sizes = [1], strides = [1]} : vector<16xi32> to vector<1xi32>
        %squeeze3A_260 = vector.extract %slice3A_259[0] : i32 from vector<1xi32>
        %dma_start3A_261 = arith.constant 195 : i32
        %dma_start3A_262 = arith.constant 0 : i32
        %dma_start3A_263 = tpu.memref_slice %arg7[%dma_start3A_261, %dma_start3A_262] : memref<200x64xf32, #tpu.memory_space<vmem>> -> memref<1x64xf32, #tpu.memory_space<vmem>>
        %dma_start3A_264 = arith.constant 0 : i32
        %dma_start3A_265 = tpu.memref_slice %arg3[%squeeze3A_260, %dma_start3A_264] : memref<1000000x64xf32, #tpu.memory_space<hbm>> -> memref<1x64xf32, #tpu.memory_space<hbm>>
        %dma_start3A_266 = arith.constant 195 : i32
        %dma_start3A_267 = arith.constant 0 : i32
        %dma_start3A_268 = tpu.memref_slice %arg7[%dma_start3A_266, %dma_start3A_267] : memref<200x64xf32, #tpu.memory_space<vmem>> -> memref<1x64xf32, #tpu.memory_space<vmem>>
        %dma_start3A_269 = arith.constant 0 : i32
        %dma_start3A_270 = tpu.memref_slice %arg3[%squeeze3A_260, %dma_start3A_269] : memref<1000000x64xf32, #tpu.memory_space<hbm>> -> memref<1x64xf32, #tpu.memory_space<hbm>>
        tpu.enqueue_dma source(%dma_start3A_270 : memref<1x64xf32, #tpu.memory_space<hbm>>) target(%dma_start3A_268 : memref<1x64xf32, #tpu.memory_space<vmem>>) target_semaphore(%arg10 : memref<!tpu.dma_semaphore, #tpu.memory_space<semaphore_mem>>)
        %slice3A_271 = vector.extract_strided_slice %get3A_222 {offsets = [12], sizes = [1], strides = [1]} : vector<16xi32> to vector<1xi32>
        %squeeze3A_272 = vector.extract %slice3A_271[0] : i32 from vector<1xi32>
        %dma_start3A_273 = arith.constant 196 : i32
        %dma_start3A_274 = arith.constant 0 : i32
        %dma_start3A_275 = tpu.memref_slice %arg7[%dma_start3A_273, %dma_start3A_274] : memref<200x64xf32, #tpu.memory_space<vmem>> -> memref<1x64xf32, #tpu.memory_space<vmem>>
        %dma_start3A_276 = arith.constant 0 : i32
        %dma_start3A_277 = tpu.memref_slice %arg3[%squeeze3A_272, %dma_start3A_276] : memref<1000000x64xf32, #tpu.memory_space<hbm>> -> memref<1x64xf32, #tpu.memory_space<hbm>>
        %dma_start3A_278 = arith.constant 196 : i32
        %dma_start3A_279 = arith.constant 0 : i32
        %dma_start3A_280 = tpu.memref_slice %arg7[%dma_start3A_278, %dma_start3A_279] : memref<200x64xf32, #tpu.memory_space<vmem>> -> memref<1x64xf32, #tpu.memory_space<vmem>>
        %dma_start3A_281 = arith.constant 0 : i32
        %dma_start3A_282 = tpu.memref_slice %arg3[%squeeze3A_272, %dma_start3A_281] : memref<1000000x64xf32, #tpu.memory_space<hbm>> -> memref<1x64xf32, #tpu.memory_space<hbm>>
        tpu.enqueue_dma source(%dma_start3A_282 : memref<1x64xf32, #tpu.memory_space<hbm>>) target(%dma_start3A_280 : memref<1x64xf32, #tpu.memory_space<vmem>>) target_semaphore(%arg10 : memref<!tpu.dma_semaphore, #tpu.memory_space<semaphore_mem>>)
        %slice3A_283 = vector.extract_strided_slice %get3A_222 {offsets = [13], sizes = [1], strides = [1]} : vector<16xi32> to vector<1xi32>
        %squeeze3A_284 = vector.extract %slice3A_283[0] : i32 from vector<1xi32>
        %dma_start3A_285 = arith.constant 197 : i32
        %dma_start3A_286 = arith.constant 0 : i32
        %dma_start3A_287 = tpu.memref_slice %arg7[%dma_start3A_285, %dma_start3A_286] : memref<200x64xf32, #tpu.memory_space<vmem>> -> memref<1x64xf32, #tpu.memory_space<vmem>>
        %dma_start3A_288 = arith.constant 0 : i32
        %dma_start3A_289 = tpu.memref_slice %arg3[%squeeze3A_284, %dma_start3A_288] : memref<1000000x64xf32, #tpu.memory_space<hbm>> -> memref<1x64xf32, #tpu.memory_space<hbm>>
        %dma_start3A_290 = arith.constant 197 : i32
        %dma_start3A_291 = arith.constant 0 : i32
        %dma_start3A_292 = tpu.memref_slice %arg7[%dma_start3A_290, %dma_start3A_291] : memref<200x64xf32, #tpu.memory_space<vmem>> -> memref<1x64xf32, #tpu.memory_space<vmem>>
        %dma_start3A_293 = arith.constant 0 : i32
        %dma_start3A_294 = tpu.memref_slice %arg3[%squeeze3A_284, %dma_start3A_293] : memref<1000000x64xf32, #tpu.memory_space<hbm>> -> memref<1x64xf32, #tpu.memory_space<hbm>>
        tpu.enqueue_dma source(%dma_start3A_294 : memref<1x64xf32, #tpu.memory_space<hbm>>) target(%dma_start3A_292 : memref<1x64xf32, #tpu.memory_space<vmem>>) target_semaphore(%arg10 : memref<!tpu.dma_semaphore, #tpu.memory_space<semaphore_mem>>)
        %slice3A_295 = vector.extract_strided_slice %get3A_222 {offsets = [14], sizes = [1], strides = [1]} : vector<16xi32> to vector<1xi32>
        %squeeze3A_296 = vector.extract %slice3A_295[0] : i32 from vector<1xi32>
        %dma_start3A_297 = arith.constant 198 : i32
        %dma_start3A_298 = arith.constant 0 : i32
        %dma_start3A_299 = tpu.memref_slice %arg7[%dma_start3A_297, %dma_start3A_298] : memref<200x64xf32, #tpu.memory_space<vmem>> -> memref<1x64xf32, #tpu.memory_space<vmem>>
        %dma_start3A_300 = arith.constant 0 : i32
        %dma_start3A_301 = tpu.memref_slice %arg3[%squeeze3A_296, %dma_start3A_300] : memref<1000000x64xf32, #tpu.memory_space<hbm>> -> memref<1x64xf32, #tpu.memory_space<hbm>>
        %dma_start3A_302 = arith.constant 198 : i32
        %dma_start3A_303 = arith.constant 0 : i32
        %dma_start3A_304 = tpu.memref_slice %arg7[%dma_start3A_302, %dma_start3A_303] : memref<200x64xf32, #tpu.memory_space<vmem>> -> memref<1x64xf32, #tpu.memory_space<vmem>>
        %dma_start3A_305 = arith.constant 0 : i32
        %dma_start3A_306 = tpu.memref_slice %arg3[%squeeze3A_296, %dma_start3A_305] : memref<1000000x64xf32, #tpu.memory_space<hbm>> -> memref<1x64xf32, #tpu.memory_space<hbm>>
        tpu.enqueue_dma source(%dma_start3A_306 : memref<1x64xf32, #tpu.memory_space<hbm>>) target(%dma_start3A_304 : memref<1x64xf32, #tpu.memory_space<vmem>>) target_semaphore(%arg10 : memref<!tpu.dma_semaphore, #tpu.memory_space<semaphore_mem>>)
        %slice3A_307 = vector.extract_strided_slice %get3A_222 {offsets = [15], sizes = [1], strides = [1]} : vector<16xi32> to vector<1xi32>
        %squeeze3A_308 = vector.extract %slice3A_307[0] : i32 from vector<1xi32>
        %dma_start3A_309 = arith.constant 199 : i32
        %dma_start3A_310 = arith.constant 0 : i32
        %dma_start3A_311 = tpu.memref_slice %arg7[%dma_start3A_309, %dma_start3A_310] : memref<200x64xf32, #tpu.memory_space<vmem>> -> memref<1x64xf32, #tpu.memory_space<vmem>>
        %dma_start3A_312 = arith.constant 0 : i32
        %dma_start3A_313 = tpu.memref_slice %arg3[%squeeze3A_308, %dma_start3A_312] : memref<1000000x64xf32, #tpu.memory_space<hbm>> -> memref<1x64xf32, #tpu.memory_space<hbm>>
        %dma_start3A_314 = arith.constant 199 : i32
        %dma_start3A_315 = arith.constant 0 : i32
        %dma_start3A_316 = tpu.memref_slice %arg7[%dma_start3A_314, %dma_start3A_315] : memref<200x64xf32, #tpu.memory_space<vmem>> -> memref<1x64xf32, #tpu.memory_space<vmem>>
        %dma_start3A_317 = arith.constant 0 : i32
        %dma_start3A_318 = tpu.memref_slice %arg3[%squeeze3A_308, %dma_start3A_317] : memref<1000000x64xf32, #tpu.memory_space<hbm>> -> memref<1x64xf32, #tpu.memory_space<hbm>>
        tpu.enqueue_dma source(%dma_start3A_318 : memref<1x64xf32, #tpu.memory_space<hbm>>) target(%dma_start3A_316 : memref<1x64xf32, #tpu.memory_space<vmem>>) target_semaphore(%arg10 : memref<!tpu.dma_semaphore, #tpu.memory_space<semaphore_mem>>)
      } else {
      }
      %dma_wait3A = arith.constant 0 : i32
      %dma_wait3A_123 = arith.constant 0 : i32
      %dma_wait3A_124 = tpu.memref_slice %arg3[%dma_wait3A, %dma_wait3A_123] : memref<1000000x64xf32, #tpu.memory_space<hbm>> -> memref<200x64xf32, #tpu.memory_space<hbm>>
      %dma_wait3A_125 = arith.constant 0 : i32
      %dma_wait3A_126 = arith.constant 0 : i32
      %dma_wait3A_127 = tpu.memref_slice %arg3[%dma_wait3A_125, %dma_wait3A_126] : memref<1000000x64xf32, #tpu.memory_space<hbm>> -> memref<200x64xf32, #tpu.memory_space<hbm>>
      tpu.wait_dma2 semaphore(%arg9 : memref<!tpu.dma_semaphore, #tpu.memory_space<semaphore_mem>>) src(%dma_wait3A_127 : memref<200x64xf32, #tpu.memory_space<hbm>>) dst(%arg6 : memref<200x64xf32, #tpu.memory_space<vmem>>)
      %broadcast_in_dim3A = arith.constant 0.000000e+00 : f32
      %broadcast_in_dim3A_128 = vector.broadcast %broadcast_in_dim3A : f32 to vector<16xf32>
      %broadcast_in_dim3A_129 = arith.constant 0.000000e+00 : f32
      %broadcast_in_dim3A_130 = vector.broadcast %broadcast_in_dim3A_129 : f32 to vector<16xf32>
      %broadcast_in_dim3A_131 = arith.constant 0.000000e+00 : f32
      %broadcast_in_dim3A_132 = vector.broadcast %broadcast_in_dim3A_131 : f32 to vector<16xf32>
      %broadcast_in_dim3A_133 = arith.constant 0.000000e+00 : f32
      %broadcast_in_dim3A_134 = vector.broadcast %broadcast_in_dim3A_133 : f32 to vector<16xf32>
      %scan3A_135 = arith.constant 0 : i32
      %scan3A_136 = arith.constant 25 : i32
      %scan3A_137 = arith.addi %scan3A_135, %scan3A_136 : i32
      %scan3A_138 = arith.constant 1 : i32
      %scan3A_139:4 = scf.for %scan3A_210 = %scan3A_135 to %scan3A_137 step %scan3A_138 iter_args(%scan3A_211 = %broadcast_in_dim3A_128, %scan3A_212 = %broadcast_in_dim3A_130, %scan3A_213 = %broadcast_in_dim3A_132, %scan3A_214 = %broadcast_in_dim3A_134) -> (vector<16xf32>, vector<16xf32>, vector<16xf32>, vector<16xf32>)  : i32 {
        %mul3A_215 = arith.constant 8 : i32
        %mul3A_216 = arith.muli %scan3A_210, %mul3A_215 : i32
        %add3A_217 = arith.constant 0 : i32
        %add3A_218 = arith.addi %mul3A_216, %add3A_217 : i32
        %get3A_219 = arith.index_cast %add3A_218 : i32 to index
        %get3A_220 = arith.constant 0 : index
        %get3A_221 = tpu.vector_load %arg6[%get3A_219, %get3A_220] {strides = array<i32>} : memref<200x64xf32, #tpu.memory_space<vmem>>, vector<1x16xf32>,
        %get3A_222 = vector.shape_cast %get3A_221 : vector<1x16xf32> to vector<16xf32>
        %add3A_223 = arith.addf %scan3A_211, %get3A_222 : vector<16xf32>
        %get3A_224 = arith.index_cast %add3A_218 : i32 to index
        %get3A_225 = arith.constant 16 : index
        %get3A_226 = tpu.vector_load %arg6[%get3A_224, %get3A_225] {strides = array<i32>} : memref<200x64xf32, #tpu.memory_space<vmem>>, vector<1x16xf32>,
        %get3A_227 = vector.shape_cast %get3A_226 : vector<1x16xf32> to vector<16xf32>
        %add3A_228 = arith.addf %scan3A_212, %get3A_227 : vector<16xf32>
        %get3A_229 = arith.index_cast %add3A_218 : i32 to index
        %get3A_230 = arith.constant 32 : index
        %get3A_231 = tpu.vector_load %arg6[%get3A_229, %get3A_230] {strides = array<i32>} : memref<200x64xf32, #tpu.memory_space<vmem>>, vector<1x16xf32>,
        %get3A_232 = vector.shape_cast %get3A_231 : vector<1x16xf32> to vector<16xf32>
        %add3A_233 = arith.addf %scan3A_213, %get3A_232 : vector<16xf32>
        %get3A_234 = arith.index_cast %add3A_218 : i32 to index
        %get3A_235 = arith.constant 48 : index
        %get3A_236 = tpu.vector_load %arg6[%get3A_234, %get3A_235] {strides = array<i32>} : memref<200x64xf32, #tpu.memory_space<vmem>>, vector<1x16xf32>,
        %get3A_237 = vector.shape_cast %get3A_236 : vector<1x16xf32> to vector<16xf32>
        %add3A_238 = arith.addf %scan3A_214, %get3A_237 : vector<16xf32>
        %mul3A_239 = arith.constant 8 : i32
        %mul3A_240 = arith.muli %scan3A_210, %mul3A_239 : i32
        %add3A_241 = arith.constant 1 : i32
        %add3A_242 = arith.addi %mul3A_240, %add3A_241 : i32
        %get3A_243 = arith.index_cast %add3A_242 : i32 to index
        %get3A_244 = arith.constant 0 : index
        %get3A_245 = tpu.vector_load %arg6[%get3A_243, %get3A_244] {strides = array<i32>} : memref<200x64xf32, #tpu.memory_space<vmem>>, vector<1x16xf32>,
        %get3A_246 = vector.shape_cast %get3A_245 : vector<1x16xf32> to vector<16xf32>
        %add3A_247 = arith.addf %add3A_223, %get3A_246 : vector<16xf32>
        %get3A_248 = arith.index_cast %add3A_242 : i32 to index
        %get3A_249 = arith.constant 16 : index
        %get3A_250 = tpu.vector_load %arg6[%get3A_248, %get3A_249] {strides = array<i32>} : memref<200x64xf32, #tpu.memory_space<vmem>>, vector<1x16xf32>,
        %get3A_251 = vector.shape_cast %get3A_250 : vector<1x16xf32> to vector<16xf32>
        %add3A_252 = arith.addf %add3A_228, %get3A_251 : vector<16xf32>
        %get3A_253 = arith.index_cast %add3A_242 : i32 to index
        %get3A_254 = arith.constant 32 : index
        %get3A_255 = tpu.vector_load %arg6[%get3A_253, %get3A_254] {strides = array<i32>} : memref<200x64xf32, #tpu.memory_space<vmem>>, vector<1x16xf32>,
        %get3A_256 = vector.shape_cast %get3A_255 : vector<1x16xf32> to vector<16xf32>
        %add3A_257 = arith.addf %add3A_233, %get3A_256 : vector<16xf32>
        %get3A_258 = arith.index_cast %add3A_242 : i32 to index
        %get3A_259 = arith.constant 48 : index
        %get3A_260 = tpu.vector_load %arg6[%get3A_258, %get3A_259] {strides = array<i32>} : memref<200x64xf32, #tpu.memory_space<vmem>>, vector<1x16xf32>,
        %get3A_261 = vector.shape_cast %get3A_260 : vector<1x16xf32> to vector<16xf32>
        %add3A_262 = arith.addf %add3A_238, %get3A_261 : vector<16xf32>
        %mul3A_263 = arith.constant 8 : i32
        %mul3A_264 = arith.muli %scan3A_210, %mul3A_263 : i32
        %add3A_265 = arith.constant 2 : i32
        %add3A_266 = arith.addi %mul3A_264, %add3A_265 : i32
        %get3A_267 = arith.index_cast %add3A_266 : i32 to index
        %get3A_268 = arith.constant 0 : index
        %get3A_269 = tpu.vector_load %arg6[%get3A_267, %get3A_268] {strides = array<i32>} : memref<200x64xf32, #tpu.memory_space<vmem>>, vector<1x16xf32>,
        %get3A_270 = vector.shape_cast %get3A_269 : vector<1x16xf32> to vector<16xf32>
        %add3A_271 = arith.addf %add3A_247, %get3A_270 : vector<16xf32>
        %get3A_272 = arith.index_cast %add3A_266 : i32 to index
        %get3A_273 = arith.constant 16 : index
        %get3A_274 = tpu.vector_load %arg6[%get3A_272, %get3A_273] {strides = array<i32>} : memref<200x64xf32, #tpu.memory_space<vmem>>, vector<1x16xf32>,
        %get3A_275 = vector.shape_cast %get3A_274 : vector<1x16xf32> to vector<16xf32>
        %add3A_276 = arith.addf %add3A_252, %get3A_275 : vector<16xf32>
        %get3A_277 = arith.index_cast %add3A_266 : i32 to index
        %get3A_278 = arith.constant 32 : index
        %get3A_279 = tpu.vector_load %arg6[%get3A_277, %get3A_278] {strides = array<i32>} : memref<200x64xf32, #tpu.memory_space<vmem>>, vector<1x16xf32>,
        %get3A_280 = vector.shape_cast %get3A_279 : vector<1x16xf32> to vector<16xf32>
        %add3A_281 = arith.addf %add3A_257, %get3A_280 : vector<16xf32>
        %get3A_282 = arith.index_cast %add3A_266 : i32 to index
        %get3A_283 = arith.constant 48 : index
        %get3A_284 = tpu.vector_load %arg6[%get3A_282, %get3A_283] {strides = array<i32>} : memref<200x64xf32, #tpu.memory_space<vmem>>, vector<1x16xf32>,
        %get3A_285 = vector.shape_cast %get3A_284 : vector<1x16xf32> to vector<16xf32>
        %add3A_286 = arith.addf %add3A_262, %get3A_285 : vector<16xf32>
        %mul3A_287 = arith.constant 8 : i32
        %mul3A_288 = arith.muli %scan3A_210, %mul3A_287 : i32
        %add3A_289 = arith.constant 3 : i32
        %add3A_290 = arith.addi %mul3A_288, %add3A_289 : i32
        %get3A_291 = arith.index_cast %add3A_290 : i32 to index
        %get3A_292 = arith.constant 0 : index
        %get3A_293 = tpu.vector_load %arg6[%get3A_291, %get3A_292] {strides = array<i32>} : memref<200x64xf32, #tpu.memory_space<vmem>>, vector<1x16xf32>,
        %get3A_294 = vector.shape_cast %get3A_293 : vector<1x16xf32> to vector<16xf32>
        %add3A_295 = arith.addf %add3A_271, %get3A_294 : vector<16xf32>
        %get3A_296 = arith.index_cast %add3A_290 : i32 to index
        %get3A_297 = arith.constant 16 : index
        %get3A_298 = tpu.vector_load %arg6[%get3A_296, %get3A_297] {strides = array<i32>} : memref<200x64xf32, #tpu.memory_space<vmem>>, vector<1x16xf32>,
        %get3A_299 = vector.shape_cast %get3A_298 : vector<1x16xf32> to vector<16xf32>
        %add3A_300 = arith.addf %add3A_276, %get3A_299 : vector<16xf32>
        %get3A_301 = arith.index_cast %add3A_290 : i32 to index
        %get3A_302 = arith.constant 32 : index
        %get3A_303 = tpu.vector_load %arg6[%get3A_301, %get3A_302] {strides = array<i32>} : memref<200x64xf32, #tpu.memory_space<vmem>>, vector<1x16xf32>,
        %get3A_304 = vector.shape_cast %get3A_303 : vector<1x16xf32> to vector<16xf32>
        %add3A_305 = arith.addf %add3A_281, %get3A_304 : vector<16xf32>
        %get3A_306 = arith.index_cast %add3A_290 : i32 to index
        %get3A_307 = arith.constant 48 : index
        %get3A_308 = tpu.vector_load %arg6[%get3A_306, %get3A_307] {strides = array<i32>} : memref<200x64xf32, #tpu.memory_space<vmem>>, vector<1x16xf32>,
        %get3A_309 = vector.shape_cast %get3A_308 : vector<1x16xf32> to vector<16xf32>
        %add3A_310 = arith.addf %add3A_286, %get3A_309 : vector<16xf32>
        %mul3A_311 = arith.constant 8 : i32
        %mul3A_312 = arith.muli %scan3A_210, %mul3A_311 : i32
        %add3A_313 = arith.constant 4 : i32
        %add3A_314 = arith.addi %mul3A_312, %add3A_313 : i32
        %get3A_315 = arith.index_cast %add3A_314 : i32 to index
        %get3A_316 = arith.constant 0 : index
        %get3A_317 = tpu.vector_load %arg6[%get3A_315, %get3A_316] {strides = array<i32>} : memref<200x64xf32, #tpu.memory_space<vmem>>, vector<1x16xf32>,
        %get3A_318 = vector.shape_cast %get3A_317 : vector<1x16xf32> to vector<16xf32>
        %add3A_319 = arith.addf %add3A_295, %get3A_318 : vector<16xf32>
        %get3A_320 = arith.index_cast %add3A_314 : i32 to index
        %get3A_321 = arith.constant 16 : index
        %get3A_322 = tpu.vector_load %arg6[%get3A_320, %get3A_321] {strides = array<i32>} : memref<200x64xf32, #tpu.memory_space<vmem>>, vector<1x16xf32>,
        %get3A_323 = vector.shape_cast %get3A_322 : vector<1x16xf32> to vector<16xf32>
        %add3A_324 = arith.addf %add3A_300, %get3A_323 : vector<16xf32>
        %get3A_325 = arith.index_cast %add3A_314 : i32 to index
        %get3A_326 = arith.constant 32 : index
        %get3A_327 = tpu.vector_load %arg6[%get3A_325, %get3A_326] {strides = array<i32>} : memref<200x64xf32, #tpu.memory_space<vmem>>, vector<1x16xf32>,
        %get3A_328 = vector.shape_cast %get3A_327 : vector<1x16xf32> to vector<16xf32>
        %add3A_329 = arith.addf %add3A_305, %get3A_328 : vector<16xf32>
        %get3A_330 = arith.index_cast %add3A_314 : i32 to index
        %get3A_331 = arith.constant 48 : index
        %get3A_332 = tpu.vector_load %arg6[%get3A_330, %get3A_331] {strides = array<i32>} : memref<200x64xf32, #tpu.memory_space<vmem>>, vector<1x16xf32>,
        %get3A_333 = vector.shape_cast %get3A_332 : vector<1x16xf32> to vector<16xf32>
        %add3A_334 = arith.addf %add3A_310, %get3A_333 : vector<16xf32>
        %mul3A_335 = arith.constant 8 : i32
        %mul3A_336 = arith.muli %scan3A_210, %mul3A_335 : i32
        %add3A_337 = arith.constant 5 : i32
        %add3A_338 = arith.addi %mul3A_336, %add3A_337 : i32
        %get3A_339 = arith.index_cast %add3A_338 : i32 to index
        %get3A_340 = arith.constant 0 : index
        %get3A_341 = tpu.vector_load %arg6[%get3A_339, %get3A_340] {strides = array<i32>} : memref<200x64xf32, #tpu.memory_space<vmem>>, vector<1x16xf32>,
        %get3A_342 = vector.shape_cast %get3A_341 : vector<1x16xf32> to vector<16xf32>
        %add3A_343 = arith.addf %add3A_319, %get3A_342 : vector<16xf32>
        %get3A_344 = arith.index_cast %add3A_338 : i32 to index
        %get3A_345 = arith.constant 16 : index
        %get3A_346 = tpu.vector_load %arg6[%get3A_344, %get3A_345] {strides = array<i32>} : memref<200x64xf32, #tpu.memory_space<vmem>>, vector<1x16xf32>,
        %get3A_347 = vector.shape_cast %get3A_346 : vector<1x16xf32> to vector<16xf32>
        %add3A_348 = arith.addf %add3A_324, %get3A_347 : vector<16xf32>
        %get3A_349 = arith.index_cast %add3A_338 : i32 to index
        %get3A_350 = arith.constant 32 : index
        %get3A_351 = tpu.vector_load %arg6[%get3A_349, %get3A_350] {strides = array<i32>} : memref<200x64xf32, #tpu.memory_space<vmem>>, vector<1x16xf32>,
        %get3A_352 = vector.shape_cast %get3A_351 : vector<1x16xf32> to vector<16xf32>
        %add3A_353 = arith.addf %add3A_329, %get3A_352 : vector<16xf32>
        %get3A_354 = arith.index_cast %add3A_338 : i32 to index
        %get3A_355 = arith.constant 48 : index
        %get3A_356 = tpu.vector_load %arg6[%get3A_354, %get3A_355] {strides = array<i32>} : memref<200x64xf32, #tpu.memory_space<vmem>>, vector<1x16xf32>,
        %get3A_357 = vector.shape_cast %get3A_356 : vector<1x16xf32> to vector<16xf32>
        %add3A_358 = arith.addf %add3A_334, %get3A_357 : vector<16xf32>
        %mul3A_359 = arith.constant 8 : i32
        %mul3A_360 = arith.muli %scan3A_210, %mul3A_359 : i32
        %add3A_361 = arith.constant 6 : i32
        %add3A_362 = arith.addi %mul3A_360, %add3A_361 : i32
        %get3A_363 = arith.index_cast %add3A_362 : i32 to index
        %get3A_364 = arith.constant 0 : index
        %get3A_365 = tpu.vector_load %arg6[%get3A_363, %get3A_364] {strides = array<i32>} : memref<200x64xf32, #tpu.memory_space<vmem>>, vector<1x16xf32>,
        %get3A_366 = vector.shape_cast %get3A_365 : vector<1x16xf32> to vector<16xf32>
        %add3A_367 = arith.addf %add3A_343, %get3A_366 : vector<16xf32>
        %get3A_368 = arith.index_cast %add3A_362 : i32 to index
        %get3A_369 = arith.constant 16 : index
        %get3A_370 = tpu.vector_load %arg6[%get3A_368, %get3A_369] {strides = array<i32>} : memref<200x64xf32, #tpu.memory_space<vmem>>, vector<1x16xf32>,
        %get3A_371 = vector.shape_cast %get3A_370 : vector<1x16xf32> to vector<16xf32>
        %add3A_372 = arith.addf %add3A_348, %get3A_371 : vector<16xf32>
        %get3A_373 = arith.index_cast %add3A_362 : i32 to index
        %get3A_374 = arith.constant 32 : index
        %get3A_375 = tpu.vector_load %arg6[%get3A_373, %get3A_374] {strides = array<i32>} : memref<200x64xf32, #tpu.memory_space<vmem>>, vector<1x16xf32>,
        %get3A_376 = vector.shape_cast %get3A_375 : vector<1x16xf32> to vector<16xf32>
        %add3A_377 = arith.addf %add3A_353, %get3A_376 : vector<16xf32>
        %get3A_378 = arith.index_cast %add3A_362 : i32 to index
        %get3A_379 = arith.constant 48 : index
        %get3A_380 = tpu.vector_load %arg6[%get3A_378, %get3A_379] {strides = array<i32>} : memref<200x64xf32, #tpu.memory_space<vmem>>, vector<1x16xf32>,
        %get3A_381 = vector.shape_cast %get3A_380 : vector<1x16xf32> to vector<16xf32>
        %add3A_382 = arith.addf %add3A_358, %get3A_381 : vector<16xf32>
        %mul3A_383 = arith.constant 8 : i32
        %mul3A_384 = arith.muli %scan3A_210, %mul3A_383 : i32
        %add3A_385 = arith.constant 7 : i32
        %add3A_386 = arith.addi %mul3A_384, %add3A_385 : i32
        %get3A_387 = arith.index_cast %add3A_386 : i32 to index
        %get3A_388 = arith.constant 0 : index
        %get3A_389 = tpu.vector_load %arg6[%get3A_387, %get3A_388] {strides = array<i32>} : memref<200x64xf32, #tpu.memory_space<vmem>>, vector<1x16xf32>,
        %get3A_390 = vector.shape_cast %get3A_389 : vector<1x16xf32> to vector<16xf32>
        %add3A_391 = arith.addf %add3A_367, %get3A_390 : vector<16xf32>
        %get3A_392 = arith.index_cast %add3A_386 : i32 to index
        %get3A_393 = arith.constant 16 : index
        %get3A_394 = tpu.vector_load %arg6[%get3A_392, %get3A_393] {strides = array<i32>} : memref<200x64xf32, #tpu.memory_space<vmem>>, vector<1x16xf32>,
        %get3A_395 = vector.shape_cast %get3A_394 : vector<1x16xf32> to vector<16xf32>
        %add3A_396 = arith.addf %add3A_372, %get3A_395 : vector<16xf32>
        %get3A_397 = arith.index_cast %add3A_386 : i32 to index
        %get3A_398 = arith.constant 32 : index
        %get3A_399 = tpu.vector_load %arg6[%get3A_397, %get3A_398] {strides = array<i32>} : memref<200x64xf32, #tpu.memory_space<vmem>>, vector<1x16xf32>,
        %get3A_400 = vector.shape_cast %get3A_399 : vector<1x16xf32> to vector<16xf32>
        %add3A_401 = arith.addf %add3A_377, %get3A_400 : vector<16xf32>
        %get3A_402 = arith.index_cast %add3A_386 : i32 to index
        %get3A_403 = arith.constant 48 : index
        %get3A_404 = tpu.vector_load %arg6[%get3A_402, %get3A_403] {strides = array<i32>} : memref<200x64xf32, #tpu.memory_space<vmem>>, vector<1x16xf32>,
        %get3A_405 = vector.shape_cast %get3A_404 : vector<1x16xf32> to vector<16xf32>
        %add3A_406 = arith.addf %add3A_382, %get3A_405 : vector<16xf32>
        scf.yield %add3A_391, %add3A_396, %add3A_401, %add3A_406 : vector<16xf32>, vector<16xf32>, vector<16xf32>, vector<16xf32>
      }
      %scan3A_140 = arith.constant 25 : i32
      %swap3A = arith.index_cast %add3A_118 : i32 to index
      %swap3A_141 = arith.constant 0 : index
      %swap3A_142 = tpu.vector_load %arg8[%swap3A, %swap3A_141] {strides = array<i32>} : memref<128x64xf32, #tpu.memory_space<vmem>>, vector<1x16xf32>,
      %swap3A_143 = vector.shape_cast %swap3A_142 : vector<1x16xf32> to vector<16xf32>
      %swap3A_144 = vector.shape_cast %scan3A_139#0 : vector<16xf32> to vector<1x16xf32>
      tpu.vector_store %arg8[%swap3A, %swap3A_141], %swap3A_144 {strides = array<i32>} : memref<128x64xf32, #tpu.memory_space<vmem>>, vector<1x16xf32>,
      %swap3A_145 = arith.index_cast %add3A_118 : i32 to index
      %swap3A_146 = arith.constant 16 : index
      %swap3A_147 = tpu.vector_load %arg8[%swap3A_145, %swap3A_146] {strides = array<i32>} : memref<128x64xf32, #tpu.memory_space<vmem>>, vector<1x16xf32>,
      %swap3A_148 = vector.shape_cast %swap3A_147 : vector<1x16xf32> to vector<16xf32>
      %swap3A_149 = vector.shape_cast %scan3A_139#1 : vector<16xf32> to vector<1x16xf32>
      tpu.vector_store %arg8[%swap3A_145, %swap3A_146], %swap3A_149 {strides = array<i32>} : memref<128x64xf32, #tpu.memory_space<vmem>>, vector<1x16xf32>,
      %swap3A_150 = arith.index_cast %add3A_118 : i32 to index
      %swap3A_151 = arith.constant 32 : index
      %swap3A_152 = tpu.vector_load %arg8[%swap3A_150, %swap3A_151] {strides = array<i32>} : memref<128x64xf32, #tpu.memory_space<vmem>>, vector<1x16xf32>,
      %swap3A_153 = vector.shape_cast %swap3A_152 : vector<1x16xf32> to vector<16xf32>
      %swap3A_154 = vector.shape_cast %scan3A_139#2 : vector<16xf32> to vector<1x16xf32>
      tpu.vector_store %arg8[%swap3A_150, %swap3A_151], %swap3A_154 {strides = array<i32>} : memref<128x64xf32, #tpu.memory_space<vmem>>, vector<1x16xf32>,
      %swap3A_155 = arith.index_cast %add3A_118 : i32 to index
      %swap3A_156 = arith.constant 48 : index
      %swap3A_157 = tpu.vector_load %arg8[%swap3A_155, %swap3A_156] {strides = array<i32>} : memref<128x64xf32, #tpu.memory_space<vmem>>, vector<1x16xf32>,
      %swap3A_158 = vector.shape_cast %swap3A_157 : vector<1x16xf32> to vector<16xf32>
      %swap3A_159 = vector.shape_cast %scan3A_139#3 : vector<16xf32> to vector<1x16xf32>
      tpu.vector_store %arg8[%swap3A_155, %swap3A_156], %swap3A_159 {strides = array<i32>} : memref<128x64xf32, #tpu.memory_space<vmem>>, vector<1x16xf32>,
      %add3A_160 = arith.constant 1 : i32
      %add3A_161 = arith.addi %mul3A_116, %add3A_160 : i32
      %add3A_162 = arith.constant 1 : i32
      %add3A_163 = arith.addi %add3A_161, %add3A_162 : i32
      %lt3A_164 = arith.constant 128 : i32
      %lt3A_165 = arith.cmpi slt, %add3A_163, %lt3A_164 : i32
      %convert_element_type3A_166 = arith.extui %lt3A_165 : i1 to i32
      %cond3A_167 = arith.constant 0 : i32
      %cond3A_168 = arith.cmpi ne, %convert_element_type3A_166, %cond3A_167 : i32
      scf.if %cond3A_168 {
        %add3A_210 = arith.constant 1 : i32
        %add3A_211 = arith.addi %add3A_161, %add3A_210 : i32
        %scan3A_212 = arith.constant 0 : i32
        %scan3A_213 = arith.constant 0 : i32
        %scan3A_214 = arith.constant 12 : i32
        %scan3A_215 = arith.addi %scan3A_213, %scan3A_214 : i32
        %scan3A_216 = arith.constant 1 : i32
        %scan3A_217 = scf.for %scan3A_319 = %scan3A_213 to %scan3A_215 step %scan3A_216 iter_args(%scan3A_320 = %scan3A_212) -> (i32)  : i32 {
          %mul3A_321 = arith.constant 16 : i32
          %mul3A_322 = arith.muli %scan3A_319, %mul3A_321 : i32
          %get3A_323 = arith.index_cast %add3A_211 : i32 to index
          %get3A_324 = arith.index_cast %mul3A_322 : i32 to index
          %get3A_325 = tpu.vector_load %arg5[%get3A_323, %get3A_324] {strides = array<i32>} : memref<128x200xi32, #tpu.memory_space<vmem>>, vector<1x16xi32>,
          %get3A_326 = vector.shape_cast %get3A_325 : vector<1x16xi32> to vector<16xi32>
          %mul3A_327 = arith.constant 16 : i32
          %mul3A_328 = arith.muli %scan3A_319, %mul3A_327 : i32
          %add3A_329 = arith.constant 0 : i32
          %add3A_330 = arith.addi %mul3A_328, %add3A_329 : i32
          %slice3A_331 = vector.extract_strided_slice %get3A_326 {offsets = [0], sizes = [1], strides = [1]} : vector<16xi32> to vector<1xi32>
          %squeeze3A_332 = vector.extract %slice3A_331[0] : i32 from vector<1xi32>
          %dma_start3A_333 = arith.constant 0 : i32
          %dma_start3A_334 = tpu.memref_slice %arg6[%add3A_330, %dma_start3A_333] : memref<200x64xf32, #tpu.memory_space<vmem>> -> memref<1x64xf32, #tpu.memory_space<vmem>>
          %dma_start3A_335 = arith.constant 0 : i32
          %dma_start3A_336 = tpu.memref_slice %arg3[%squeeze3A_332, %dma_start3A_335] : memref<1000000x64xf32, #tpu.memory_space<hbm>> -> memref<1x64xf32, #tpu.memory_space<hbm>>
          %dma_start3A_337 = arith.constant 0 : i32
          %dma_start3A_338 = tpu.memref_slice %arg6[%add3A_330, %dma_start3A_337] : memref<200x64xf32, #tpu.memory_space<vmem>> -> memref<1x64xf32, #tpu.memory_space<vmem>>
          %dma_start3A_339 = arith.constant 0 : i32
          %dma_start3A_340 = tpu.memref_slice %arg3[%squeeze3A_332, %dma_start3A_339] : memref<1000000x64xf32, #tpu.memory_space<hbm>> -> memref<1x64xf32, #tpu.memory_space<hbm>>
          tpu.enqueue_dma source(%dma_start3A_340 : memref<1x64xf32, #tpu.memory_space<hbm>>) target(%dma_start3A_338 : memref<1x64xf32, #tpu.memory_space<vmem>>) target_semaphore(%arg9 : memref<!tpu.dma_semaphore, #tpu.memory_space<semaphore_mem>>)
          %mul3A_341 = arith.constant 16 : i32
          %mul3A_342 = arith.muli %scan3A_319, %mul3A_341 : i32
          %add3A_343 = arith.constant 1 : i32
          %add3A_344 = arith.addi %mul3A_342, %add3A_343 : i32
          %slice3A_345 = vector.extract_strided_slice %get3A_326 {offsets = [1], sizes = [1], strides = [1]} : vector<16xi32> to vector<1xi32>
          %squeeze3A_346 = vector.extract %slice3A_345[0] : i32 from vector<1xi32>
          %dma_start3A_347 = arith.constant 0 : i32
          %dma_start3A_348 = tpu.memref_slice %arg6[%add3A_344, %dma_start3A_347] : memref<200x64xf32, #tpu.memory_space<vmem>> -> memref<1x64xf32, #tpu.memory_space<vmem>>
          %dma_start3A_349 = arith.constant 0 : i32
          %dma_start3A_350 = tpu.memref_slice %arg3[%squeeze3A_346, %dma_start3A_349] : memref<1000000x64xf32, #tpu.memory_space<hbm>> -> memref<1x64xf32, #tpu.memory_space<hbm>>
          %dma_start3A_351 = arith.constant 0 : i32
          %dma_start3A_352 = tpu.memref_slice %arg6[%add3A_344, %dma_start3A_351] : memref<200x64xf32, #tpu.memory_space<vmem>> -> memref<1x64xf32, #tpu.memory_space<vmem>>
          %dma_start3A_353 = arith.constant 0 : i32
          %dma_start3A_354 = tpu.memref_slice %arg3[%squeeze3A_346, %dma_start3A_353] : memref<1000000x64xf32, #tpu.memory_space<hbm>> -> memref<1x64xf32, #tpu.memory_space<hbm>>
          tpu.enqueue_dma source(%dma_start3A_354 : memref<1x64xf32, #tpu.memory_space<hbm>>) target(%dma_start3A_352 : memref<1x64xf32, #tpu.memory_space<vmem>>) target_semaphore(%arg9 : memref<!tpu.dma_semaphore, #tpu.memory_space<semaphore_mem>>)
          %mul3A_355 = arith.constant 16 : i32
          %mul3A_356 = arith.muli %scan3A_319, %mul3A_355 : i32
          %add3A_357 = arith.constant 2 : i32
          %add3A_358 = arith.addi %mul3A_356, %add3A_357 : i32
          %slice3A_359 = vector.extract_strided_slice %get3A_326 {offsets = [2], sizes = [1], strides = [1]} : vector<16xi32> to vector<1xi32>
          %squeeze3A_360 = vector.extract %slice3A_359[0] : i32 from vector<1xi32>
          %dma_start3A_361 = arith.constant 0 : i32
          %dma_start3A_362 = tpu.memref_slice %arg6[%add3A_358, %dma_start3A_361] : memref<200x64xf32, #tpu.memory_space<vmem>> -> memref<1x64xf32, #tpu.memory_space<vmem>>
          %dma_start3A_363 = arith.constant 0 : i32
          %dma_start3A_364 = tpu.memref_slice %arg3[%squeeze3A_360, %dma_start3A_363] : memref<1000000x64xf32, #tpu.memory_space<hbm>> -> memref<1x64xf32, #tpu.memory_space<hbm>>
          %dma_start3A_365 = arith.constant 0 : i32
          %dma_start3A_366 = tpu.memref_slice %arg6[%add3A_358, %dma_start3A_365] : memref<200x64xf32, #tpu.memory_space<vmem>> -> memref<1x64xf32, #tpu.memory_space<vmem>>
          %dma_start3A_367 = arith.constant 0 : i32
          %dma_start3A_368 = tpu.memref_slice %arg3[%squeeze3A_360, %dma_start3A_367] : memref<1000000x64xf32, #tpu.memory_space<hbm>> -> memref<1x64xf32, #tpu.memory_space<hbm>>
          tpu.enqueue_dma source(%dma_start3A_368 : memref<1x64xf32, #tpu.memory_space<hbm>>) target(%dma_start3A_366 : memref<1x64xf32, #tpu.memory_space<vmem>>) target_semaphore(%arg9 : memref<!tpu.dma_semaphore, #tpu.memory_space<semaphore_mem>>)
          %mul3A_369 = arith.constant 16 : i32
          %mul3A_370 = arith.muli %scan3A_319, %mul3A_369 : i32
          %add3A_371 = arith.constant 3 : i32
          %add3A_372 = arith.addi %mul3A_370, %add3A_371 : i32
          %slice3A_373 = vector.extract_strided_slice %get3A_326 {offsets = [3], sizes = [1], strides = [1]} : vector<16xi32> to vector<1xi32>
          %squeeze3A_374 = vector.extract %slice3A_373[0] : i32 from vector<1xi32>
          %dma_start3A_375 = arith.constant 0 : i32
          %dma_start3A_376 = tpu.memref_slice %arg6[%add3A_372, %dma_start3A_375] : memref<200x64xf32, #tpu.memory_space<vmem>> -> memref<1x64xf32, #tpu.memory_space<vmem>>
          %dma_start3A_377 = arith.constant 0 : i32
          %dma_start3A_378 = tpu.memref_slice %arg3[%squeeze3A_374, %dma_start3A_377] : memref<1000000x64xf32, #tpu.memory_space<hbm>> -> memref<1x64xf32, #tpu.memory_space<hbm>>
          %dma_start3A_379 = arith.constant 0 : i32
          %dma_start3A_380 = tpu.memref_slice %arg6[%add3A_372, %dma_start3A_379] : memref<200x64xf32, #tpu.memory_space<vmem>> -> memref<1x64xf32, #tpu.memory_space<vmem>>
          %dma_start3A_381 = arith.constant 0 : i32
          %dma_start3A_382 = tpu.memref_slice %arg3[%squeeze3A_374, %dma_start3A_381] : memref<1000000x64xf32, #tpu.memory_space<hbm>> -> memref<1x64xf32, #tpu.memory_space<hbm>>
          tpu.enqueue_dma source(%dma_start3A_382 : memref<1x64xf32, #tpu.memory_space<hbm>>) target(%dma_start3A_380 : memref<1x64xf32, #tpu.memory_space<vmem>>) target_semaphore(%arg9 : memref<!tpu.dma_semaphore, #tpu.memory_space<semaphore_mem>>)
          %mul3A_383 = arith.constant 16 : i32
          %mul3A_384 = arith.muli %scan3A_319, %mul3A_383 : i32
          %add3A_385 = arith.constant 4 : i32
          %add3A_386 = arith.addi %mul3A_384, %add3A_385 : i32
          %slice3A_387 = vector.extract_strided_slice %get3A_326 {offsets = [4], sizes = [1], strides = [1]} : vector<16xi32> to vector<1xi32>
          %squeeze3A_388 = vector.extract %slice3A_387[0] : i32 from vector<1xi32>
          %dma_start3A_389 = arith.constant 0 : i32
          %dma_start3A_390 = tpu.memref_slice %arg6[%add3A_386, %dma_start3A_389] : memref<200x64xf32, #tpu.memory_space<vmem>> -> memref<1x64xf32, #tpu.memory_space<vmem>>
          %dma_start3A_391 = arith.constant 0 : i32
          %dma_start3A_392 = tpu.memref_slice %arg3[%squeeze3A_388, %dma_start3A_391] : memref<1000000x64xf32, #tpu.memory_space<hbm>> -> memref<1x64xf32, #tpu.memory_space<hbm>>
          %dma_start3A_393 = arith.constant 0 : i32
          %dma_start3A_394 = tpu.memref_slice %arg6[%add3A_386, %dma_start3A_393] : memref<200x64xf32, #tpu.memory_space<vmem>> -> memref<1x64xf32, #tpu.memory_space<vmem>>
          %dma_start3A_395 = arith.constant 0 : i32
          %dma_start3A_396 = tpu.memref_slice %arg3[%squeeze3A_388, %dma_start3A_395] : memref<1000000x64xf32, #tpu.memory_space<hbm>> -> memref<1x64xf32, #tpu.memory_space<hbm>>
          tpu.enqueue_dma source(%dma_start3A_396 : memref<1x64xf32, #tpu.memory_space<hbm>>) target(%dma_start3A_394 : memref<1x64xf32, #tpu.memory_space<vmem>>) target_semaphore(%arg9 : memref<!tpu.dma_semaphore, #tpu.memory_space<semaphore_mem>>)
          %mul3A_397 = arith.constant 16 : i32
          %mul3A_398 = arith.muli %scan3A_319, %mul3A_397 : i32
          %add3A_399 = arith.constant 5 : i32
          %add3A_400 = arith.addi %mul3A_398, %add3A_399 : i32
          %slice3A_401 = vector.extract_strided_slice %get3A_326 {offsets = [5], sizes = [1], strides = [1]} : vector<16xi32> to vector<1xi32>
          %squeeze3A_402 = vector.extract %slice3A_401[0] : i32 from vector<1xi32>
          %dma_start3A_403 = arith.constant 0 : i32
          %dma_start3A_404 = tpu.memref_slice %arg6[%add3A_400, %dma_start3A_403] : memref<200x64xf32, #tpu.memory_space<vmem>> -> memref<1x64xf32, #tpu.memory_space<vmem>>
          %dma_start3A_405 = arith.constant 0 : i32
          %dma_start3A_406 = tpu.memref_slice %arg3[%squeeze3A_402, %dma_start3A_405] : memref<1000000x64xf32, #tpu.memory_space<hbm>> -> memref<1x64xf32, #tpu.memory_space<hbm>>
          %dma_start3A_407 = arith.constant 0 : i32
          %dma_start3A_408 = tpu.memref_slice %arg6[%add3A_400, %dma_start3A_407] : memref<200x64xf32, #tpu.memory_space<vmem>> -> memref<1x64xf32, #tpu.memory_space<vmem>>
          %dma_start3A_409 = arith.constant 0 : i32
          %dma_start3A_410 = tpu.memref_slice %arg3[%squeeze3A_402, %dma_start3A_409] : memref<1000000x64xf32, #tpu.memory_space<hbm>> -> memref<1x64xf32, #tpu.memory_space<hbm>>
          tpu.enqueue_dma source(%dma_start3A_410 : memref<1x64xf32, #tpu.memory_space<hbm>>) target(%dma_start3A_408 : memref<1x64xf32, #tpu.memory_space<vmem>>) target_semaphore(%arg9 : memref<!tpu.dma_semaphore, #tpu.memory_space<semaphore_mem>>)
          %mul3A_411 = arith.constant 16 : i32
          %mul3A_412 = arith.muli %scan3A_319, %mul3A_411 : i32
          %add3A_413 = arith.constant 6 : i32
          %add3A_414 = arith.addi %mul3A_412, %add3A_413 : i32
          %slice3A_415 = vector.extract_strided_slice %get3A_326 {offsets = [6], sizes = [1], strides = [1]} : vector<16xi32> to vector<1xi32>
          %squeeze3A_416 = vector.extract %slice3A_415[0] : i32 from vector<1xi32>
          %dma_start3A_417 = arith.constant 0 : i32
          %dma_start3A_418 = tpu.memref_slice %arg6[%add3A_414, %dma_start3A_417] : memref<200x64xf32, #tpu.memory_space<vmem>> -> memref<1x64xf32, #tpu.memory_space<vmem>>
          %dma_start3A_419 = arith.constant 0 : i32
          %dma_start3A_420 = tpu.memref_slice %arg3[%squeeze3A_416, %dma_start3A_419] : memref<1000000x64xf32, #tpu.memory_space<hbm>> -> memref<1x64xf32, #tpu.memory_space<hbm>>
          %dma_start3A_421 = arith.constant 0 : i32
          %dma_start3A_422 = tpu.memref_slice %arg6[%add3A_414, %dma_start3A_421] : memref<200x64xf32, #tpu.memory_space<vmem>> -> memref<1x64xf32, #tpu.memory_space<vmem>>
          %dma_start3A_423 = arith.constant 0 : i32
          %dma_start3A_424 = tpu.memref_slice %arg3[%squeeze3A_416, %dma_start3A_423] : memref<1000000x64xf32, #tpu.memory_space<hbm>> -> memref<1x64xf32, #tpu.memory_space<hbm>>
          tpu.enqueue_dma source(%dma_start3A_424 : memref<1x64xf32, #tpu.memory_space<hbm>>) target(%dma_start3A_422 : memref<1x64xf32, #tpu.memory_space<vmem>>) target_semaphore(%arg9 : memref<!tpu.dma_semaphore, #tpu.memory_space<semaphore_mem>>)
          %mul3A_425 = arith.constant 16 : i32
          %mul3A_426 = arith.muli %scan3A_319, %mul3A_425 : i32
          %add3A_427 = arith.constant 7 : i32
          %add3A_428 = arith.addi %mul3A_426, %add3A_427 : i32
          %slice3A_429 = vector.extract_strided_slice %get3A_326 {offsets = [7], sizes = [1], strides = [1]} : vector<16xi32> to vector<1xi32>
          %squeeze3A_430 = vector.extract %slice3A_429[0] : i32 from vector<1xi32>
          %dma_start3A_431 = arith.constant 0 : i32
          %dma_start3A_432 = tpu.memref_slice %arg6[%add3A_428, %dma_start3A_431] : memref<200x64xf32, #tpu.memory_space<vmem>> -> memref<1x64xf32, #tpu.memory_space<vmem>>
          %dma_start3A_433 = arith.constant 0 : i32
          %dma_start3A_434 = tpu.memref_slice %arg3[%squeeze3A_430, %dma_start3A_433] : memref<1000000x64xf32, #tpu.memory_space<hbm>> -> memref<1x64xf32, #tpu.memory_space<hbm>>
          %dma_start3A_435 = arith.constant 0 : i32
          %dma_start3A_436 = tpu.memref_slice %arg6[%add3A_428, %dma_start3A_435] : memref<200x64xf32, #tpu.memory_space<vmem>> -> memref<1x64xf32, #tpu.memory_space<vmem>>
          %dma_start3A_437 = arith.constant 0 : i32
          %dma_start3A_438 = tpu.memref_slice %arg3[%squeeze3A_430, %dma_start3A_437] : memref<1000000x64xf32, #tpu.memory_space<hbm>> -> memref<1x64xf32, #tpu.memory_space<hbm>>
          tpu.enqueue_dma source(%dma_start3A_438 : memref<1x64xf32, #tpu.memory_space<hbm>>) target(%dma_start3A_436 : memref<1x64xf32, #tpu.memory_space<vmem>>) target_semaphore(%arg9 : memref<!tpu.dma_semaphore, #tpu.memory_space<semaphore_mem>>)
          %mul3A_439 = arith.constant 16 : i32
          %mul3A_440 = arith.muli %scan3A_319, %mul3A_439 : i32
          %add3A_441 = arith.constant 8 : i32
          %add3A_442 = arith.addi %mul3A_440, %add3A_441 : i32
          %slice3A_443 = vector.extract_strided_slice %get3A_326 {offsets = [8], sizes = [1], strides = [1]} : vector<16xi32> to vector<1xi32>
          %squeeze3A_444 = vector.extract %slice3A_443[0] : i32 from vector<1xi32>
          %dma_start3A_445 = arith.constant 0 : i32
          %dma_start3A_446 = tpu.memref_slice %arg6[%add3A_442, %dma_start3A_445] : memref<200x64xf32, #tpu.memory_space<vmem>> -> memref<1x64xf32, #tpu.memory_space<vmem>>
          %dma_start3A_447 = arith.constant 0 : i32
          %dma_start3A_448 = tpu.memref_slice %arg3[%squeeze3A_444, %dma_start3A_447] : memref<1000000x64xf32, #tpu.memory_space<hbm>> -> memref<1x64xf32, #tpu.memory_space<hbm>>
          %dma_start3A_449 = arith.constant 0 : i32
          %dma_start3A_450 = tpu.memref_slice %arg6[%add3A_442, %dma_start3A_449] : memref<200x64xf32, #tpu.memory_space<vmem>> -> memref<1x64xf32, #tpu.memory_space<vmem>>
          %dma_start3A_451 = arith.constant 0 : i32
          %dma_start3A_452 = tpu.memref_slice %arg3[%squeeze3A_444, %dma_start3A_451] : memref<1000000x64xf32, #tpu.memory_space<hbm>> -> memref<1x64xf32, #tpu.memory_space<hbm>>
          tpu.enqueue_dma source(%dma_start3A_452 : memref<1x64xf32, #tpu.memory_space<hbm>>) target(%dma_start3A_450 : memref<1x64xf32, #tpu.memory_space<vmem>>) target_semaphore(%arg9 : memref<!tpu.dma_semaphore, #tpu.memory_space<semaphore_mem>>)
          %mul3A_453 = arith.constant 16 : i32
          %mul3A_454 = arith.muli %scan3A_319, %mul3A_453 : i32
          %add3A_455 = arith.constant 9 : i32
          %add3A_456 = arith.addi %mul3A_454, %add3A_455 : i32
          %slice3A_457 = vector.extract_strided_slice %get3A_326 {offsets = [9], sizes = [1], strides = [1]} : vector<16xi32> to vector<1xi32>
          %squeeze3A_458 = vector.extract %slice3A_457[0] : i32 from vector<1xi32>
          %dma_start3A_459 = arith.constant 0 : i32
          %dma_start3A_460 = tpu.memref_slice %arg6[%add3A_456, %dma_start3A_459] : memref<200x64xf32, #tpu.memory_space<vmem>> -> memref<1x64xf32, #tpu.memory_space<vmem>>
          %dma_start3A_461 = arith.constant 0 : i32
          %dma_start3A_462 = tpu.memref_slice %arg3[%squeeze3A_458, %dma_start3A_461] : memref<1000000x64xf32, #tpu.memory_space<hbm>> -> memref<1x64xf32, #tpu.memory_space<hbm>>
          %dma_start3A_463 = arith.constant 0 : i32
          %dma_start3A_464 = tpu.memref_slice %arg6[%add3A_456, %dma_start3A_463] : memref<200x64xf32, #tpu.memory_space<vmem>> -> memref<1x64xf32, #tpu.memory_space<vmem>>
          %dma_start3A_465 = arith.constant 0 : i32
          %dma_start3A_466 = tpu.memref_slice %arg3[%squeeze3A_458, %dma_start3A_465] : memref<1000000x64xf32, #tpu.memory_space<hbm>> -> memref<1x64xf32, #tpu.memory_space<hbm>>
          tpu.enqueue_dma source(%dma_start3A_466 : memref<1x64xf32, #tpu.memory_space<hbm>>) target(%dma_start3A_464 : memref<1x64xf32, #tpu.memory_space<vmem>>) target_semaphore(%arg9 : memref<!tpu.dma_semaphore, #tpu.memory_space<semaphore_mem>>)
          %mul3A_467 = arith.constant 16 : i32
          %mul3A_468 = arith.muli %scan3A_319, %mul3A_467 : i32
          %add3A_469 = arith.constant 10 : i32
          %add3A_470 = arith.addi %mul3A_468, %add3A_469 : i32
          %slice3A_471 = vector.extract_strided_slice %get3A_326 {offsets = [10], sizes = [1], strides = [1]} : vector<16xi32> to vector<1xi32>
          %squeeze3A_472 = vector.extract %slice3A_471[0] : i32 from vector<1xi32>
          %dma_start3A_473 = arith.constant 0 : i32
          %dma_start3A_474 = tpu.memref_slice %arg6[%add3A_470, %dma_start3A_473] : memref<200x64xf32, #tpu.memory_space<vmem>> -> memref<1x64xf32, #tpu.memory_space<vmem>>
          %dma_start3A_475 = arith.constant 0 : i32
          %dma_start3A_476 = tpu.memref_slice %arg3[%squeeze3A_472, %dma_start3A_475] : memref<1000000x64xf32, #tpu.memory_space<hbm>> -> memref<1x64xf32, #tpu.memory_space<hbm>>
          %dma_start3A_477 = arith.constant 0 : i32
          %dma_start3A_478 = tpu.memref_slice %arg6[%add3A_470, %dma_start3A_477] : memref<200x64xf32, #tpu.memory_space<vmem>> -> memref<1x64xf32, #tpu.memory_space<vmem>>
          %dma_start3A_479 = arith.constant 0 : i32
          %dma_start3A_480 = tpu.memref_slice %arg3[%squeeze3A_472, %dma_start3A_479] : memref<1000000x64xf32, #tpu.memory_space<hbm>> -> memref<1x64xf32, #tpu.memory_space<hbm>>
          tpu.enqueue_dma source(%dma_start3A_480 : memref<1x64xf32, #tpu.memory_space<hbm>>) target(%dma_start3A_478 : memref<1x64xf32, #tpu.memory_space<vmem>>) target_semaphore(%arg9 : memref<!tpu.dma_semaphore, #tpu.memory_space<semaphore_mem>>)
          %mul3A_481 = arith.constant 16 : i32
          %mul3A_482 = arith.muli %scan3A_319, %mul3A_481 : i32
          %add3A_483 = arith.constant 11 : i32
          %add3A_484 = arith.addi %mul3A_482, %add3A_483 : i32
          %slice3A_485 = vector.extract_strided_slice %get3A_326 {offsets = [11], sizes = [1], strides = [1]} : vector<16xi32> to vector<1xi32>
          %squeeze3A_486 = vector.extract %slice3A_485[0] : i32 from vector<1xi32>
          %dma_start3A_487 = arith.constant 0 : i32
          %dma_start3A_488 = tpu.memref_slice %arg6[%add3A_484, %dma_start3A_487] : memref<200x64xf32, #tpu.memory_space<vmem>> -> memref<1x64xf32, #tpu.memory_space<vmem>>
          %dma_start3A_489 = arith.constant 0 : i32
          %dma_start3A_490 = tpu.memref_slice %arg3[%squeeze3A_486, %dma_start3A_489] : memref<1000000x64xf32, #tpu.memory_space<hbm>> -> memref<1x64xf32, #tpu.memory_space<hbm>>
          %dma_start3A_491 = arith.constant 0 : i32
          %dma_start3A_492 = tpu.memref_slice %arg6[%add3A_484, %dma_start3A_491] : memref<200x64xf32, #tpu.memory_space<vmem>> -> memref<1x64xf32, #tpu.memory_space<vmem>>
          %dma_start3A_493 = arith.constant 0 : i32
          %dma_start3A_494 = tpu.memref_slice %arg3[%squeeze3A_486, %dma_start3A_493] : memref<1000000x64xf32, #tpu.memory_space<hbm>> -> memref<1x64xf32, #tpu.memory_space<hbm>>
          tpu.enqueue_dma source(%dma_start3A_494 : memref<1x64xf32, #tpu.memory_space<hbm>>) target(%dma_start3A_492 : memref<1x64xf32, #tpu.memory_space<vmem>>) target_semaphore(%arg9 : memref<!tpu.dma_semaphore, #tpu.memory_space<semaphore_mem>>)
          %mul3A_495 = arith.constant 16 : i32
          %mul3A_496 = arith.muli %scan3A_319, %mul3A_495 : i32
          %add3A_497 = arith.constant 12 : i32
          %add3A_498 = arith.addi %mul3A_496, %add3A_497 : i32
          %slice3A_499 = vector.extract_strided_slice %get3A_326 {offsets = [12], sizes = [1], strides = [1]} : vector<16xi32> to vector<1xi32>
          %squeeze3A_500 = vector.extract %slice3A_499[0] : i32 from vector<1xi32>
          %dma_start3A_501 = arith.constant 0 : i32
          %dma_start3A_502 = tpu.memref_slice %arg6[%add3A_498, %dma_start3A_501] : memref<200x64xf32, #tpu.memory_space<vmem>> -> memref<1x64xf32, #tpu.memory_space<vmem>>
          %dma_start3A_503 = arith.constant 0 : i32
          %dma_start3A_504 = tpu.memref_slice %arg3[%squeeze3A_500, %dma_start3A_503] : memref<1000000x64xf32, #tpu.memory_space<hbm>> -> memref<1x64xf32, #tpu.memory_space<hbm>>
          %dma_start3A_505 = arith.constant 0 : i32
          %dma_start3A_506 = tpu.memref_slice %arg6[%add3A_498, %dma_start3A_505] : memref<200x64xf32, #tpu.memory_space<vmem>> -> memref<1x64xf32, #tpu.memory_space<vmem>>
          %dma_start3A_507 = arith.constant 0 : i32
          %dma_start3A_508 = tpu.memref_slice %arg3[%squeeze3A_500, %dma_start3A_507] : memref<1000000x64xf32, #tpu.memory_space<hbm>> -> memref<1x64xf32, #tpu.memory_space<hbm>>
          tpu.enqueue_dma source(%dma_start3A_508 : memref<1x64xf32, #tpu.memory_space<hbm>>) target(%dma_start3A_506 : memref<1x64xf32, #tpu.memory_space<vmem>>) target_semaphore(%arg9 : memref<!tpu.dma_semaphore, #tpu.memory_space<semaphore_mem>>)
          %mul3A_509 = arith.constant 16 : i32
          %mul3A_510 = arith.muli %scan3A_319, %mul3A_509 : i32
          %add3A_511 = arith.constant 13 : i32
          %add3A_512 = arith.addi %mul3A_510, %add3A_511 : i32
          %slice3A_513 = vector.extract_strided_slice %get3A_326 {offsets = [13], sizes = [1], strides = [1]} : vector<16xi32> to vector<1xi32>
          %squeeze3A_514 = vector.extract %slice3A_513[0] : i32 from vector<1xi32>
          %dma_start3A_515 = arith.constant 0 : i32
          %dma_start3A_516 = tpu.memref_slice %arg6[%add3A_512, %dma_start3A_515] : memref<200x64xf32, #tpu.memory_space<vmem>> -> memref<1x64xf32, #tpu.memory_space<vmem>>
          %dma_start3A_517 = arith.constant 0 : i32
          %dma_start3A_518 = tpu.memref_slice %arg3[%squeeze3A_514, %dma_start3A_517] : memref<1000000x64xf32, #tpu.memory_space<hbm>> -> memref<1x64xf32, #tpu.memory_space<hbm>>
          %dma_start3A_519 = arith.constant 0 : i32
          %dma_start3A_520 = tpu.memref_slice %arg6[%add3A_512, %dma_start3A_519] : memref<200x64xf32, #tpu.memory_space<vmem>> -> memref<1x64xf32, #tpu.memory_space<vmem>>
          %dma_start3A_521 = arith.constant 0 : i32
          %dma_start3A_522 = tpu.memref_slice %arg3[%squeeze3A_514, %dma_start3A_521] : memref<1000000x64xf32, #tpu.memory_space<hbm>> -> memref<1x64xf32, #tpu.memory_space<hbm>>
          tpu.enqueue_dma source(%dma_start3A_522 : memref<1x64xf32, #tpu.memory_space<hbm>>) target(%dma_start3A_520 : memref<1x64xf32, #tpu.memory_space<vmem>>) target_semaphore(%arg9 : memref<!tpu.dma_semaphore, #tpu.memory_space<semaphore_mem>>)
          %mul3A_523 = arith.constant 16 : i32
          %mul3A_524 = arith.muli %scan3A_319, %mul3A_523 : i32
          %add3A_525 = arith.constant 14 : i32
          %add3A_526 = arith.addi %mul3A_524, %add3A_525 : i32
          %slice3A_527 = vector.extract_strided_slice %get3A_326 {offsets = [14], sizes = [1], strides = [1]} : vector<16xi32> to vector<1xi32>
          %squeeze3A_528 = vector.extract %slice3A_527[0] : i32 from vector<1xi32>
          %dma_start3A_529 = arith.constant 0 : i32
          %dma_start3A_530 = tpu.memref_slice %arg6[%add3A_526, %dma_start3A_529] : memref<200x64xf32, #tpu.memory_space<vmem>> -> memref<1x64xf32, #tpu.memory_space<vmem>>
          %dma_start3A_531 = arith.constant 0 : i32
          %dma_start3A_532 = tpu.memref_slice %arg3[%squeeze3A_528, %dma_start3A_531] : memref<1000000x64xf32, #tpu.memory_space<hbm>> -> memref<1x64xf32, #tpu.memory_space<hbm>>
          %dma_start3A_533 = arith.constant 0 : i32
          %dma_start3A_534 = tpu.memref_slice %arg6[%add3A_526, %dma_start3A_533] : memref<200x64xf32, #tpu.memory_space<vmem>> -> memref<1x64xf32, #tpu.memory_space<vmem>>
          %dma_start3A_535 = arith.constant 0 : i32
          %dma_start3A_536 = tpu.memref_slice %arg3[%squeeze3A_528, %dma_start3A_535] : memref<1000000x64xf32, #tpu.memory_space<hbm>> -> memref<1x64xf32, #tpu.memory_space<hbm>>
          tpu.enqueue_dma source(%dma_start3A_536 : memref<1x64xf32, #tpu.memory_space<hbm>>) target(%dma_start3A_534 : memref<1x64xf32, #tpu.memory_space<vmem>>) target_semaphore(%arg9 : memref<!tpu.dma_semaphore, #tpu.memory_space<semaphore_mem>>)
          %mul3A_537 = arith.constant 16 : i32
          %mul3A_538 = arith.muli %scan3A_319, %mul3A_537 : i32
          %add3A_539 = arith.constant 15 : i32
          %add3A_540 = arith.addi %mul3A_538, %add3A_539 : i32
          %slice3A_541 = vector.extract_strided_slice %get3A_326 {offsets = [15], sizes = [1], strides = [1]} : vector<16xi32> to vector<1xi32>
          %squeeze3A_542 = vector.extract %slice3A_541[0] : i32 from vector<1xi32>
          %dma_start3A_543 = arith.constant 0 : i32
          %dma_start3A_544 = tpu.memref_slice %arg6[%add3A_540, %dma_start3A_543] : memref<200x64xf32, #tpu.memory_space<vmem>> -> memref<1x64xf32, #tpu.memory_space<vmem>>
          %dma_start3A_545 = arith.constant 0 : i32
          %dma_start3A_546 = tpu.memref_slice %arg3[%squeeze3A_542, %dma_start3A_545] : memref<1000000x64xf32, #tpu.memory_space<hbm>> -> memref<1x64xf32, #tpu.memory_space<hbm>>
          %dma_start3A_547 = arith.constant 0 : i32
          %dma_start3A_548 = tpu.memref_slice %arg6[%add3A_540, %dma_start3A_547] : memref<200x64xf32, #tpu.memory_space<vmem>> -> memref<1x64xf32, #tpu.memory_space<vmem>>
          %dma_start3A_549 = arith.constant 0 : i32
          %dma_start3A_550 = tpu.memref_slice %arg3[%squeeze3A_542, %dma_start3A_549] : memref<1000000x64xf32, #tpu.memory_space<hbm>> -> memref<1x64xf32, #tpu.memory_space<hbm>>
          tpu.enqueue_dma source(%dma_start3A_550 : memref<1x64xf32, #tpu.memory_space<hbm>>) target(%dma_start3A_548 : memref<1x64xf32, #tpu.memory_space<vmem>>) target_semaphore(%arg9 : memref<!tpu.dma_semaphore, #tpu.memory_space<semaphore_mem>>)
          %scan3A_551 = arith.constant 0 : i32
          scf.yield %scan3A_551 : i32
        }
        %scan3A_218 = arith.constant 12 : i32
        %get3A_219 = arith.index_cast %add3A_211 : i32 to index
        %get3A_220 = arith.constant 184 : index
        %get3A_221 = tpu.vector_load %arg5[%get3A_219, %get3A_220] {strides = array<i32>} : memref<128x200xi32, #tpu.memory_space<vmem>>, vector<1x16xi32>,
        %get3A_222 = vector.shape_cast %get3A_221 : vector<1x16xi32> to vector<16xi32>
        %slice3A_223 = vector.extract_strided_slice %get3A_222 {offsets = [8], sizes = [1], strides = [1]} : vector<16xi32> to vector<1xi32>
        %squeeze3A_224 = vector.extract %slice3A_223[0] : i32 from vector<1xi32>
        %dma_start3A_225 = arith.constant 192 : i32
        %dma_start3A_226 = arith.constant 0 : i32
        %dma_start3A_227 = tpu.memref_slice %arg6[%dma_start3A_225, %dma_start3A_226] : memref<200x64xf32, #tpu.memory_space<vmem>> -> memref<1x64xf32, #tpu.memory_space<vmem>>
        %dma_start3A_228 = arith.constant 0 : i32
        %dma_start3A_229 = tpu.memref_slice %arg3[%squeeze3A_224, %dma_start3A_228] : memref<1000000x64xf32, #tpu.memory_space<hbm>> -> memref<1x64xf32, #tpu.memory_space<hbm>>
        %dma_start3A_230 = arith.constant 192 : i32
        %dma_start3A_231 = arith.constant 0 : i32
        %dma_start3A_232 = tpu.memref_slice %arg6[%dma_start3A_230, %dma_start3A_231] : memref<200x64xf32, #tpu.memory_space<vmem>> -> memref<1x64xf32, #tpu.memory_space<vmem>>
        %dma_start3A_233 = arith.constant 0 : i32
        %dma_start3A_234 = tpu.memref_slice %arg3[%squeeze3A_224, %dma_start3A_233] : memref<1000000x64xf32, #tpu.memory_space<hbm>> -> memref<1x64xf32, #tpu.memory_space<hbm>>
        tpu.enqueue_dma source(%dma_start3A_234 : memref<1x64xf32, #tpu.memory_space<hbm>>) target(%dma_start3A_232 : memref<1x64xf32, #tpu.memory_space<vmem>>) target_semaphore(%arg9 : memref<!tpu.dma_semaphore, #tpu.memory_space<semaphore_mem>>)
        %slice3A_235 = vector.extract_strided_slice %get3A_222 {offsets = [9], sizes = [1], strides = [1]} : vector<16xi32> to vector<1xi32>
        %squeeze3A_236 = vector.extract %slice3A_235[0] : i32 from vector<1xi32>
        %dma_start3A_237 = arith.constant 193 : i32
        %dma_start3A_238 = arith.constant 0 : i32
        %dma_start3A_239 = tpu.memref_slice %arg6[%dma_start3A_237, %dma_start3A_238] : memref<200x64xf32, #tpu.memory_space<vmem>> -> memref<1x64xf32, #tpu.memory_space<vmem>>
        %dma_start3A_240 = arith.constant 0 : i32
        %dma_start3A_241 = tpu.memref_slice %arg3[%squeeze3A_236, %dma_start3A_240] : memref<1000000x64xf32, #tpu.memory_space<hbm>> -> memref<1x64xf32, #tpu.memory_space<hbm>>
        %dma_start3A_242 = arith.constant 193 : i32
        %dma_start3A_243 = arith.constant 0 : i32
        %dma_start3A_244 = tpu.memref_slice %arg6[%dma_start3A_242, %dma_start3A_243] : memref<200x64xf32, #tpu.memory_space<vmem>> -> memref<1x64xf32, #tpu.memory_space<vmem>>
        %dma_start3A_245 = arith.constant 0 : i32
        %dma_start3A_246 = tpu.memref_slice %arg3[%squeeze3A_236, %dma_start3A_245] : memref<1000000x64xf32, #tpu.memory_space<hbm>> -> memref<1x64xf32, #tpu.memory_space<hbm>>
        tpu.enqueue_dma source(%dma_start3A_246 : memref<1x64xf32, #tpu.memory_space<hbm>>) target(%dma_start3A_244 : memref<1x64xf32, #tpu.memory_space<vmem>>) target_semaphore(%arg9 : memref<!tpu.dma_semaphore, #tpu.memory_space<semaphore_mem>>)
        %slice3A_247 = vector.extract_strided_slice %get3A_222 {offsets = [10], sizes = [1], strides = [1]} : vector<16xi32> to vector<1xi32>
        %squeeze3A_248 = vector.extract %slice3A_247[0] : i32 from vector<1xi32>
        %dma_start3A_249 = arith.constant 194 : i32
        %dma_start3A_250 = arith.constant 0 : i32
        %dma_start3A_251 = tpu.memref_slice %arg6[%dma_start3A_249, %dma_start3A_250] : memref<200x64xf32, #tpu.memory_space<vmem>> -> memref<1x64xf32, #tpu.memory_space<vmem>>
        %dma_start3A_252 = arith.constant 0 : i32
        %dma_start3A_253 = tpu.memref_slice %arg3[%squeeze3A_248, %dma_start3A_252] : memref<1000000x64xf32, #tpu.memory_space<hbm>> -> memref<1x64xf32, #tpu.memory_space<hbm>>
        %dma_start3A_254 = arith.constant 194 : i32
        %dma_start3A_255 = arith.constant 0 : i32
        %dma_start3A_256 = tpu.memref_slice %arg6[%dma_start3A_254, %dma_start3A_255] : memref<200x64xf32, #tpu.memory_space<vmem>> -> memref<1x64xf32, #tpu.memory_space<vmem>>
        %dma_start3A_257 = arith.constant 0 : i32
        %dma_start3A_258 = tpu.memref_slice %arg3[%squeeze3A_248, %dma_start3A_257] : memref<1000000x64xf32, #tpu.memory_space<hbm>> -> memref<1x64xf32, #tpu.memory_space<hbm>>
        tpu.enqueue_dma source(%dma_start3A_258 : memref<1x64xf32, #tpu.memory_space<hbm>>) target(%dma_start3A_256 : memref<1x64xf32, #tpu.memory_space<vmem>>) target_semaphore(%arg9 : memref<!tpu.dma_semaphore, #tpu.memory_space<semaphore_mem>>)
        %slice3A_259 = vector.extract_strided_slice %get3A_222 {offsets = [11], sizes = [1], strides = [1]} : vector<16xi32> to vector<1xi32>
        %squeeze3A_260 = vector.extract %slice3A_259[0] : i32 from vector<1xi32>
        %dma_start3A_261 = arith.constant 195 : i32
        %dma_start3A_262 = arith.constant 0 : i32
        %dma_start3A_263 = tpu.memref_slice %arg6[%dma_start3A_261, %dma_start3A_262] : memref<200x64xf32, #tpu.memory_space<vmem>> -> memref<1x64xf32, #tpu.memory_space<vmem>>
        %dma_start3A_264 = arith.constant 0 : i32
        %dma_start3A_265 = tpu.memref_slice %arg3[%squeeze3A_260, %dma_start3A_264] : memref<1000000x64xf32, #tpu.memory_space<hbm>> -> memref<1x64xf32, #tpu.memory_space<hbm>>
        %dma_start3A_266 = arith.constant 195 : i32
        %dma_start3A_267 = arith.constant 0 : i32
        %dma_start3A_268 = tpu.memref_slice %arg6[%dma_start3A_266, %dma_start3A_267] : memref<200x64xf32, #tpu.memory_space<vmem>> -> memref<1x64xf32, #tpu.memory_space<vmem>>
        %dma_start3A_269 = arith.constant 0 : i32
        %dma_start3A_270 = tpu.memref_slice %arg3[%squeeze3A_260, %dma_start3A_269] : memref<1000000x64xf32, #tpu.memory_space<hbm>> -> memref<1x64xf32, #tpu.memory_space<hbm>>
        tpu.enqueue_dma source(%dma_start3A_270 : memref<1x64xf32, #tpu.memory_space<hbm>>) target(%dma_start3A_268 : memref<1x64xf32, #tpu.memory_space<vmem>>) target_semaphore(%arg9 : memref<!tpu.dma_semaphore, #tpu.memory_space<semaphore_mem>>)
        %slice3A_271 = vector.extract_strided_slice %get3A_222 {offsets = [12], sizes = [1], strides = [1]} : vector<16xi32> to vector<1xi32>
        %squeeze3A_272 = vector.extract %slice3A_271[0] : i32 from vector<1xi32>
        %dma_start3A_273 = arith.constant 196 : i32
        %dma_start3A_274 = arith.constant 0 : i32
        %dma_start3A_275 = tpu.memref_slice %arg6[%dma_start3A_273, %dma_start3A_274] : memref<200x64xf32, #tpu.memory_space<vmem>> -> memref<1x64xf32, #tpu.memory_space<vmem>>
        %dma_start3A_276 = arith.constant 0 : i32
        %dma_start3A_277 = tpu.memref_slice %arg3[%squeeze3A_272, %dma_start3A_276] : memref<1000000x64xf32, #tpu.memory_space<hbm>> -> memref<1x64xf32, #tpu.memory_space<hbm>>
        %dma_start3A_278 = arith.constant 196 : i32
        %dma_start3A_279 = arith.constant 0 : i32
        %dma_start3A_280 = tpu.memref_slice %arg6[%dma_start3A_278, %dma_start3A_279] : memref<200x64xf32, #tpu.memory_space<vmem>> -> memref<1x64xf32, #tpu.memory_space<vmem>>
        %dma_start3A_281 = arith.constant 0 : i32
        %dma_start3A_282 = tpu.memref_slice %arg3[%squeeze3A_272, %dma_start3A_281] : memref<1000000x64xf32, #tpu.memory_space<hbm>> -> memref<1x64xf32, #tpu.memory_space<hbm>>
        tpu.enqueue_dma source(%dma_start3A_282 : memref<1x64xf32, #tpu.memory_space<hbm>>) target(%dma_start3A_280 : memref<1x64xf32, #tpu.memory_space<vmem>>) target_semaphore(%arg9 : memref<!tpu.dma_semaphore, #tpu.memory_space<semaphore_mem>>)
        %slice3A_283 = vector.extract_strided_slice %get3A_222 {offsets = [13], sizes = [1], strides = [1]} : vector<16xi32> to vector<1xi32>
        %squeeze3A_284 = vector.extract %slice3A_283[0] : i32 from vector<1xi32>
        %dma_start3A_285 = arith.constant 197 : i32
        %dma_start3A_286 = arith.constant 0 : i32
        %dma_start3A_287 = tpu.memref_slice %arg6[%dma_start3A_285, %dma_start3A_286] : memref<200x64xf32, #tpu.memory_space<vmem>> -> memref<1x64xf32, #tpu.memory_space<vmem>>
        %dma_start3A_288 = arith.constant 0 : i32
        %dma_start3A_289 = tpu.memref_slice %arg3[%squeeze3A_284, %dma_start3A_288] : memref<1000000x64xf32, #tpu.memory_space<hbm>> -> memref<1x64xf32, #tpu.memory_space<hbm>>
        %dma_start3A_290 = arith.constant 197 : i32
        %dma_start3A_291 = arith.constant 0 : i32
        %dma_start3A_292 = tpu.memref_slice %arg6[%dma_start3A_290, %dma_start3A_291] : memref<200x64xf32, #tpu.memory_space<vmem>> -> memref<1x64xf32, #tpu.memory_space<vmem>>
        %dma_start3A_293 = arith.constant 0 : i32
        %dma_start3A_294 = tpu.memref_slice %arg3[%squeeze3A_284, %dma_start3A_293] : memref<1000000x64xf32, #tpu.memory_space<hbm>> -> memref<1x64xf32, #tpu.memory_space<hbm>>
        tpu.enqueue_dma source(%dma_start3A_294 : memref<1x64xf32, #tpu.memory_space<hbm>>) target(%dma_start3A_292 : memref<1x64xf32, #tpu.memory_space<vmem>>) target_semaphore(%arg9 : memref<!tpu.dma_semaphore, #tpu.memory_space<semaphore_mem>>)
        %slice3A_295 = vector.extract_strided_slice %get3A_222 {offsets = [14], sizes = [1], strides = [1]} : vector<16xi32> to vector<1xi32>
        %squeeze3A_296 = vector.extract %slice3A_295[0] : i32 from vector<1xi32>
        %dma_start3A_297 = arith.constant 198 : i32
        %dma_start3A_298 = arith.constant 0 : i32
        %dma_start3A_299 = tpu.memref_slice %arg6[%dma_start3A_297, %dma_start3A_298] : memref<200x64xf32, #tpu.memory_space<vmem>> -> memref<1x64xf32, #tpu.memory_space<vmem>>
        %dma_start3A_300 = arith.constant 0 : i32
        %dma_start3A_301 = tpu.memref_slice %arg3[%squeeze3A_296, %dma_start3A_300] : memref<1000000x64xf32, #tpu.memory_space<hbm>> -> memref<1x64xf32, #tpu.memory_space<hbm>>
        %dma_start3A_302 = arith.constant 198 : i32
        %dma_start3A_303 = arith.constant 0 : i32
        %dma_start3A_304 = tpu.memref_slice %arg6[%dma_start3A_302, %dma_start3A_303] : memref<200x64xf32, #tpu.memory_space<vmem>> -> memref<1x64xf32, #tpu.memory_space<vmem>>
        %dma_start3A_305 = arith.constant 0 : i32
        %dma_start3A_306 = tpu.memref_slice %arg3[%squeeze3A_296, %dma_start3A_305] : memref<1000000x64xf32, #tpu.memory_space<hbm>> -> memref<1x64xf32, #tpu.memory_space<hbm>>
        tpu.enqueue_dma source(%dma_start3A_306 : memref<1x64xf32, #tpu.memory_space<hbm>>) target(%dma_start3A_304 : memref<1x64xf32, #tpu.memory_space<vmem>>) target_semaphore(%arg9 : memref<!tpu.dma_semaphore, #tpu.memory_space<semaphore_mem>>)
        %slice3A_307 = vector.extract_strided_slice %get3A_222 {offsets = [15], sizes = [1], strides = [1]} : vector<16xi32> to vector<1xi32>
        %squeeze3A_308 = vector.extract %slice3A_307[0] : i32 from vector<1xi32>
        %dma_start3A_309 = arith.constant 199 : i32
        %dma_start3A_310 = arith.constant 0 : i32
        %dma_start3A_311 = tpu.memref_slice %arg6[%dma_start3A_309, %dma_start3A_310] : memref<200x64xf32, #tpu.memory_space<vmem>> -> memref<1x64xf32, #tpu.memory_space<vmem>>
        %dma_start3A_312 = arith.constant 0 : i32
        %dma_start3A_313 = tpu.memref_slice %arg3[%squeeze3A_308, %dma_start3A_312] : memref<1000000x64xf32, #tpu.memory_space<hbm>> -> memref<1x64xf32, #tpu.memory_space<hbm>>
        %dma_start3A_314 = arith.constant 199 : i32
        %dma_start3A_315 = arith.constant 0 : i32
        %dma_start3A_316 = tpu.memref_slice %arg6[%dma_start3A_314, %dma_start3A_315] : memref<200x64xf32, #tpu.memory_space<vmem>> -> memref<1x64xf32, #tpu.memory_space<vmem>>
        %dma_start3A_317 = arith.constant 0 : i32
        %dma_start3A_318 = tpu.memref_slice %arg3[%squeeze3A_308, %dma_start3A_317] : memref<1000000x64xf32, #tpu.memory_space<hbm>> -> memref<1x64xf32, #tpu.memory_space<hbm>>
        tpu.enqueue_dma source(%dma_start3A_318 : memref<1x64xf32, #tpu.memory_space<hbm>>) target(%dma_start3A_316 : memref<1x64xf32, #tpu.memory_space<vmem>>) target_semaphore(%arg9 : memref<!tpu.dma_semaphore, #tpu.memory_space<semaphore_mem>>)
      } else {
      }
      %dma_wait3A_169 = arith.constant 0 : i32
      %dma_wait3A_170 = arith.constant 0 : i32
      %dma_wait3A_171 = tpu.memref_slice %arg3[%dma_wait3A_169, %dma_wait3A_170] : memref<1000000x64xf32, #tpu.memory_space<hbm>> -> memref<200x64xf32, #tpu.memory_space<hbm>>
      %dma_wait3A_172 = arith.constant 0 : i32
      %dma_wait3A_173 = arith.constant 0 : i32
      %dma_wait3A_174 = tpu.memref_slice %arg3[%dma_wait3A_172, %dma_wait3A_173] : memref<1000000x64xf32, #tpu.memory_space<hbm>> -> memref<200x64xf32, #tpu.memory_space<hbm>>
      tpu.wait_dma2 semaphore(%arg10 : memref<!tpu.dma_semaphore, #tpu.memory_space<semaphore_mem>>) src(%dma_wait3A_174 : memref<200x64xf32, #tpu.memory_space<hbm>>) dst(%arg7 : memref<200x64xf32, #tpu.memory_space<vmem>>)
      %broadcast_in_dim3A_175 = arith.constant 0.000000e+00 : f32
      %broadcast_in_dim3A_176 = vector.broadcast %broadcast_in_dim3A_175 : f32 to vector<16xf32>
      %broadcast_in_dim3A_177 = arith.constant 0.000000e+00 : f32
      %broadcast_in_dim3A_178 = vector.broadcast %broadcast_in_dim3A_177 : f32 to vector<16xf32>
      %broadcast_in_dim3A_179 = arith.constant 0.000000e+00 : f32
      %broadcast_in_dim3A_180 = vector.broadcast %broadcast_in_dim3A_179 : f32 to vector<16xf32>
      %broadcast_in_dim3A_181 = arith.constant 0.000000e+00 : f32
      %broadcast_in_dim3A_182 = vector.broadcast %broadcast_in_dim3A_181 : f32 to vector<16xf32>
      %scan3A_183 = arith.constant 0 : i32
      %scan3A_184 = arith.constant 25 : i32
      %scan3A_185 = arith.addi %scan3A_183, %scan3A_184 : i32
      %scan3A_186 = arith.constant 1 : i32
      %scan3A_187:4 = scf.for %scan3A_210 = %scan3A_183 to %scan3A_185 step %scan3A_186 iter_args(%scan3A_211 = %broadcast_in_dim3A_176, %scan3A_212 = %broadcast_in_dim3A_178, %scan3A_213 = %broadcast_in_dim3A_180, %scan3A_214 = %broadcast_in_dim3A_182) -> (vector<16xf32>, vector<16xf32>, vector<16xf32>, vector<16xf32>)  : i32 {
        %mul3A_215 = arith.constant 8 : i32
        %mul3A_216 = arith.muli %scan3A_210, %mul3A_215 : i32
        %add3A_217 = arith.constant 0 : i32
        %add3A_218 = arith.addi %mul3A_216, %add3A_217 : i32
        %get3A_219 = arith.index_cast %add3A_218 : i32 to index
        %get3A_220 = arith.constant 0 : index
        %get3A_221 = tpu.vector_load %arg7[%get3A_219, %get3A_220] {strides = array<i32>} : memref<200x64xf32, #tpu.memory_space<vmem>>, vector<1x16xf32>,
        %get3A_222 = vector.shape_cast %get3A_221 : vector<1x16xf32> to vector<16xf32>
        %add3A_223 = arith.addf %scan3A_211, %get3A_222 : vector<16xf32>
        %get3A_224 = arith.index_cast %add3A_218 : i32 to index
        %get3A_225 = arith.constant 16 : index
        %get3A_226 = tpu.vector_load %arg7[%get3A_224, %get3A_225] {strides = array<i32>} : memref<200x64xf32, #tpu.memory_space<vmem>>, vector<1x16xf32>,
        %get3A_227 = vector.shape_cast %get3A_226 : vector<1x16xf32> to vector<16xf32>
        %add3A_228 = arith.addf %scan3A_212, %get3A_227 : vector<16xf32>
        %get3A_229 = arith.index_cast %add3A_218 : i32 to index
        %get3A_230 = arith.constant 32 : index
        %get3A_231 = tpu.vector_load %arg7[%get3A_229, %get3A_230] {strides = array<i32>} : memref<200x64xf32, #tpu.memory_space<vmem>>, vector<1x16xf32>,
        %get3A_232 = vector.shape_cast %get3A_231 : vector<1x16xf32> to vector<16xf32>
        %add3A_233 = arith.addf %scan3A_213, %get3A_232 : vector<16xf32>
        %get3A_234 = arith.index_cast %add3A_218 : i32 to index
        %get3A_235 = arith.constant 48 : index
        %get3A_236 = tpu.vector_load %arg7[%get3A_234, %get3A_235] {strides = array<i32>} : memref<200x64xf32, #tpu.memory_space<vmem>>, vector<1x16xf32>,
        %get3A_237 = vector.shape_cast %get3A_236 : vector<1x16xf32> to vector<16xf32>
        %add3A_238 = arith.addf %scan3A_214, %get3A_237 : vector<16xf32>
        %mul3A_239 = arith.constant 8 : i32
        %mul3A_240 = arith.muli %scan3A_210, %mul3A_239 : i32
        %add3A_241 = arith.constant 1 : i32
        %add3A_242 = arith.addi %mul3A_240, %add3A_241 : i32
        %get3A_243 = arith.index_cast %add3A_242 : i32 to index
        %get3A_244 = arith.constant 0 : index
        %get3A_245 = tpu.vector_load %arg7[%get3A_243, %get3A_244] {strides = array<i32>} : memref<200x64xf32, #tpu.memory_space<vmem>>, vector<1x16xf32>,
        %get3A_246 = vector.shape_cast %get3A_245 : vector<1x16xf32> to vector<16xf32>
        %add3A_247 = arith.addf %add3A_223, %get3A_246 : vector<16xf32>
        %get3A_248 = arith.index_cast %add3A_242 : i32 to index
        %get3A_249 = arith.constant 16 : index
        %get3A_250 = tpu.vector_load %arg7[%get3A_248, %get3A_249] {strides = array<i32>} : memref<200x64xf32, #tpu.memory_space<vmem>>, vector<1x16xf32>,
        %get3A_251 = vector.shape_cast %get3A_250 : vector<1x16xf32> to vector<16xf32>
        %add3A_252 = arith.addf %add3A_228, %get3A_251 : vector<16xf32>
        %get3A_253 = arith.index_cast %add3A_242 : i32 to index
        %get3A_254 = arith.constant 32 : index
        %get3A_255 = tpu.vector_load %arg7[%get3A_253, %get3A_254] {strides = array<i32>} : memref<200x64xf32, #tpu.memory_space<vmem>>, vector<1x16xf32>,
        %get3A_256 = vector.shape_cast %get3A_255 : vector<1x16xf32> to vector<16xf32>
        %add3A_257 = arith.addf %add3A_233, %get3A_256 : vector<16xf32>
        %get3A_258 = arith.index_cast %add3A_242 : i32 to index
        %get3A_259 = arith.constant 48 : index
        %get3A_260 = tpu.vector_load %arg7[%get3A_258, %get3A_259] {strides = array<i32>} : memref<200x64xf32, #tpu.memory_space<vmem>>, vector<1x16xf32>,
        %get3A_261 = vector.shape_cast %get3A_260 : vector<1x16xf32> to vector<16xf32>
        %add3A_262 = arith.addf %add3A_238, %get3A_261 : vector<16xf32>
        %mul3A_263 = arith.constant 8 : i32
        %mul3A_264 = arith.muli %scan3A_210, %mul3A_263 : i32
        %add3A_265 = arith.constant 2 : i32
        %add3A_266 = arith.addi %mul3A_264, %add3A_265 : i32
        %get3A_267 = arith.index_cast %add3A_266 : i32 to index
        %get3A_268 = arith.constant 0 : index
        %get3A_269 = tpu.vector_load %arg7[%get3A_267, %get3A_268] {strides = array<i32>} : memref<200x64xf32, #tpu.memory_space<vmem>>, vector<1x16xf32>,
        %get3A_270 = vector.shape_cast %get3A_269 : vector<1x16xf32> to vector<16xf32>
        %add3A_271 = arith.addf %add3A_247, %get3A_270 : vector<16xf32>
        %get3A_272 = arith.index_cast %add3A_266 : i32 to index
        %get3A_273 = arith.constant 16 : index
        %get3A_274 = tpu.vector_load %arg7[%get3A_272, %get3A_273] {strides = array<i32>} : memref<200x64xf32, #tpu.memory_space<vmem>>, vector<1x16xf32>,
        %get3A_275 = vector.shape_cast %get3A_274 : vector<1x16xf32> to vector<16xf32>
        %add3A_276 = arith.addf %add3A_252, %get3A_275 : vector<16xf32>
        %get3A_277 = arith.index_cast %add3A_266 : i32 to index
        %get3A_278 = arith.constant 32 : index
        %get3A_279 = tpu.vector_load %arg7[%get3A_277, %get3A_278] {strides = array<i32>} : memref<200x64xf32, #tpu.memory_space<vmem>>, vector<1x16xf32>,
        %get3A_280 = vector.shape_cast %get3A_279 : vector<1x16xf32> to vector<16xf32>
        %add3A_281 = arith.addf %add3A_257, %get3A_280 : vector<16xf32>
        %get3A_282 = arith.index_cast %add3A_266 : i32 to index
        %get3A_283 = arith.constant 48 : index
        %get3A_284 = tpu.vector_load %arg7[%get3A_282, %get3A_283] {strides = array<i32>} : memref<200x64xf32, #tpu.memory_space<vmem>>, vector<1x16xf32>,
        %get3A_285 = vector.shape_cast %get3A_284 : vector<1x16xf32> to vector<16xf32>
        %add3A_286 = arith.addf %add3A_262, %get3A_285 : vector<16xf32>
        %mul3A_287 = arith.constant 8 : i32
        %mul3A_288 = arith.muli %scan3A_210, %mul3A_287 : i32
        %add3A_289 = arith.constant 3 : i32
        %add3A_290 = arith.addi %mul3A_288, %add3A_289 : i32
        %get3A_291 = arith.index_cast %add3A_290 : i32 to index
        %get3A_292 = arith.constant 0 : index
        %get3A_293 = tpu.vector_load %arg7[%get3A_291, %get3A_292] {strides = array<i32>} : memref<200x64xf32, #tpu.memory_space<vmem>>, vector<1x16xf32>,
        %get3A_294 = vector.shape_cast %get3A_293 : vector<1x16xf32> to vector<16xf32>
        %add3A_295 = arith.addf %add3A_271, %get3A_294 : vector<16xf32>
        %get3A_296 = arith.index_cast %add3A_290 : i32 to index
        %get3A_297 = arith.constant 16 : index
        %get3A_298 = tpu.vector_load %arg7[%get3A_296, %get3A_297] {strides = array<i32>} : memref<200x64xf32, #tpu.memory_space<vmem>>, vector<1x16xf32>,
        %get3A_299 = vector.shape_cast %get3A_298 : vector<1x16xf32> to vector<16xf32>
        %add3A_300 = arith.addf %add3A_276, %get3A_299 : vector<16xf32>
        %get3A_301 = arith.index_cast %add3A_290 : i32 to index
        %get3A_302 = arith.constant 32 : index
        %get3A_303 = tpu.vector_load %arg7[%get3A_301, %get3A_302] {strides = array<i32>} : memref<200x64xf32, #tpu.memory_space<vmem>>, vector<1x16xf32>,
        %get3A_304 = vector.shape_cast %get3A_303 : vector<1x16xf32> to vector<16xf32>
        %add3A_305 = arith.addf %add3A_281, %get3A_304 : vector<16xf32>
        %get3A_306 = arith.index_cast %add3A_290 : i32 to index
        %get3A_307 = arith.constant 48 : index
        %get3A_308 = tpu.vector_load %arg7[%get3A_306, %get3A_307] {strides = array<i32>} : memref<200x64xf32, #tpu.memory_space<vmem>>, vector<1x16xf32>,
        %get3A_309 = vector.shape_cast %get3A_308 : vector<1x16xf32> to vector<16xf32>
        %add3A_310 = arith.addf %add3A_286, %get3A_309 : vector<16xf32>
        %mul3A_311 = arith.constant 8 : i32
        %mul3A_312 = arith.muli %scan3A_210, %mul3A_311 : i32
        %add3A_313 = arith.constant 4 : i32
        %add3A_314 = arith.addi %mul3A_312, %add3A_313 : i32
        %get3A_315 = arith.index_cast %add3A_314 : i32 to index
        %get3A_316 = arith.constant 0 : index
        %get3A_317 = tpu.vector_load %arg7[%get3A_315, %get3A_316] {strides = array<i32>} : memref<200x64xf32, #tpu.memory_space<vmem>>, vector<1x16xf32>,
        %get3A_318 = vector.shape_cast %get3A_317 : vector<1x16xf32> to vector<16xf32>
        %add3A_319 = arith.addf %add3A_295, %get3A_318 : vector<16xf32>
        %get3A_320 = arith.index_cast %add3A_314 : i32 to index
        %get3A_321 = arith.constant 16 : index
        %get3A_322 = tpu.vector_load %arg7[%get3A_320, %get3A_321] {strides = array<i32>} : memref<200x64xf32, #tpu.memory_space<vmem>>, vector<1x16xf32>,
        %get3A_323 = vector.shape_cast %get3A_322 : vector<1x16xf32> to vector<16xf32>
        %add3A_324 = arith.addf %add3A_300, %get3A_323 : vector<16xf32>
        %get3A_325 = arith.index_cast %add3A_314 : i32 to index
        %get3A_326 = arith.constant 32 : index
        %get3A_327 = tpu.vector_load %arg7[%get3A_325, %get3A_326] {strides = array<i32>} : memref<200x64xf32, #tpu.memory_space<vmem>>, vector<1x16xf32>,
        %get3A_328 = vector.shape_cast %get3A_327 : vector<1x16xf32> to vector<16xf32>
        %add3A_329 = arith.addf %add3A_305, %get3A_328 : vector<16xf32>
        %get3A_330 = arith.index_cast %add3A_314 : i32 to index
        %get3A_331 = arith.constant 48 : index
        %get3A_332 = tpu.vector_load %arg7[%get3A_330, %get3A_331] {strides = array<i32>} : memref<200x64xf32, #tpu.memory_space<vmem>>, vector<1x16xf32>,
        %get3A_333 = vector.shape_cast %get3A_332 : vector<1x16xf32> to vector<16xf32>
        %add3A_334 = arith.addf %add3A_310, %get3A_333 : vector<16xf32>
        %mul3A_335 = arith.constant 8 : i32
        %mul3A_336 = arith.muli %scan3A_210, %mul3A_335 : i32
        %add3A_337 = arith.constant 5 : i32
        %add3A_338 = arith.addi %mul3A_336, %add3A_337 : i32
        %get3A_339 = arith.index_cast %add3A_338 : i32 to index
        %get3A_340 = arith.constant 0 : index
        %get3A_341 = tpu.vector_load %arg7[%get3A_339, %get3A_340] {strides = array<i32>} : memref<200x64xf32, #tpu.memory_space<vmem>>, vector<1x16xf32>,
        %get3A_342 = vector.shape_cast %get3A_341 : vector<1x16xf32> to vector<16xf32>
        %add3A_343 = arith.addf %add3A_319, %get3A_342 : vector<16xf32>
        %get3A_344 = arith.index_cast %add3A_338 : i32 to index
        %get3A_345 = arith.constant 16 : index
        %get3A_346 = tpu.vector_load %arg7[%get3A_344, %get3A_345] {strides = array<i32>} : memref<200x64xf32, #tpu.memory_space<vmem>>, vector<1x16xf32>,
        %get3A_347 = vector.shape_cast %get3A_346 : vector<1x16xf32> to vector<16xf32>
        %add3A_348 = arith.addf %add3A_324, %get3A_347 : vector<16xf32>
        %get3A_349 = arith.index_cast %add3A_338 : i32 to index
        %get3A_350 = arith.constant 32 : index
        %get3A_351 = tpu.vector_load %arg7[%get3A_349, %get3A_350] {strides = array<i32>} : memref<200x64xf32, #tpu.memory_space<vmem>>, vector<1x16xf32>,
        %get3A_352 = vector.shape_cast %get3A_351 : vector<1x16xf32> to vector<16xf32>
        %add3A_353 = arith.addf %add3A_329, %get3A_352 : vector<16xf32>
        %get3A_354 = arith.index_cast %add3A_338 : i32 to index
        %get3A_355 = arith.constant 48 : index
        %get3A_356 = tpu.vector_load %arg7[%get3A_354, %get3A_355] {strides = array<i32>} : memref<200x64xf32, #tpu.memory_space<vmem>>, vector<1x16xf32>,
        %get3A_357 = vector.shape_cast %get3A_356 : vector<1x16xf32> to vector<16xf32>
        %add3A_358 = arith.addf %add3A_334, %get3A_357 : vector<16xf32>
        %mul3A_359 = arith.constant 8 : i32
        %mul3A_360 = arith.muli %scan3A_210, %mul3A_359 : i32
        %add3A_361 = arith.constant 6 : i32
        %add3A_362 = arith.addi %mul3A_360, %add3A_361 : i32
        %get3A_363 = arith.index_cast %add3A_362 : i32 to index
        %get3A_364 = arith.constant 0 : index
        %get3A_365 = tpu.vector_load %arg7[%get3A_363, %get3A_364] {strides = array<i32>} : memref<200x64xf32, #tpu.memory_space<vmem>>, vector<1x16xf32>,
        %get3A_366 = vector.shape_cast %get3A_365 : vector<1x16xf32> to vector<16xf32>
        %add3A_367 = arith.addf %add3A_343, %get3A_366 : vector<16xf32>
        %get3A_368 = arith.index_cast %add3A_362 : i32 to index
        %get3A_369 = arith.constant 16 : index
        %get3A_370 = tpu.vector_load %arg7[%get3A_368, %get3A_369] {strides = array<i32>} : memref<200x64xf32, #tpu.memory_space<vmem>>, vector<1x16xf32>,
        %get3A_371 = vector.shape_cast %get3A_370 : vector<1x16xf32> to vector<16xf32>
        %add3A_372 = arith.addf %add3A_348, %get3A_371 : vector<16xf32>
        %get3A_373 = arith.index_cast %add3A_362 : i32 to index
        %get3A_374 = arith.constant 32 : index
        %get3A_375 = tpu.vector_load %arg7[%get3A_373, %get3A_374] {strides = array<i32>} : memref<200x64xf32, #tpu.memory_space<vmem>>, vector<1x16xf32>,
        %get3A_376 = vector.shape_cast %get3A_375 : vector<1x16xf32> to vector<16xf32>
        %add3A_377 = arith.addf %add3A_353, %get3A_376 : vector<16xf32>
        %get3A_378 = arith.index_cast %add3A_362 : i32 to index
        %get3A_379 = arith.constant 48 : index
        %get3A_380 = tpu.vector_load %arg7[%get3A_378, %get3A_379] {strides = array<i32>} : memref<200x64xf32, #tpu.memory_space<vmem>>, vector<1x16xf32>,
        %get3A_381 = vector.shape_cast %get3A_380 : vector<1x16xf32> to vector<16xf32>
        %add3A_382 = arith.addf %add3A_358, %get3A_381 : vector<16xf32>
        %mul3A_383 = arith.constant 8 : i32
        %mul3A_384 = arith.muli %scan3A_210, %mul3A_383 : i32
        %add3A_385 = arith.constant 7 : i32
        %add3A_386 = arith.addi %mul3A_384, %add3A_385 : i32
        %get3A_387 = arith.index_cast %add3A_386 : i32 to index
        %get3A_388 = arith.constant 0 : index
        %get3A_389 = tpu.vector_load %arg7[%get3A_387, %get3A_388] {strides = array<i32>} : memref<200x64xf32, #tpu.memory_space<vmem>>, vector<1x16xf32>,
        %get3A_390 = vector.shape_cast %get3A_389 : vector<1x16xf32> to vector<16xf32>
        %add3A_391 = arith.addf %add3A_367, %get3A_390 : vector<16xf32>
        %get3A_392 = arith.index_cast %add3A_386 : i32 to index
        %get3A_393 = arith.constant 16 : index
        %get3A_394 = tpu.vector_load %arg7[%get3A_392, %get3A_393] {strides = array<i32>} : memref<200x64xf32, #tpu.memory_space<vmem>>, vector<1x16xf32>,
        %get3A_395 = vector.shape_cast %get3A_394 : vector<1x16xf32> to vector<16xf32>
        %add3A_396 = arith.addf %add3A_372, %get3A_395 : vector<16xf32>
        %get3A_397 = arith.index_cast %add3A_386 : i32 to index
        %get3A_398 = arith.constant 32 : index
        %get3A_399 = tpu.vector_load %arg7[%get3A_397, %get3A_398] {strides = array<i32>} : memref<200x64xf32, #tpu.memory_space<vmem>>, vector<1x16xf32>,
        %get3A_400 = vector.shape_cast %get3A_399 : vector<1x16xf32> to vector<16xf32>
        %add3A_401 = arith.addf %add3A_377, %get3A_400 : vector<16xf32>
        %get3A_402 = arith.index_cast %add3A_386 : i32 to index
        %get3A_403 = arith.constant 48 : index
        %get3A_404 = tpu.vector_load %arg7[%get3A_402, %get3A_403] {strides = array<i32>} : memref<200x64xf32, #tpu.memory_space<vmem>>, vector<1x16xf32>,
        %get3A_405 = vector.shape_cast %get3A_404 : vector<1x16xf32> to vector<16xf32>
        %add3A_406 = arith.addf %add3A_382, %get3A_405 : vector<16xf32>
        scf.yield %add3A_391, %add3A_396, %add3A_401, %add3A_406 : vector<16xf32>, vector<16xf32>, vector<16xf32>, vector<16xf32>
      }
      %scan3A_188 = arith.constant 25 : i32
      %swap3A_189 = arith.index_cast %add3A_161 : i32 to index
      %swap3A_190 = arith.constant 0 : index
      %swap3A_191 = tpu.vector_load %arg8[%swap3A_189, %swap3A_190] {strides = array<i32>} : memref<128x64xf32, #tpu.memory_space<vmem>>, vector<1x16xf32>,
      %swap3A_192 = vector.shape_cast %swap3A_191 : vector<1x16xf32> to vector<16xf32>
      %swap3A_193 = vector.shape_cast %scan3A_187#0 : vector<16xf32> to vector<1x16xf32>
      tpu.vector_store %arg8[%swap3A_189, %swap3A_190], %swap3A_193 {strides = array<i32>} : memref<128x64xf32, #tpu.memory_space<vmem>>, vector<1x16xf32>,
      %swap3A_194 = arith.index_cast %add3A_161 : i32 to index
      %swap3A_195 = arith.constant 16 : index
      %swap3A_196 = tpu.vector_load %arg8[%swap3A_194, %swap3A_195] {strides = array<i32>} : memref<128x64xf32, #tpu.memory_space<vmem>>, vector<1x16xf32>,
      %swap3A_197 = vector.shape_cast %swap3A_196 : vector<1x16xf32> to vector<16xf32>
      %swap3A_198 = vector.shape_cast %scan3A_187#1 : vector<16xf32> to vector<1x16xf32>
      tpu.vector_store %arg8[%swap3A_194, %swap3A_195], %swap3A_198 {strides = array<i32>} : memref<128x64xf32, #tpu.memory_space<vmem>>, vector<1x16xf32>,
      %swap3A_199 = arith.index_cast %add3A_161 : i32 to index
      %swap3A_200 = arith.constant 32 : index
      %swap3A_201 = tpu.vector_load %arg8[%swap3A_199, %swap3A_200] {strides = array<i32>} : memref<128x64xf32, #tpu.memory_space<vmem>>, vector<1x16xf32>,
      %swap3A_202 = vector.shape_cast %swap3A_201 : vector<1x16xf32> to vector<16xf32>
      %swap3A_203 = vector.shape_cast %scan3A_187#2 : vector<16xf32> to vector<1x16xf32>
      tpu.vector_store %arg8[%swap3A_199, %swap3A_200], %swap3A_203 {strides = array<i32>} : memref<128x64xf32, #tpu.memory_space<vmem>>, vector<1x16xf32>,
      %swap3A_204 = arith.index_cast %add3A_161 : i32 to index
      %swap3A_205 = arith.constant 48 : index
      %swap3A_206 = tpu.vector_load %arg8[%swap3A_204, %swap3A_205] {strides = array<i32>} : memref<128x64xf32, #tpu.memory_space<vmem>>, vector<1x16xf32>,
      %swap3A_207 = vector.shape_cast %swap3A_206 : vector<1x16xf32> to vector<16xf32>
      %swap3A_208 = vector.shape_cast %scan3A_187#3 : vector<16xf32> to vector<1x16xf32>
      tpu.vector_store %arg8[%swap3A_204, %swap3A_205], %swap3A_208 {strides = array<i32>} : memref<128x64xf32, #tpu.memory_space<vmem>>, vector<1x16xf32>,
      %scan3A_209 = arith.constant 0 : i32
      scf.yield %scan3A_209 : i32
    }
    %scan3A_112 = arith.constant 64 : i32
    "tpu.region"() ({
      %run_scoped3A = tpu.sem_alloc : memref<!tpu.dma_semaphore, #tpu.memory_space<semaphore_mem>>
      %dma_start3A_113 = arith.constant 0 : i32
      %dma_start3A_114 = tpu.memref_slice %arg4[%mul3A_2, %dma_start3A_113] : memref<4096x64xf32, #tpu.memory_space<hbm>> -> memref<128x64xf32, #tpu.memory_space<hbm>>
      %dma_start3A_115 = arith.constant 0 : i32
      %dma_start3A_116 = tpu.memref_slice %arg4[%mul3A_2, %dma_start3A_115] : memref<4096x64xf32, #tpu.memory_space<hbm>> -> memref<128x64xf32, #tpu.memory_space<hbm>>
      tpu.enqueue_dma source(%arg8 : memref<128x64xf32, #tpu.memory_space<vmem>>) target(%dma_start3A_116 : memref<128x64xf32, #tpu.memory_space<hbm>>) target_semaphore(%run_scoped3A : memref<!tpu.dma_semaphore, #tpu.memory_space<semaphore_mem>>)
      %dma_wait3A = arith.constant 0 : i32
      %dma_wait3A_117 = tpu.memref_slice %arg4[%mul3A_2, %dma_wait3A] : memref<4096x64xf32, #tpu.memory_space<hbm>> -> memref<128x64xf32, #tpu.memory_space<hbm>>
      %dma_wait3A_118 = arith.constant 0 : i32
      %dma_wait3A_119 = tpu.memref_slice %arg4[%mul3A_2, %dma_wait3A_118] : memref<4096x64xf32, #tpu.memory_space<hbm>> -> memref<128x64xf32, #tpu.memory_space<hbm>>
      tpu.wait_dma2 semaphore(%run_scoped3A : memref<!tpu.dma_semaphore, #tpu.memory_space<semaphore_mem>>) src(%arg8 : memref<128x64xf32, #tpu.memory_space<vmem>>) dst(%dma_wait3A_119 : memref<128x64xf32, #tpu.memory_space<hbm>>)
      tpu.yield
    }) : () -> ()
    return
  }
}

module attributes {stable_mosaic.version = 14 : i64} {
  func.func @_dense_body(%arg0: memref<4096x64xf32, #tpu.memory_space<vmem>>, %arg1: memref<64x16xf32, #tpu.memory_space<vmem>>, %arg2: memref<1x16xf32, #tpu.memory_space<vmem>>, %arg3: memref<16x10xf32, #tpu.memory_space<vmem>>, %arg4: memref<1x10xf32, #tpu.memory_space<vmem>>, %arg5: memref<4096x10xf32, #tpu.memory_space<vmem>>) attributes {dimension_semantics = [], scalar_prefetch = 0 : i64, scratch_operands = 0 : i64, tpu.core_type = #tpu.core_type<tc>} {
    %get3A = arith.constant 0 : index
    %get3A_0 = arith.constant 0 : index
    %get3A_1 = vector.load %arg0[%get3A, %get3A_0] : memref<4096x64xf32, #tpu.memory_space<vmem>>, vector<4096x64xf32>
    %mul3A = arith.constant 5.000000e-03 : f32
    %mul3A_2 = vector.broadcast %mul3A : f32 to vector<4096x64xf32>
    %mul3A_3 = arith.mulf %get3A_1, %mul3A_2 : vector<4096x64xf32>
    %get3A_4 = arith.constant 0 : index
    %get3A_5 = arith.constant 0 : index
    %get3A_6 = vector.load %arg1[%get3A_4, %get3A_5] : memref<64x16xf32, #tpu.memory_space<vmem>>, vector<64x16xf32>
    %dot_general3A = arith.constant dense<0.000000e+00> : vector<4096x16xf32>
    %dot_general3A_7 = tpu.matmul %mul3A_3, %get3A_6, %dot_general3A {dimension_numbers = #tpu.dot_dimension_numbers<[1], [0], [0], [1], [0, 0, 1, 1], [], []>, transpose_lhs_hint = false} : vector<4096x64xf32>, vector<64x16xf32>, vector<4096x16xf32> -> vector<4096x16xf32>
    %get3A_8 = arith.constant 0 : index
    %get3A_9 = arith.constant 0 : index
    %get3A_10 = vector.load %arg2[%get3A_8, %get3A_9] : memref<1x16xf32, #tpu.memory_space<vmem>>, vector<1x16xf32>
    %add3A = vector.broadcast %get3A_10 : vector<1x16xf32> to vector<4096x16xf32>
    %add3A_11 = arith.addf %dot_general3A_7, %add3A : vector<4096x16xf32>
    %max3A = arith.constant 0.000000e+00 : f32
    %max3A_12 = vector.broadcast %max3A : f32 to vector<4096x16xf32>
    %max3A_13 = arith.maximumf %add3A_11, %max3A_12 : vector<4096x16xf32>
    %get3A_14 = arith.constant 0 : index
    %get3A_15 = arith.constant 0 : index
    %get3A_16 = vector.load %arg3[%get3A_14, %get3A_15] : memref<16x10xf32, #tpu.memory_space<vmem>>, vector<16x10xf32>
    %dot_general3A_17 = arith.constant dense<0.000000e+00> : vector<4096x10xf32>
    %dot_general3A_18 = tpu.matmul %max3A_13, %get3A_16, %dot_general3A_17 {dimension_numbers = #tpu.dot_dimension_numbers<[1], [0], [0], [1], [0, 0, 1, 1], [], []>, transpose_lhs_hint = false} : vector<4096x16xf32>, vector<16x10xf32>, vector<4096x10xf32> -> vector<4096x10xf32>
    %get3A_19 = arith.constant 0 : index
    %get3A_20 = arith.constant 0 : index
    %get3A_21 = vector.load %arg4[%get3A_19, %get3A_20] : memref<1x10xf32, #tpu.memory_space<vmem>>, vector<1x10xf32>
    %add3A_22 = vector.broadcast %get3A_21 : vector<1x10xf32> to vector<4096x10xf32>
    %add3A_23 = arith.addf %dot_general3A_18, %add3A_22 : vector<4096x10xf32>
    %reduce_max3A = arith.constant dense<0xFF800000> : vector<4096xf32>
    %reduce_max3A_24 = vector.multi_reduction <maximumf>, %add3A_23, %reduce_max3A [1] : vector<4096x10xf32> to vector<4096xf32>
    %broadcast_in_dim3A = vector.shape_cast %reduce_max3A_24 : vector<4096xf32> to vector<4096x1xf32>
    %sub3A = vector.broadcast %broadcast_in_dim3A : vector<4096x1xf32> to vector<4096x10xf32>
    %sub3A_25 = arith.subf %add3A_23, %sub3A : vector<4096x10xf32>
    %exp3A = math.exp %sub3A_25 : vector<4096x10xf32>
    %reduce_sum3A = arith.constant dense<0.000000e+00> : vector<4096xf32>
    %reduce_sum3A_26 = vector.multi_reduction <add>, %exp3A, %reduce_sum3A [1] : vector<4096x10xf32> to vector<4096xf32>
    %broadcast_in_dim3A_27 = vector.shape_cast %reduce_sum3A_26 : vector<4096xf32> to vector<4096x1xf32>
    %div3A = vector.broadcast %broadcast_in_dim3A_27 : vector<4096x1xf32> to vector<4096x10xf32>
    %div3A_28 = arith.divf %exp3A, %div3A : vector<4096x10xf32>
    %swap3A = arith.constant 0 : index
    %swap3A_29 = arith.constant 0 : index
    %swap3A_30 = vector.load %arg5[%swap3A, %swap3A_29] : memref<4096x10xf32, #tpu.memory_space<vmem>>, vector<4096x10xf32>
    tpu.vector_store %arg5[%swap3A, %swap3A_29], %div3A_28 {strides = array<i32>} : memref<4096x10xf32, #tpu.memory_space<vmem>>, vector<4096x10xf32>,
    return
  }
}

</mosaic_0001>

<sc_bundles>
// kernel: kernel.4.cloned.1.call-start
scs
__scs_entry_jumppad:
0x0: {  	(pc) =	sbr.rel $0x88, $3  }
0x1: {  	(tag) =	ssettag $0x0;
	lr =	simm.s32 $0x1  }
0x2: {  	[smem:$0x3F9B] =	sst lr;
	_ =	strace $0xD0000000  }
0x3: {  	_ = 	snop  }
0x4: {  	_ = 	snop  }
0x5: {  	_ = 	snop  }
0x6: {  	_ = 	snop  }
0x7: {  	_ = 	snop  }
__scs_overlays_trampoline_lowered:
0x8: {  	[smem:$0x3FAA] =	sst s0  }
0x9: {  	[smem:$0x3FAB] =	sst s1  }
0xa: {  	[smem:$0x3FAC] =	sst s2  }
0xb: {  	[smem:$0x3FAD] =	sst s3  }
0xc: {  	[smem:$0x3FAE] =	sst s4  }
0xd: {  	[smem:$0x3FAF] =	sst s5  }
0xe: {  	[smem:$0x3FB0] =	sst s6  }
0xf: {  	[smem:$0x3FB1] =	sst s7  }
0x10: {  	[smem:$0x3FB2] =	sst s8  }
0x11: {  	[smem:$0x3FB3] =	sst s9;
	s0 =	simm.s32 @!p0 $0x0  }
0x12: {  	s1 =	sld [smem:$0x3F99];
	s0 =	simm.s32 @p0 $0x1  }
0x13: {  	[smem:$0x3FB4] =	sst s0;
	s0 =	simm.s32 @!p1 $0x0  }
0x14: {  	s2 =	sld [smem:$0x3F98];
	s0 =	simm.s32 @p1 $0x1  }
0x15: {  	[smem:$0x3FB5] =	sst s0;
	s0 =	simm.s32 @!p2 $0x0  }
0x16: {  	s3 =	sld [smem:$0x3FDB];
	s0 =	simm.s32 @p2 $0x1  }
0x17: {  	s4 =	simm.s32 $0x1BF5;
	[smem:$0x3FB7] =	sst s0  }
0x18: {  	s0 =	sld [smem:$0x3F9A];
	_ =	swait.ge [sflag:s4], $0x0  }
0x19: {  	s7 =	sld [smem:$0x3F9B]  }
0x1a: {  	s8 =	sadd.s32 $0xFFFFE003, lr  }
0x1b: {  	s9 =	sadd.s32 $0xFFFFFEF7, lr;
	s5 =	simm.s32 $0xFFFFFFFF;
	p2 =	slt.u32 s8, $0xFFFFF086  }
0x1c: {  	p1 =	slt.u32 s9, $0xF7A;
	s5 =	simm.s32 @!p2 $0x0  }
0x1d: {  	s5 =	simm.s32 @p1 $0x1;
	p0 =	seq.s32 s7, s2  }
0x1e: {  	s7 =	smul.u32 @!p0 $0xF7A, s2;
	p2 =	seq.s32 @!p0 s5, $0x0  }
0x1f: {  	s9 =	smul.u32 $0xF7A, s1;
	s8 =	simm.s32 @!p0 $0x1BF5;
	p2 =	por !p2, p0  }
0x20: {  	[sflag:s8] =	ssyncset.s32 @!p0 $0xFFFFF086;
	s6 =	sadd.s32 @!p0 s3, s7;
	s7 =	simm.s32 @!p0 $0x108  }
0x21: {  	s3 =	sadd.s32 s3, s9;
	s6 =	sadd.s32 @!p0 $0x88, s6;
	s7 =	simm.s32 @p2 $0x1082  }
0x22: {  	[simem:s7], [sflag:s8] =	dma.local @!p0 [hbm:s6], $0xF7A  }
0x23: {  	s9 =	sor.u32 $0xD0000000, s2;
	s6 =	simm.s32 $0x108;
	_ =	swait.ge @!p0 [sflag:s8], $0x0  }
0x24: {  	s3 =	sadd.s32 $0x88, s3;
	s6 =	simm.s32 @!p1 $0x1082;
	[sflag:s4] =	ssyncset.s32 $0xFFFFF086  }
0x25: {  	[simem:s6], [sflag:s4] =	dma.local [hbm:s3], $0xF7A  }
0x26: {  	[smem:$0x3F9B] =	sst s1;
	(tag) =	ssettag s2;
	_ =	strace s9  }
0x27: {  	s1 =	sld [smem:$0x3FAB]  }
0x28: {  	s2 =	sld [smem:$0x3FAC]  }
0x29: {  	s4 =	sld [smem:$0x3FAE]  }
0x2a: {  	p0 =	seq.s32 s5, $0x0;
	s5 =	sld [smem:$0x3FAF]  }
0x2b: {  	s6 =	sld [smem:$0x3FB0]  }
0x2c: {  	s7 =	sld [smem:$0x3FB1]  }
0x2d: {  	s3 =	simm.s32 $0x108;
	s8 =	sld [smem:$0x3FB2]  }
0x2e: {  	s3 =	simm.s32 @!p0 $0x1082;
	s9 =	sld [smem:$0x3FB3]  }
0x2f: {  	lr =	sadd.s32 s0, s3;
	s0 =	sld [smem:$0x3FAA]  }
0x30: {  	s3 =	sld [smem:$0x3FAD]  }
0x31: {  	[smem:$0x3FB6] =	sst s10  }
0x32: {  	s10 =	sld [smem:$0x3FB4];
	_ =	sdelay $0x3  }
0x33: {  	p0 =	seq.s32 s10, $0x1;
	s10 =	sld [smem:$0x3FB6];
	_ =	sdelay $0x3  }
0x34: {  	[smem:$0x3FB6] =	sst s10  }
0x35: {  	s10 =	sld [smem:$0x3FB5];
	_ =	sdelay $0x3  }
0x36: {  	p1 =	seq.s32 s10, $0x1;
	s10 =	sld [smem:$0x3FB6];
	_ =	sdelay $0x3  }
0x37: {  	[smem:$0x3FB6] =	sst s10  }
0x38: {  	s10 =	sld [smem:$0x3FB7]  }
0x39: {  	_ = 	snop;
	(pc) =	sbr.ind lr, $3  }
0x3a: {  	_ = 	snop  }
0x3b: {  	_ = 	snop  }
0x3c: {  	p2 =	seq.s32 s10, $0x1;
	s10 =	sld [smem:$0x3FB6]  }
0x3d: {  	_ =	shalt  }
0x3e: {  	_ =	shalt  }
0x3f: {  	_ =	shalt  }
0x40: {  	_ =	shalt  }
0x41: {  	_ =	shalt  }
0x42: {  	_ =	shalt  }
0x43: {  	_ =	shalt  }
0x44: {  	_ =	shalt  }
0x45: {  	_ =	shalt  }
0x46: {  	_ =	shalt  }
0x47: {  	_ =	shalt  }
0x48: {  	_ =	shalt  }
0x49: {  	_ =	shalt  }
0x4a: {  	_ =	shalt  }
0x4b: {  	_ =	shalt  }
0x4c: {  	_ =	shalt  }
0x4d: {  	_ =	shalt  }
0x4e: {  	_ =	shalt  }
0x4f: {  	_ =	shalt  }
0x50: {  	_ =	shalt  }
0x51: {  	_ =	shalt  }
0x52: {  	_ =	shalt  }
0x53: {  	_ =	shalt  }
0x54: {  	_ =	shalt  }
0x55: {  	_ =	shalt  }
0x56: {  	_ =	shalt  }
0x57: {  	_ =	shalt  }
0x58: {  	_ =	shalt  }
0x59: {  	_ =	shalt  }
0x5a: {  	_ =	shalt  }
0x5b: {  	_ =	shalt  }
0x5c: {  	_ =	shalt  }
0x5d: {  	_ =	shalt  }
0x5e: {  	_ =	shalt  }
0x5f: {  	_ =	shalt  }
0x60: {  	_ =	shalt  }
0x61: {  	_ =	shalt  }
0x62: {  	_ =	shalt  }
0x63: {  	_ =	shalt  }
0x64: {  	_ =	shalt  }
0x65: {  	_ =	shalt  }
0x66: {  	_ =	shalt  }
0x67: {  	_ =	shalt  }
0x68: {  	_ =	shalt  }
0x69: {  	_ =	shalt  }
0x6a: {  	_ =	shalt  }
0x6b: {  	_ =	shalt  }
0x6c: {  	_ =	shalt  }
0x6d: {  	_ =	shalt  }
0x6e: {  	_ =	shalt  }
0x6f: {  	_ =	shalt  }
0x70: {  	_ =	shalt  }
0x71: {  	_ =	shalt  }
0x72: {  	_ =	shalt  }
0x73: {  	_ =	shalt  }
0x74: {  	_ =	shalt  }
0x75: {  	_ =	shalt  }
0x76: {  	_ =	shalt  }
0x77: {  	_ =	shalt  }
0x78: {  	_ =	shalt  }
0x79: {  	_ =	shalt  }
0x7a: {  	_ =	shalt  }
0x7b: {  	_ =	shalt  }
0x7c: {  	_ =	shalt  }
0x7d: {  	_ =	shalt  }
0x7e: {  	_ =	shalt  }
0x7f: {  	_ =	shalt  }
0x80: {  	_ =	shalt  }
0x81: {  	_ =	shalt  }
0x82: {  	_ =	shalt  }
0x83: {  	_ =	shalt  }
0x84: {  	_ =	shalt  }
0x85: {  	_ =	shalt  }
0x86: {  	_ =	shalt  }
0x87: {  	_ =	shalt  }
.Lfunc_end0:
.L_simem_size_0:
called_computation_lowered:
.L_overlay_start_0:
0x88: {  	s2 =	sld [smem:$0x3FD9]  }
0x89: {  	s3 =	sld [smem:$0x3FFE];
	_ =	sdelay $0x1  }
0x8a: {  	s1 =	srdreg.scid  }
0x8b: {  	s0 =	sand.u32 $0x1, s1  }
0x8c: {  	s16 =	sshll.u32 s0, $0xA;
	s2 =	sadd.s32 s3, s2  }
0x8d: {  	s2 =	sadd.s32 s2, s16  }
0x8e: {  	[smem:$0x3FC2] =	sst s2  }
0x8f: {  	_ = 	snop  }
0x90: {  	(tm) =	ssettm $0x1  }
0x91: {  	s17 =	sld [smem:$0x3FFB];
	_ =	sdelay $0x3  }
0x92: {  	_ =	strace s17  }
0x93: {  	s2 =	sld [smem:$0x3FFC];
	_ =	sdelay $0x3  }
0x94: {  	_ =	strace s2  }
0x95: {  	s2 =	sld [smem:$0x3FFD];
	_ =	sdelay $0x3  }
0x96: {  	_ =	strace s2  }
0x97: {  	_ =	strace $0x8FFFFFFF  }
0x98: {  	s18 =	sld [smem:$0x3FDB];
	_ =	sdelay $0x1  }
0x99: {  	s19 =	simm.s32 $_scs_section_size  }
0x9a: {  	s4 =	simm.s32 $_size__tile_overlayer_lowered;
	s5 =	simm.s32 $_tile_overlayer_lowered  }
0x9b: {  	s22 =	simm.s32 $0x1BFF;
	s21 =	sshll.u32 s5, $0x1;
	s2 =	sadd.s32 s19, s18  }
0x9c: {  	s6 =	simm.s32 $0x0;
	s20 =	sshll.u32 s4, $0x1;
	s4 =	sadd.s32 s21, s2  }
0x9d: {  	[timem:s6], [sflag:s22] =	dma.local [hbm:s4], s20  }
0x9e: {  	_ =	swait.ge [sflag:s22], s20  }
0x9f: {  	s3 =	ssub.s32 $0x0, s20;
	[sflag:s22] =	ssyncset.done $0x0  }
0xa0: {  	[sflag:s22] =	ssyncadd.s32 s3;
	_ =	sdelay $0x1  }
0xa1: {  	s23 =	simm.s32 $0x1B8B  }
0xa2: {  	_ =	swait.ge [sflag:s23], $0x1  }
0xa3: {  	[sflag:s23] =	ssyncset.done $0x0  }
0xa4: {  	s25 =	simm.s32 $0x1B8E;
	s24 =	sld [smem:$0x3FFE];
	[sflag:s23] =	ssyncadd.s32 $0xFFFFFFFF  }
0xa5: {  	s26 =	simm.s32 $execute0_lowered;
	[smem:$0x3FD2] =	sst s25  }
0xa6: {  	s4 =	sshll.u32 s26, $0x1;
	_ =	strace $0x80000046;
	[dreg:$0x1] =	wrdreg $0xFFFFFFFF  }
0xa7: {  	s28 =	simm.s32 $_size_execute0_lowered;
	s2 =	sadd.s32 s2, s4;
	[dreg:$0x0] =	wrdreg $0x0  }
0xa8: {  	s4 =	sshll.u32 s28, $0x1;
	[dreg:$0x2] =	wrdreg s2  }
0xa9: {  	[dreg:$0x3] =	wrdreg s4  }
0xaa: {  	[dreg:$0x4] =	wrdreg $0xC0  }
0xab: {  	_ =	task [dreg:s6], $0x5FFFF  }
0xac: {  	[dreg:$0x1] =	wrdreg $0xFFFFFFFF  }
0xad: {  	[dreg:$0x0] =	wrdreg $0x60  }
0xae: {  	[dreg:$0x2] =	wrdreg s24  }
0xaf: {  	[dreg:$0x3] =	wrdreg $0x9  }
0xb0: {  	_ =	task.clear_ibuf [dreg:s6], $0x4FFFF;
	_ =	strace $0x90000046  }
0xb1: {  	s29 =	simm.s32 $0x9;
	_ =	strace $0x80000048  }
0xb2: {  	_ =	swait.ge [sflag:s29], $0x1  }
0xb3: {  	[sflag:s29] =	ssyncadd.s32 $0xFFFFFFFF  }
0xb4: {  	_ =	strace $0x90000048  }
0xb5: {  	_ =	sfence  }
0xb6: {  	s30 =	sld [smem:$0x0];
	_ =	sdelay $0x2  }
0xb7: {  	s31 =	sshll.u32 s1, $0xD;
	s1 =	sshrl.u32 s1, $0x2  }
0xb8: {  	s3 =	sand.u32 $0x4000, s31;
	s1 =	sadd.s32 s1, s30  }
0xb9: {  	s0 =	sor.u32 s3, s0;
	s1 =	sshll.u32 s1, $0x11  }
0xba: {  	s0 =	sor.u32 s1, s0  }
0xbb: {  	s0 =	sadd.s32 $0x8F2B, s0  }
0xbc: {  	[sflag:s0] =	ssyncadd.remote.s32 $0x1  }
0xbd: {  	_ =	sfence.sel $0xFFFF  }
0xbe: {  	[dreg:$0x0] =	wrdreg $0xFFFFFFFF;
	(pc) =	sbr.abs _section_cstart, $3  }
0xbf: {  	[dreg:$0x1] =	wrdreg $0xFFFFFFFF  }
0xc0: {  	_ =	task.clear_ibuf [dreg:s6], $0x2FFFF;
	_ =	strace $0x9FFFFFFF  }
0xc1: {  	(tm) =	ssettm $0x7FFFFFFF  }
tec
execute0_lowered:
.L_overlay_start_1:
0x0: {  	(tag) =	ssettag $0x1  }
0x1: {  	s0 =	rddreg [dreg:$0x0]  }
0x2: {  	s1 =	srdreg.scid;
	s3 =	stileid.u32  }
0x3: {  	s2 =	simm.s32 $0x0;
	s1 =	sand.u32 $0x1, s1;
	s3 =	sshll.u32 s3, $0x8  }
0x4: {  	[smem:$0x7FF] =	sst s2;
	s4 =	sshll.u32 s1, $0x7;
	s1 =	ssub.s32 $0x2, s1  }
0x5: {  	_ =	strace $0x80000047;
	s3 =	sor.u32 s4, s3;
	s6 =	sshrl.u32 s1, $0x1  }
0x6: {  	s4 =	sshll.u32 s3, $0x5;
	s5 =	sshll.u32 s3, $0x4;
	s1 =	ssub.s32 s1, s6  }
0x7: {  	s3 =	sadd.s32 $0x1000, s0;
	s4 =	sadd.s32 s4, s0;
	s31 =	smax.u32 s1, $0x1  }
0x8: {  	s0 =	sadd.s32 s5, s0;
	s4 =	sadd.s32 $0xF43400, s4;
	[dreg:$0x4] =	wrdreg s31  }
0x9: {  	s0 =	sadd.s32 $0xF63400, s0;
	[dreg:$0x2] =	wrdreg s4  }
0xa: {  	s1 =	simm.s32 $0x0;
	[dreg:$0x3] =	wrdreg s0;
	s4 =	simm.s32 $0x3  }
.LBB2_1:
0xb: {  	[dreg:$0x5] =	wrdreg s1  }
0xc: {  	s0 =	rddreg [dreg:$0x2]  }
0xd: {  	[tilespmem:s2], [sflag:$0x3] =	stream.linear.gather [hbm4b:s0+s2], $0x8000, $0x38;
	[tilespmem:$0x18800] =	vst v63  }
0xe: {  	_ =	swait.ge [sflag:s4], $0x8000  }
0xf: {  	s25 =	sand.u32 $0x70, s2;
	s26 =	sand.u32 $0x400, s2;
	[sflag:s4] =	ssyncset.done $0x0  }
0x10: {  	s0 =	sor.u32 s25, s26;
	[sflag:s4] =	ssyncadd.s32 $0xFFFF8000  }
0x11: {  	v0 =	vld [tilespmem:s0+$0x0];
	_ =	sdelay $0x4  }
0x12: {  	v0 =	vshll.u32 v0, $0x4  }
0x13: {  	(v2sf) =	vpush v0, $0x0  }
0x14: {  	(v2sf) =	vpush v0, $0x1  }
0x15: {  	(v2sf) =	vpush v0, $0x2;
	_ =	sdelay $0x1  }
0x16: {  	(v2sf) =	vpush v0, $0x3  }
0x17: {  	(v2sf) =	vpush v0, $0x4;
	_ =	sdelay $0x6  }
0x18: {  	(v2sf) =	vpush v0, $0x5  }
0x19: {  	s1 =	simm.s32 $0x10  }
0x1a: {  	s6 =	simm.s32 $0x4000;
	s5 =	simm.s32 $0x0;
	s29 =	simm.s32 $0x100  }
0x1b: {  	s8 =	simm.s32 $0x8080;
	s7 =	simm.s32 $0x8680;
	s12 =	spop (v2sf)  }
0x1c: {  	s11 =	simm.s32 $0x8000;
	(v2sf) =	vpush v0, $0x6;
	s12 =	sand.u32 $0x1FFFFFF0, s12;
	s14 =	spop (v2sf)  }
0x1d: {  	s12 =	sadd.s32 s3, s12;
	s14 =	sand.u32 $0x1FFFFFF0, s14;
	s15 =	spop (v2sf)  }
0x1e: {  	(v2sf) =	vpush v0, $0x7;
	[tilespmem:s11], [sflag:$0x1] =	stream.linear.gather [hbm4b:s12+s2], $0x80, $0x38;
	[tilespmem:$0x18800] =	vst v63  }
0x1f: {  	s12 =	sadd.s32 s3, s14;
	s14 =	sand.u32 $0x1FFFFFF0, s15;
	s15 =	spop (v2sf)  }
0x20: {  	s28 =	simm.s32 $0x8580;
	s30 =	simm.s32 $0x8600;
	s18 =	spop (v2sf);
	(v2sf) =	vpush v0, $0x8  }
0x21: {  	s10 =	simm.s32 $0x8400;
	s9 =	simm.s32 $0x8480;
	s13 =	simm.s32 $0x8100  }
0x22: {  	s31 =	simm.s32 $0x8180;
	s22 =	simm.s32 $0x8200;
	s26 =	simm.s32 $0x20;
	(v2sf) =	vpush v0, $0x9  }
0x23: {  	s25 =	simm.s32 $0x8280;
	s4 =	simm.s32 $0x80;
	s0 =	simm.s32 $0x2000  }
0x24: {  	[tilespmem:s8], [sflag:$0x1] =	stream.linear.gather [hbm4b:s12+s2], $0x80, $0x38;
	(v2sf) =	vpush v0, $0xA;
	[tilespmem:$0x18800] =	vst v63  }
0x25: {  	s11 =	simm.s32 $0x8500;
	s16 =	sadd.s32 s3, s14;
	s17 =	sand.u32 $0x1FFFFFF0, s15  }
0x26: {  	[tilespmem:s13], [sflag:$0x1] =	stream.linear.gather [hbm4b:s16+s2], $0x80, $0x38;
	(v2sf) =	vpush v0, $0xB;
	[tilespmem:$0x18800] =	vst v63  }
0x27: {  	s19 =	sadd.s32 s3, s17;
	s20 =	sand.u32 $0x1FFFFFF0, s18;
	s21 =	spop (v2sf)  }
0x28: {  	(v2sf) =	vpush v0, $0xC;
	[tilespmem:s31], [sflag:$0x1] =	stream.linear.gather [hbm4b:s19+s2], $0x80, $0x38;
	[tilespmem:$0x18800] =	vst v63  }
0x29: {  	s8 =	simm.s32 $0x8780;
	s23 =	sadd.s32 s3, s20;
	s24 =	sand.u32 $0x1FFFFFF0, s21  }
0x2a: {  	(v2sf) =	vpush v0, $0xD;
	[tilespmem:s22], [sflag:$0x1] =	stream.linear.gather [hbm4b:s23+s2], $0x80, $0x38;
	[tilespmem:$0x18800] =	vst v63  }
0x2b: {  	s12 =	sadd.s32 s3, s24;
	s13 =	simm.s32 $0x8300;
	s31 =	spop (v2sf)  }
0x2c: {  	(v2sf) =	vpush v0, $0xE;
	[tilespmem:s25], [sflag:$0x1] =	stream.linear.gather [hbm4b:s12+s2], $0x80, $0x38;
	[tilespmem:$0x18800] =	vst v63  }
0x2d: {  	s16 =	sand.u32 $0x1FFFFFF0, s31;
	s15 =	spop (v2sf);
	(v2sf) =	vpush v0, $0xF;
	s12 =	simm.s32 $0x8380  }
.LBB2_2:
0x2e: {  	s16 =	sadd.s32 s3, s16  }
0x2f: {  	s15 =	sand.u32 $0x1FFFFFF0, s15;
	s17 =	spop (v2sf);
	s14 =	smov.u32 s6  }
0x30: {  	[tilespmem:s13], [sflag:$0x1] =	stream.linear.gather [hbm4b:s16+s2], $0x80, $0x38;
	[tilespmem:$0x18800] =	vst v63  }
0x31: {  	s13 =	sadd.s32 s3, s15;
	s15 =	sand.u32 $0x1FFFFFF0, s17;
	s16 =	spop (v2sf)  }
0x32: {  	[tilespmem:s12], [sflag:$0x1] =	stream.linear.gather [hbm4b:s13+s2], $0x80, $0x38;
	[tilespmem:$0x18800] =	vst v63  }
0x33: {  	s12 =	sadd.s32 s3, s15;
	s13 =	sand.u32 $0x1FFFFFF0, s16;
	s15 =	spop (v2sf)  }
0x34: {  	[tilespmem:s10], [sflag:$0x1] =	stream.linear.gather [hbm4b:s12+s2], $0x80, $0x38;
	[tilespmem:$0x18800] =	vst v63  }
0x35: {  	s10 =	sadd.s32 s3, s13;
	s12 =	sand.u32 $0x1FFFFFF0, s15;
	s13 =	spop (v2sf)  }
0x36: {  	[tilespmem:s9], [sflag:$0x1] =	stream.linear.gather [hbm4b:s10+s2], $0x80, $0x38;
	[tilespmem:$0x18800] =	vst v63  }
0x37: {  	s9 =	sadd.s32 s3, s12;
	s10 =	sand.u32 $0x1FFFFFF0, s13;
	s12 =	spop (v2sf)  }
0x38: {  	[tilespmem:s11], [sflag:$0x1] =	stream.linear.gather [hbm4b:s9+s2], $0x80, $0x38;
	[tilespmem:$0x18800] =	vst v63  }
0x39: {  	s9 =	sadd.s32 s3, s10;
	s10 =	sand.u32 $0x1FFFFFF0, s12;
	s11 =	spop (v2sf)  }
0x3a: {  	[tilespmem:s28], [sflag:$0x1] =	stream.linear.gather [hbm4b:s9+s2], $0x80, $0x38;
	[tilespmem:$0x18800] =	vst v63  }
0x3b: {  	s9 =	sadd.s32 s3, s10;
	s10 =	sand.u32 $0x1FFFFFF0, s11;
	s11 =	spop (v2sf)  }
0x3c: {  	[tilespmem:s30], [sflag:$0x1] =	stream.linear.gather [hbm4b:s9+s2], $0x80, $0x38;
	[tilespmem:$0x18800] =	vst v63  }
0x3d: {  	s9 =	sadd.s32 s3, s10;
	s10 =	sand.u32 $0x1FFFFFF0, s11;
	s11 =	spop (v2sf)  }
0x3e: {  	[tilespmem:s7], [sflag:$0x1] =	stream.linear.gather [hbm4b:s9+s2], $0x80, $0x38;
	[tilespmem:$0x18800] =	vst v63  }
0x3f: {  	s5 =	sadd.s32 $0x8700, s5;
	s7 =	sadd.s32 s3, s10;
	s9 =	sand.u32 $0x1FFFFFF0, s11  }
0x40: {  	[tilespmem:s5], [sflag:$0x1] =	stream.linear.gather [hbm4b:s7+s2], $0x80, $0x38;
	[tilespmem:$0x18800] =	vst v63  }
0x41: {  	s1 =	sand.u32 $0x70, s1;
	s4 =	sand.u32 $0x400, s4;
	s5 =	sadd.s32 s3, s9  }
0x42: {  	[tilespmem:s8], [sflag:$0x1] =	stream.linear.gather [hbm4b:s5+s2], $0x80, $0x38;
	[tilespmem:$0x18800] =	vst v63  }
0x43: {  	p0 =	sne.s32 s6, $0x16000;
	s6 =	sadd.s32 $0x2000, s6;
	s1 =	sor.u32 s1, s4  }
0x44: {  	s4 =	smov.u32 s29;
	v0 =	vld [tilespmem:s1+$0x0];
	s1 =	smov.u32 s26;
	_ =	sdelay $0x4  }
0x45: {  	s5 =	sshra.s32 s0, $0x2;
	s0 =	smov.u32 s14;
	s26 =	sadd.s32 $0x10, s26;
	v0 =	vshll.u32 v0, $0x4  }
0x46: {  	s29 =	sadd.s32 $0x80, s29;
	s15 =	sadd.s32 $0x8080, s5;
	s7 =	sadd.s32 $0x8680, s5;
	(v2sf) =	vpush v0, $0x0  }
0x47: {  	s16 =	sadd.s32 $0x8000, s5;
	s28 =	sadd.s32 $0x8580, s5;
	s30 =	sadd.s32 $0x8600, s5;
	(v2sf) =	vpush v0, $0x1  }
0x48: {  	s10 =	sadd.s32 $0x8400, s5;
	s9 =	sadd.s32 $0x8480, s5;
	s11 =	sadd.s32 $0x8500, s5;
	(v2sf) =	vpush v0, $0x2  }
0x49: {  	s13 =	sadd.s32 $0x8300, s5;
	s12 =	sadd.s32 $0x8380, s5  }
0x4a: {  	s14 =	sadd.s32 $0x8280, s5;
	(v2sf) =	vpush v0, $0x3  }
0x4b: {  	s17 =	sadd.s32 $0x8200, s5  }
0x4c: {  	(v2sf) =	vpush v0, $0x4  }
0x4d: {  	s8 =	sadd.s32 $0x8780, s5  }
0x4e: {  	(v2sf) =	vpush v0, $0x5;
	_ =	sdelay $0x1  }
0x4f: {  	s18 =	sadd.s32 $0x8100, s5;
	(v2sf) =	vpush v0, $0x6;
	_ =	sdelay $0x1  }
0x50: {  	s31 =	sadd.s32 $0x8180, s5;
	(v2sf) =	vpush v0, $0x7;
	_ =	sdelay $0x1  }
0x51: {  	(v2sf) =	vpush v0, $0x8  }
0x52: {  	s19 =	spop (v2sf)  }
0x53: {  	s19 =	sand.u32 $0x1FFFFFF0, s19;
	s20 =	spop (v2sf);
	(v2sf) =	vpush v0, $0x9  }
0x54: {  	s19 =	sadd.s32 s3, s19;
	s20 =	sand.u32 $0x1FFFFFF0, s20;
	s21 =	spop (v2sf)  }
0x55: {  	[tilespmem:s16], [sflag:$0x1] =	stream.linear.gather [hbm4b:s19+s2], $0x80, $0x38;
	(v2sf) =	vpush v0, $0xA;
	[tilespmem:$0x18800] =	vst v63  }
0x56: {  	s16 =	sadd.s32 s3, s20;
	s19 =	sand.u32 $0x1FFFFFF0, s21;
	s20 =	spop (v2sf)  }
0x57: {  	[tilespmem:s15], [sflag:$0x1] =	stream.linear.gather [hbm4b:s16+s2], $0x80, $0x38;
	(v2sf) =	vpush v0, $0xB;
	[tilespmem:$0x18800] =	vst v63  }
0x58: {  	s15 =	sadd.s32 s3, s19;
	s16 =	sand.u32 $0x1FFFFFF0, s20;
	s19 =	spop (v2sf)  }
0x59: {  	[tilespmem:s18], [sflag:$0x1] =	stream.linear.gather [hbm4b:s15+s2], $0x80, $0x38;
	(v2sf) =	vpush v0, $0xC;
	[tilespmem:$0x18800] =	vst v63  }
0x5a: {  	s15 =	sadd.s32 s3, s16;
	s16 =	sand.u32 $0x1FFFFFF0, s19;
	s18 =	spop (v2sf)  }
0x5b: {  	[tilespmem:s31], [sflag:$0x1] =	stream.linear.gather [hbm4b:s15+s2], $0x80, $0x38;
	[tilespmem:$0x18800] =	vst v63  }
.Ltmp0:
0x5c: {  	(v2sf) =	vpush v0, $0xD;
	(pc) =	sbr.rel @p0 .LBB2_2-.Ltmp0, $4  }
0x5d: {  	s15 =	sadd.s32 s3, s16;
	s16 =	sand.u32 $0x1FFFFFF0, s18;
	s18 =	spop (v2sf)  }
0x5e: {  	[tilespmem:s17], [sflag:$0x1] =	stream.linear.gather [hbm4b:s15+s2], $0x80, $0x38;
	(v2sf) =	vpush v0, $0xE;
	[tilespmem:$0x18800] =	vst v63  }
0x5f: {  	s17 =	sadd.s32 s3, s16;
	s16 =	sand.u32 $0x1FFFFFF0, s18;
	s15 =	spop (v2sf)  }
0x60: {  	[tilespmem:s14], [sflag:$0x1] =	stream.linear.gather [hbm4b:s17+s2], $0x80, $0x38;
	(v2sf) =	vpush v0, $0xF;
	[tilespmem:$0x18800] =	vst v63  }
0x61: {  	s6 =	sadd.s32 s3, s16;
	s22 =	sand.u32 $0x1FFFFFF0, s15  }
0x62: {  	[tilespmem:s13], [sflag:$0x1] =	stream.linear.gather [hbm4b:s6+s2], $0x80, $0x38;
	[tilespmem:$0x18800] =	vst v63  }
0x63: {  	s23 =	spop (v2sf);
	s6 =	sadd.s32 s3, s22  }
0x64: {  	[tilespmem:s12], [sflag:$0x1] =	stream.linear.gather [hbm4b:s6+s2], $0x80, $0x38;
	[tilespmem:$0x18800] =	vst v63  }
0x65: {  	s6 =	sand.u32 $0x1FFFFFF0, s23  }
0x66: {  	s24 =	spop (v2sf);
	s6 =	sadd.s32 s3, s6  }
0x67: {  	[tilespmem:s10], [sflag:$0x1] =	stream.linear.gather [hbm4b:s6+s2], $0x80, $0x38;
	[tilespmem:$0x18800] =	vst v63  }
0x68: {  	s6 =	sand.u32 $0x1FFFFFF0, s24  }
0x69: {  	s25 =	spop (v2sf);
	s6 =	sadd.s32 s3, s6  }
0x6a: {  	[tilespmem:s9], [sflag:$0x1] =	stream.linear.gather [hbm4b:s6+s2], $0x80, $0x38;
	[tilespmem:$0x18800] =	vst v63  }
0x6b: {  	s6 =	sand.u32 $0x1FFFFFF0, s25  }
0x6c: {  	s26 =	spop (v2sf);
	s6 =	sadd.s32 s3, s6  }
0x6d: {  	[tilespmem:s11], [sflag:$0x1] =	stream.linear.gather [hbm4b:s6+s2], $0x80, $0x38;
	[tilespmem:$0x18800] =	vst v63  }
0x6e: {  	s6 =	sand.u32 $0x1FFFFFF0, s26  }
0x6f: {  	s6 =	sadd.s32 s3, s6  }
0x70: {  	[tilespmem:s28], [sflag:$0x1] =	stream.linear.gather [hbm4b:s6+s2], $0x80, $0x38;
	[tilespmem:$0x18800] =	vst v63  }
0x71: {  	s28 =	spop (v2sf)  }
0x72: {  	s6 =	sand.u32 $0x1FFFFFF0, s28  }
0x73: {  	s29 =	spop (v2sf);
	s6 =	sadd.s32 s3, s6  }
0x74: {  	[tilespmem:s30], [sflag:$0x1] =	stream.linear.gather [hbm4b:s6+s2], $0x80, $0x38;
	[tilespmem:$0x18800] =	vst v63  }
0x75: {  	s6 =	sand.u32 $0x1FFFFFF0, s29  }
0x76: {  	s31 =	spop (v2sf);
	s6 =	sadd.s32 s3, s6  }
0x77: {  	[tilespmem:s7], [sflag:$0x1] =	stream.linear.gather [hbm4b:s6+s2], $0x80, $0x38;
	[tilespmem:$0x18800] =	vst v63  }
0x78: {  	s6 =	sand.u32 $0x1FFFFFF0, s31  }
0x79: {  	s5 =	sadd.s32 $0x8700, s5;
	s7 =	spop (v2sf);
	s6 =	sadd.s32 s3, s6  }
0x7a: {  	[tilespmem:s5], [sflag:$0x1] =	stream.linear.gather [hbm4b:s6+s2], $0x80, $0x38;
	[tilespmem:$0x18800] =	vst v63  }
0x7b: {  	s1 =	sand.u32 $0x70, s1;
	s4 =	sand.u32 $0x400, s4;
	s5 =	sand.u32 $0x1FFFFFF0, s7  }
0x7c: {  	s1 =	sor.u32 s1, s4;
	s5 =	sadd.s32 s3, s5  }
0x7d: {  	[tilespmem:s8], [sflag:$0x1] =	stream.linear.gather [hbm4b:s5+s2], $0x80, $0x38;
	[tilespmem:$0x18800] =	vst v63  }
0x7e: {  	v0 =	vld [tilespmem:s1+$0x0];
	_ =	sdelay $0x4  }
0x7f: {  	v0 =	vshll.u32 v0, $0x4  }
0x80: {  	(v2sf) =	vpush v0, $0x0;
	_ =	sdelay $0x1  }
0x81: {  	(v2sf) =	vpush v0, $0x1;
	_ =	sdelay $0x1  }
0x82: {  	(v2sf) =	vpush v0, $0x2;
	_ =	sdelay $0x2  }
0x83: {  	(v2sf) =	vpush v0, $0x3;
	_ =	sdelay $0x7  }
0x84: {  	s8 =	spop (v2sf);
	(v2sf) =	vpush v0, $0x4;
	_ =	sdelay $0x1  }
0x85: {  	s10 =	spop (v2sf);
	(v2sf) =	vpush v0, $0x5;
	_ =	sdelay $0x1  }
0x86: {  	s12 =	spop (v2sf);
	(v2sf) =	vpush v0, $0x6;
	_ =	sdelay $0x1  }
0x87: {  	s0 =	sshra.s32 s0, $0x2;
	s1 =	sand.u32 $0x1FFFFFF0, s8  }
0x88: {  	s9 =	sadd.s32 $0x8000, s0;
	s1 =	sadd.s32 s3, s1;
	s14 =	spop (v2sf);
	(v2sf) =	vpush v0, $0x7  }
0x89: {  	[tilespmem:s9], [sflag:$0x1] =	stream.linear.gather [hbm4b:s1+s2], $0x80, $0x38;
	[tilespmem:$0x18800] =	vst v63  }
0x8a: {  	s1 =	sand.u32 $0x1FFFFFF0, s10  }
0x8b: {  	s11 =	sadd.s32 $0x8080, s0;
	s1 =	sadd.s32 s3, s1  }
0x8c: {  	[tilespmem:s11], [sflag:$0x1] =	stream.linear.gather [hbm4b:s1+s2], $0x80, $0x38;
	[tilespmem:$0x18800] =	vst v63  }
0x8d: {  	s1 =	sand.u32 $0x1FFFFFF0, s12  }
0x8e: {  	s13 =	sadd.s32 $0x8100, s0;
	s1 =	sadd.s32 s3, s1  }
0x8f: {  	[tilespmem:s13], [sflag:$0x1] =	stream.linear.gather [hbm4b:s1+s2], $0x80, $0x38;
	[tilespmem:$0x18800] =	vst v63  }
0x90: {  	s16 =	spop (v2sf);
	(v2sf) =	vpush v0, $0x8  }
0x91: {  	s1 =	sand.u32 $0x1FFFFFF0, s14  }
0x92: {  	s15 =	sadd.s32 $0x8180, s0;
	s1 =	sadd.s32 s3, s1;
	s18 =	spop (v2sf);
	(v2sf) =	vpush v0, $0x9  }
0x93: {  	[tilespmem:s15], [sflag:$0x1] =	stream.linear.gather [hbm4b:s1+s2], $0x80, $0x38;
	[tilespmem:$0x18800] =	vst v63  }
0x94: {  	s1 =	sand.u32 $0x1FFFFFF0, s16;
	s20 =	spop (v2sf);
	(v2sf) =	vpush v0, $0xA  }
0x95: {  	s17 =	sadd.s32 $0x8200, s0;
	s1 =	sadd.s32 s3, s1  }
0x96: {  	[tilespmem:s17], [sflag:$0x1] =	stream.linear.gather [hbm4b:s1+s2], $0x80, $0x38;
	[tilespmem:$0x18800] =	vst v63  }
0x97: {  	s22 =	spop (v2sf);
	(v2sf) =	vpush v0, $0xB  }
0x98: {  	s1 =	sand.u32 $0x1FFFFFF0, s18  }
0x99: {  	s19 =	sadd.s32 $0x8280, s0;
	s1 =	sadd.s32 s3, s1  }
0x9a: {  	[tilespmem:s19], [sflag:$0x1] =	stream.linear.gather [hbm4b:s1+s2], $0x80, $0x38;
	[tilespmem:$0x18800] =	vst v63  }
0x9b: {  	s1 =	sand.u32 $0x1FFFFFF0, s20  }
0x9c: {  	s21 =	sadd.s32 $0x8300, s0;
	s1 =	sadd.s32 s3, s1  }
0x9d: {  	[tilespmem:s21], [sflag:$0x1] =	stream.linear.gather [hbm4b:s1+s2], $0x80, $0x38;
	[tilespmem:$0x18800] =	vst v63  }
0x9e: {  	s1 =	sand.u32 $0x1FFFFFF0, s22  }
0x9f: {  	s23 =	sadd.s32 $0x8380, s0;
	s1 =	sadd.s32 s3, s1;
	s24 =	spop (v2sf);
	(v2sf) =	vpush v0, $0xC  }
0xa0: {  	[tilespmem:s23], [sflag:$0x1] =	stream.linear.gather [hbm4b:s1+s2], $0x80, $0x38;
	[tilespmem:$0x18800] =	vst v63  }
0xa1: {  	s26 =	spop (v2sf);
	(v2sf) =	vpush v0, $0xD  }
0xa2: {  	s1 =	sand.u32 $0x1FFFFFF0, s24  }
0xa3: {  	s25 =	sadd.s32 $0x8400, s0;
	s1 =	sadd.s32 s3, s1;
	s29 =	spop (v2sf)  }
0xa4: {  	(v2sf) =	vpush v0, $0xE;
	[tilespmem:s25], [sflag:$0x1] =	stream.linear.gather [hbm4b:s1+s2], $0x80, $0x38;
	[tilespmem:$0x18800] =	vst v63  }
0xa5: {  	s1 =	sand.u32 $0x1FFFFFF0, s26  }
0xa6: {  	s28 =	sadd.s32 $0x8480, s0;
	s4 =	spop (v2sf);
	s1 =	sadd.s32 s3, s1  }
0xa7: {  	(v2sf) =	vpush v0, $0xF;
	[tilespmem:s28], [sflag:$0x1] =	stream.linear.gather [hbm4b:s1+s2], $0x80, $0x38;
	[tilespmem:$0x18800] =	vst v63  }
0xa8: {  	s1 =	sand.u32 $0x1FFFFFF0, s29  }
0xa9: {  	s31 =	sadd.s32 $0x8500, s0;
	s1 =	sadd.s32 s3, s1  }
0xaa: {  	[tilespmem:s31], [sflag:$0x1] =	stream.linear.gather [hbm4b:s1+s2], $0x80, $0x38;
	[tilespmem:$0x18800] =	vst v63  }
0xab: {  	s1 =	sand.u32 $0x1FFFFFF0, s4  }
0xac: {  	s5 =	sadd.s32 $0x8580, s0;
	s1 =	sadd.s32 s3, s1  }
0xad: {  	[tilespmem:s5], [sflag:$0x1] =	stream.linear.gather [hbm4b:s1+s2], $0x80, $0x38;
	[tilespmem:$0x18800] =	vst v63  }
0xae: {  	s6 =	spop (v2sf)  }
0xaf: {  	s1 =	sand.u32 $0x1FFFFFF0, s6  }
0xb0: {  	s7 =	sadd.s32 $0x8600, s0;
	s8 =	spop (v2sf);
	s1 =	sadd.s32 s3, s1  }
0xb1: {  	[tilespmem:s7], [sflag:$0x1] =	stream.linear.gather [hbm4b:s1+s2], $0x80, $0x38;
	[tilespmem:$0x18800] =	vst v63  }
0xb2: {  	s1 =	sand.u32 $0x1FFFFFF0, s8  }
0xb3: {  	s9 =	sadd.s32 $0x8680, s0;
	s10 =	spop (v2sf);
	s1 =	sadd.s32 s3, s1  }
0xb4: {  	[tilespmem:s9], [sflag:$0x1] =	stream.linear.gather [hbm4b:s1+s2], $0x80, $0x38;
	[tilespmem:$0x18800] =	vst v63  }
0xb5: {  	s1 =	sand.u32 $0x1FFFFFF0, s10  }
0xb6: {  	s11 =	sadd.s32 $0x8700, s0;
	s12 =	spop (v2sf);
	s1 =	sadd.s32 s3, s1  }
0xb7: {  	[tilespmem:s11], [sflag:$0x1] =	stream.linear.gather [hbm4b:s1+s2], $0x80, $0x38;
	[tilespmem:$0x18800] =	vst v63  }
0xb8: {  	s1 =	sand.u32 $0x1FFFFFF0, s12  }
0xb9: {  	s0 =	sadd.s32 $0x8780, s0;
	s1 =	sadd.s32 s3, s1  }
0xba: {  	[tilespmem:s0], [sflag:$0x1] =	stream.linear.gather [hbm4b:s1+s2], $0x80, $0x38;
	[tilespmem:$0x18800] =	vst v63  }
0xbb: {  	v63 =	vld.msk [tilespmem:$0x440], $0xff;
	_ =	sdelay $0x4  }
0xbc: {  	v0 =	vshll.u32 v63, $0x4  }
0xbd: {  	(v2sf) =	vpush v0, $0x0;
	_ =	sdelay $0x1  }
0xbe: {  	(v2sf) =	vpush v0, $0x1;
	_ =	sdelay $0x1  }
0xbf: {  	(v2sf) =	vpush v0, $0x2;
	_ =	sdelay $0x2  }
0xc0: {  	(v2sf) =	vpush v0, $0x3;
	_ =	sdelay $0x7  }
0xc1: {  	s13 =	spop (v2sf);
	(v2sf) =	vpush v0, $0x4;
	_ =	sdelay $0x1  }
0xc2: {  	s16 =	spop (v2sf);
	(v2sf) =	vpush v0, $0x5  }
0xc3: {  	s14 =	simm.s32 $0x0;
	s0 =	sand.u32 $0x1FFFFFF0, s13  }
0xc4: {  	s15 =	simm.s32 $0xE000;
	s0 =	sadd.s32 s3, s0;
	s18 =	spop (v2sf)  }
0xc5: {  	(v2sf) =	vpush v0, $0x6;
	[tilespmem:s15], [sflag:$0x1] =	stream.linear.gather [hbm4b:s0+s14], $0x80, $0x38;
	[tilespmem:$0x18800] =	vst v63  }
0xc6: {  	s0 =	sand.u32 $0x1FFFFFF0, s16  }
0xc7: {  	s17 =	simm.s32 $0xE080;
	s20 =	spop (v2sf);
	s0 =	sadd.s32 s3, s0  }
0xc8: {  	(v2sf) =	vpush v0, $0x7;
	[tilespmem:s17], [sflag:$0x1] =	stream.linear.gather [hbm4b:s0+s14], $0x80, $0x38;
	[tilespmem:$0x18800] =	vst v63  }
0xc9: {  	s0 =	sand.u32 $0x1FFFFFF0, s18  }
0xca: {  	s19 =	simm.s32 $0xE100;
	s0 =	sadd.s32 s3, s0  }
0xcb: {  	[tilespmem:s19], [sflag:$0x1] =	stream.linear.gather [hbm4b:s0+s14], $0x80, $0x38;
	[tilespmem:$0x18800] =	vst v63  }
0xcc: {  	s0 =	sand.u32 $0x1FFFFFF0, s20  }
0xcd: {  	s21 =	simm.s32 $0xE180;
	s0 =	sadd.s32 s3, s0  }
0xce: {  	[tilespmem:s21], [sflag:$0x1] =	stream.linear.gather [hbm4b:s0+s14], $0x80, $0x38;
	[tilespmem:$0x18800] =	vst v63  }
0xcf: {  	s22 =	spop (v2sf)  }
0xd0: {  	s0 =	sand.u32 $0x1FFFFFF0, s22  }
0xd1: {  	s23 =	simm.s32 $0xE200;
	s24 =	spop (v2sf);
	s0 =	sadd.s32 s3, s0  }
0xd2: {  	[tilespmem:s23], [sflag:$0x1] =	stream.linear.gather [hbm4b:s0+s14], $0x80, $0x38;
	[tilespmem:$0x18800] =	vst v63  }
0xd3: {  	s0 =	sand.u32 $0x1FFFFFF0, s24  }
0xd4: {  	s25 =	simm.s32 $0xE280;
	s26 =	spop (v2sf);
	s0 =	sadd.s32 s3, s0  }
0xd5: {  	[tilespmem:s25], [sflag:$0x1] =	stream.linear.gather [hbm4b:s0+s14], $0x80, $0x38;
	[tilespmem:$0x18800] =	vst v63  }
0xd6: {  	s0 =	sand.u32 $0x1FFFFFF0, s26  }
0xd7: {  	s28 =	simm.s32 $0xE300;
	s29 =	spop (v2sf);
	s0 =	sadd.s32 s3, s0  }
0xd8: {  	[tilespmem:s28], [sflag:$0x1] =	stream.linear.gather [hbm4b:s0+s14], $0x80, $0x38;
	[tilespmem:$0x18800] =	vst v63  }
0xd9: {  	s0 =	sand.u32 $0x1FFFFFF0, s29  }
0xda: {  	s30 =	simm.s32 $0x0;
	s31 =	simm.s32 $0xE380;
	s0 =	sadd.s32 s3, s0  }
0xdb: {  	[tilespmem:s31], [sflag:$0x1] =	stream.linear.gather [hbm4b:s0+s14], $0x80, $0x38;
	[tilespmem:$0x18800] =	vst v63  }
.LBB2_4:
0xdc: {  	s0 =	sshll.u32 s30, $0x8  }
0xdd: {  	s1 =	sshll.u32 s30, $0x9;
	s31 =	sor.u32 $0x80, s0  }
0xde: {  	s15 =	simm.s32 $0x0;
	s1 =	sand.u32 $0x7800, s1;
	s4 =	sand.u32 $0x380, s31  }
0xdf: {  	s16 =	sand.u32 $0x400, s15;
	s26 =	sor.u32 s4, s1  }
0xe0: {  	s4 =	sand.u32 $0x70, s15;
	s1 =	sadd.s32 s16, s26  }
0xe1: {  	s1 =	sadd.s32 s4, s1  }
0xe2: {  	v0 =	vld [tilespmem:s1+$0x0];
	_ =	sdelay $0x4  }
0xe3: {  	v0 =	vshll.u32 v0, $0x4  }
0xe4: {  	(v2sf) =	vpush v0, $0x0;
	_ =	sdelay $0x1  }
0xe5: {  	(v2sf) =	vpush v0, $0x1  }
0xe6: {  	(v2sf) =	vpush v0, $0x2;
	_ =	sdelay $0x1  }
0xe7: {  	(v2sf) =	vpush v0, $0x3;
	_ =	sdelay $0x1  }
0xe8: {  	(v2sf) =	vpush v0, $0x4;
	_ =	sdelay $0x1  }
0xe9: {  	(v2sf) =	vpush v0, $0x5;
	_ =	sdelay $0x1  }
0xea: {  	(v2sf) =	vpush v0, $0x6  }
0xeb: {  	s17 =	sshll.u32 s30, $0x1;
	s5 =	simm.s32 $0x4000  }
0xec: {  	s6 =	simm.s32 $0x80;
	s7 =	simm.s32 $0x0;
	s8 =	simm.s32 $0xE480  }
0xed: {  	s12 =	simm.s32 $0xE700;
	s13 =	simm.s32 $0xE780;
	s11 =	simm.s32 $0xE400  }
0xee: {  	s19 =	simm.s32 $0xE500;
	s21 =	simm.s32 $0xE580;
	s10 =	spop (v2sf);
	(v2sf) =	vpush v0, $0x7  }
0xef: {  	s23 =	simm.s32 $0xE680;
	s28 =	simm.s32 $0x10;
	[dreg:$0x6] =	wrdreg s17  }
0xf0: {  	s15 =	simm.s32 $0xE600;
	s10 =	sand.u32 $0x1FFFFFF0, s10;
	s14 =	spop (v2sf);
	(v2sf) =	vpush v0, $0x8  }
0xf1: {  	s14 =	sand.u32 $0x1FFFFFF0, s14;
	s10 =	sadd.s32 s3, s10;
	(v2sf) =	vpush v0, $0x9;
	s18 =	spop (v2sf)  }
0xf2: {  	[tilespmem:s11], [sflag:$0x2] =	stream.linear.gather [hbm4b:s10+s2], $0x80, $0x38;
	(v2sf) =	vpush v0, $0xA;
	[tilespmem:$0x18800] =	vst v63  }
0xf3: {  	s14 =	sadd.s32 s3, s14;
	s11 =	sand.u32 $0x1FFFFFF0, s18;
	s20 =	spop (v2sf)  }
0xf4: {  	[tilespmem:s8], [sflag:$0x2] =	stream.linear.gather [hbm4b:s14+s2], $0x80, $0x38;
	[tilespmem:$0x18800] =	vst v63  }
0xf5: {  	s16 =	spop (v2sf);
	s11 =	sadd.s32 s3, s11;
	s14 =	sand.u32 $0x1FFFFFF0, s20  }
0xf6: {  	[tilespmem:s19], [sflag:$0x2] =	stream.linear.gather [hbm4b:s11+s2], $0x80, $0x38;
	[tilespmem:$0x18800] =	vst v63  }
0xf7: {  	(v2sf) =	vpush v0, $0xB;
	s22 =	sand.u32 $0x1FFFFFF0, s16;
	s24 =	spop (v2sf);
	s14 =	sadd.s32 s3, s14  }
0xf8: {  	[tilespmem:s21], [sflag:$0x2] =	stream.linear.gather [hbm4b:s14+s2], $0x80, $0x38;
	[tilespmem:$0x18800] =	vst v63  }
0xf9: {  	s25 =	sand.u32 $0x1FFFFFF0, s24;
	s29 =	spop (v2sf);
	s11 =	sadd.s32 s3, s22  }
0xfa: {  	[tilespmem:s15], [sflag:$0x2] =	stream.linear.gather [hbm4b:s11+s2], $0x80, $0x38;
	[tilespmem:$0x18800] =	vst v63  }
0xfb: {  	s9 =	sand.u32 $0x400, s6;
	(v2sf) =	vpush v0, $0xC;
	s16 =	sand.u32 $0x1FFFFFF0, s29;
	s15 =	sadd.s32 s3, s25  }
0xfc: {  	[tilespmem:s23], [sflag:$0x2] =	stream.linear.gather [hbm4b:s15+s2], $0x80, $0x38;
	[tilespmem:$0x18800] =	vst v63  }
0xfd: {  	s9 =	sadd.s32 s9, s26;
	s17 =	sadd.s32 s3, s16;
	s1 =	spop (v2sf);
	(v2sf) =	vpush v0, $0xD  }
0xfe: {  	[tilespmem:s12], [sflag:$0x2] =	stream.linear.gather [hbm4b:s17+s2], $0x80, $0x38;
	[tilespmem:$0x18800] =	vst v63  }
0xff: {  	s4 =	simm.s32 $0x2000;
	s10 =	simm.s32 $0xE900;
	s20 =	spop (v2sf);
	(v2sf) =	vpush v0, $0xE  }
0x100: {  	s18 =	simm.s32 $0xE800;
	s8 =	simm.s32 $0xEB80;
	s21 =	spop (v2sf)  }
0x101: {  	s11 =	simm.s32 $0xE980;
	s19 =	sand.u32 $0x1FFFFFF0, s1;
	s24 =	spop (v2sf);
	(v2sf) =	vpush v0, $0xF  }
0x102: {  	s23 =	simm.s32 $0xE880;
	s14 =	sand.u32 $0x1FFFFFF0, s20;
	s12 =	sadd.s32 s3, s19  }
0x103: {  	[tilespmem:s13], [sflag:$0x2] =	stream.linear.gather [hbm4b:s12+s2], $0x80, $0x38;
	[tilespmem:$0x18800] =	vst v63  }
0x104: {  	s12 =	simm.s32 $0xEA00;
	s22 =	sand.u32 $0x1FFFFFF0, s21;
	s14 =	sadd.s32 s3, s14  }
0x105: {  	[tilespmem:s18], [sflag:$0x2] =	stream.linear.gather [hbm4b:s14+s2], $0x80, $0x38;
	[tilespmem:$0x18800] =	vst v63  }
0x106: {  	s13 =	sadd.s32 s3, s22;
	s25 =	sand.u32 $0x1FFFFFF0, s24;
	s29 =	spop (v2sf)  }
0x107: {  	[tilespmem:s23], [sflag:$0x2] =	stream.linear.gather [hbm4b:s13+s2], $0x80, $0x38;
	[tilespmem:$0x18800] =	vst v63  }
0x108: {  	s15 =	sadd.s32 s3, s25;
	s14 =	sand.u32 $0x1FFFFFF0, s29;
	s13 =	simm.s32 $0xEA80  }
.LBB2_5:
0x109: {  	p0 =	sne.s32 s5, $0x16000  }
0x10a: {  	s16 =	sand.u32 $0x70, s28;
	s17 =	spop (v2sf);
	s18 =	smov.u32 s5  }
0x10b: {  	[tilespmem:s10], [sflag:$0x2] =	stream.linear.gather [hbm4b:s15+s2], $0x80, $0x38;
	[tilespmem:$0x18800] =	vst v63  }
0x10c: {  	s10 =	sadd.s32 s3, s14;
	s14 =	sand.u32 $0x1FFFFFF0, s17;
	s15 =	spop (v2sf)  }
0x10d: {  	[tilespmem:s11], [sflag:$0x2] =	stream.linear.gather [hbm4b:s10+s2], $0x80, $0x38;
	[tilespmem:$0x18800] =	vst v63  }
0x10e: {  	s10 =	sadd.s32 s3, s14;
	s11 =	sand.u32 $0x1FFFFFF0, s15;
	s14 =	spop (v2sf)  }
0x10f: {  	[tilespmem:s12], [sflag:$0x2] =	stream.linear.gather [hbm4b:s10+s2], $0x80, $0x38;
	[tilespmem:$0x18800] =	vst v63  }
0x110: {  	s10 =	sadd.s32 s3, s11;
	s11 =	sand.u32 $0x1FFFFFF0, s14;
	s12 =	spop (v2sf)  }
0x111: {  	[tilespmem:s13], [sflag:$0x2] =	stream.linear.gather [hbm4b:s10+s2], $0x80, $0x38;
	[tilespmem:$0x18800] =	vst v63  }
0x112: {  	s7 =	sadd.s32 $0xEB00, s7;
	s10 =	sadd.s32 s3, s11;
	s11 =	sand.u32 $0x1FFFFFF0, s12  }
0x113: {  	[tilespmem:s7], [sflag:$0x2] =	stream.linear.gather [hbm4b:s10+s2], $0x80, $0x38;
	[tilespmem:$0x18800] =	vst v63  }
0x114: {  	s5 =	sadd.s32 $0x2000, s5;
	s7 =	sadd.s32 s16, s9;
	s9 =	sadd.s32 s3, s11  }
0x115: {  	[tilespmem:s8], [sflag:$0x2] =	stream.linear.gather [hbm4b:s9+s2], $0x80, $0x38;
	[tilespmem:$0x18800] =	vst v63  }
0x116: {  	v0 =	vld [tilespmem:s7+$0x0];
	_ =	sdelay $0x4  }
0x117: {  	v0 =	vshll.u32 v0, $0x4  }
0x118: {  	(v2sf) =	vpush v0, $0x0  }
0x119: {  	(v2sf) =	vpush v0, $0x1  }
0x11a: {  	(v2sf) =	vpush v0, $0x2  }
0x11b: {  	(v2sf) =	vpush v0, $0x3;
	_ =	sdelay $0x1  }
0x11c: {  	(v2sf) =	vpush v0, $0x4;
	_ =	sdelay $0x1  }
0x11d: {  	s6 =	sadd.s32 $0x80, s6;
	(v2sf) =	vpush v0, $0x5  }
0x11e: {  	s9 =	sand.u32 $0x400, s6;
	s7 =	sshra.s32 s4, $0x2;
	s4 =	smov.u32 s18  }
0x11f: {  	s19 =	sadd.s32 $0xE480, s7;
	s15 =	sadd.s32 $0xE700, s7;
	s14 =	sadd.s32 $0xE780, s7;
	(v2sf) =	vpush v0, $0x6  }
0x120: {  	s20 =	sadd.s32 $0xE400, s7;
	s21 =	sadd.s32 $0xE600, s7;
	s10 =	sadd.s32 $0xE900, s7  }
0x121: {  	s18 =	sadd.s32 $0xE680, s7;
	s11 =	sadd.s32 $0xE980, s7;
	s8 =	sadd.s32 $0xEB80, s7;
	(v2sf) =	vpush v0, $0x7  }
0x122: {  	s9 =	sadd.s32 s9, s26;
	s16 =	sadd.s32 $0xE800, s7;
	s12 =	sadd.s32 $0xEA00, s7  }
0x123: {  	s13 =	sadd.s32 $0xEA80, s7;
	(v2sf) =	vpush v0, $0x8  }
0x124: {  	s17 =	sadd.s32 $0xE880, s7  }
0x125: {  	s22 =	sadd.s32 $0xE580, s7;
	s23 =	spop (v2sf);
	(v2sf) =	vpush v0, $0x9  }
0x126: {  	s28 =	sadd.s32 $0x10, s28;
	s23 =	sand.u32 $0x1FFFFFF0, s23;
	s24 =	spop (v2sf)  }
0x127: {  	s29 =	sadd.s32 $0xE500, s7;
	s24 =	sand.u32 $0x1FFFFFF0, s24;
	s25 =	spop (v2sf);
	(v2sf) =	vpush v0, $0xA  }
0x128: {  	s23 =	sadd.s32 s3, s23;
	s25 =	sand.u32 $0x1FFFFFF0, s25;
	s1 =	spop (v2sf)  }
0x129: {  	[tilespmem:s20], [sflag:$0x2] =	stream.linear.gather [hbm4b:s23+s2], $0x80, $0x38;
	(v2sf) =	vpush v0, $0xB;
	[tilespmem:$0x18800] =	vst v63  }
0x12a: {  	s20 =	sadd.s32 s3, s24;
	s1 =	sand.u32 $0x1FFFFFF0, s1;
	s23 =	spop (v2sf)  }
0x12b: {  	[tilespmem:s19], [sflag:$0x2] =	stream.linear.gather [hbm4b:s20+s2], $0x80, $0x38;
	[tilespmem:$0x18800] =	vst v63  }
0x12c: {  	s19 =	sadd.s32 s3, s25;
	s20 =	sand.u32 $0x1FFFFFF0, s23;
	s23 =	spop (v2sf)  }
0x12d: {  	[tilespmem:s29], [sflag:$0x2] =	stream.linear.gather [hbm4b:s19+s2], $0x80, $0x38;
	(v2sf) =	vpush v0, $0xC;
	[tilespmem:$0x18800] =	vst v63  }
0x12e: {  	s1 =	sadd.s32 s3, s1;
	s19 =	sand.u32 $0x1FFFFFF0, s23;
	s23 =	spop (v2sf)  }
0x12f: {  	[tilespmem:s22], [sflag:$0x2] =	stream.linear.gather [hbm4b:s1+s2], $0x80, $0x38;
	(v2sf) =	vpush v0, $0xD;
	[tilespmem:$0x18800] =	vst v63  }
0x130: {  	s1 =	sadd.s32 s3, s20;
	s20 =	sand.u32 $0x1FFFFFF0, s23;
	s22 =	spop (v2sf)  }
0x131: {  	[tilespmem:s21], [sflag:$0x2] =	stream.linear.gather [hbm4b:s1+s2], $0x80, $0x38;
	(v2sf) =	vpush v0, $0xE;
	[tilespmem:$0x18800] =	vst v63  }
0x132: {  	s1 =	sadd.s32 s3, s19;
	s19 =	sand.u32 $0x1FFFFFF0, s22;
	s21 =	spop (v2sf)  }
0x133: {  	[tilespmem:s18], [sflag:$0x2] =	stream.linear.gather [hbm4b:s1+s2], $0x80, $0x38;
	(v2sf) =	vpush v0, $0xF;
	[tilespmem:$0x18800] =	vst v63  }
0x134: {  	s1 =	sadd.s32 s3, s20;
	s18 =	sand.u32 $0x1FFFFFF0, s21;
	s20 =	spop (v2sf)  }
0x135: {  	[tilespmem:s15], [sflag:$0x2] =	stream.linear.gather [hbm4b:s1+s2], $0x80, $0x38;
	[tilespmem:$0x18800] =	vst v63  }
0x136: {  	s1 =	sadd.s32 s3, s19;
	s15 =	sand.u32 $0x1FFFFFF0, s20;
	s19 =	spop (v2sf)  }
0x137: {  	[tilespmem:s14], [sflag:$0x2] =	stream.linear.gather [hbm4b:s1+s2], $0x80, $0x38;
	[tilespmem:$0x18800] =	vst v63  }
.Ltmp1:
0x138: {  	_ = 	snop;
	(pc) =	sbr.rel @p0 .LBB2_5-.Ltmp1, $4  }
0x139: {  	s1 =	sadd.s32 s3, s18;
	s14 =	sand.u32 $0x1FFFFFF0, s19;
	s18 =	spop (v2sf)  }
0x13a: {  	[tilespmem:s16], [sflag:$0x2] =	stream.linear.gather [hbm4b:s1+s2], $0x80, $0x38;
	[tilespmem:$0x18800] =	vst v63  }
0x13b: {  	s1 =	sadd.s32 s3, s15;
	s15 =	sadd.s32 s3, s14;
	s14 =	sand.u32 $0x1FFFFFF0, s18  }
0x13c: {  	[tilespmem:s17], [sflag:$0x2] =	stream.linear.gather [hbm4b:s1+s2], $0x80, $0x38;
	[tilespmem:$0x18800] =	vst v63  }
0x13d: {  	[tilespmem:s10], [sflag:$0x2] =	stream.linear.gather [hbm4b:s15+s2], $0x80, $0x38;
	[tilespmem:$0x18800] =	vst v63  }
0x13e: {  	s1 =	sadd.s32 s3, s14;
	s19 =	spop (v2sf)  }
0x13f: {  	[tilespmem:s11], [sflag:$0x2] =	stream.linear.gather [hbm4b:s1+s2], $0x80, $0x38;
	[tilespmem:$0x18800] =	vst v63  }
0x140: {  	s1 =	sand.u32 $0x1FFFFFF0, s19  }
0x141: {  	s20 =	spop (v2sf);
	s1 =	sadd.s32 s3, s1  }
0x142: {  	[tilespmem:s12], [sflag:$0x2] =	stream.linear.gather [hbm4b:s1+s2], $0x80, $0x38;
	[tilespmem:$0x18800] =	vst v63  }
0x143: {  	s1 =	sand.u32 $0x1FFFFFF0, s20  }
0x144: {  	s21 =	spop (v2sf);
	s1 =	sadd.s32 s3, s1  }
0x145: {  	[tilespmem:s13], [sflag:$0x2] =	stream.linear.gather [hbm4b:s1+s2], $0x80, $0x38;
	[tilespmem:$0x18800] =	vst v63  }
0x146: {  	s1 =	sand.u32 $0x1FFFFFF0, s21  }
0x147: {  	s5 =	sadd.s32 $0xEB00, s7;
	s22 =	spop (v2sf);
	s1 =	sadd.s32 s3, s1  }
0x148: {  	[tilespmem:s5], [sflag:$0x2] =	stream.linear.gather [hbm4b:s1+s2], $0x80, $0x38;
	[tilespmem:$0x18800] =	vst v63  }
0x149: {  	s1 =	sand.u32 $0x1FFFFFF0, s22  }
0x14a: {  	s23 =	sand.u32 $0x70, s28;
	s1 =	sadd.s32 s3, s1  }
0x14b: {  	[tilespmem:s8], [sflag:$0x2] =	stream.linear.gather [hbm4b:s1+s2], $0x80, $0x38;
	[tilespmem:$0x18800] =	vst v63  }
0x14c: {  	s1 =	sadd.s32 s23, s9  }
0x14d: {  	v0 =	vld [tilespmem:s1+$0x0];
	_ =	sdelay $0x4  }
0x14e: {  	v0 =	vshll.u32 v0, $0x4  }
0x14f: {  	(v2sf) =	vpush v0, $0x0;
	_ =	sdelay $0x1  }
0x150: {  	(v2sf) =	vpush v0, $0x1;
	_ =	sdelay $0x1  }
0x151: {  	(v2sf) =	vpush v0, $0x2;
	_ =	sdelay $0x2  }
0x152: {  	(v2sf) =	vpush v0, $0x3;
	_ =	sdelay $0x7  }
0x153: {  	s24 =	spop (v2sf);
	(v2sf) =	vpush v0, $0x4;
	_ =	sdelay $0x1  }
0x154: {  	s28 =	spop (v2sf);
	(v2sf) =	vpush v0, $0x5;
	_ =	sdelay $0x1  }
0x155: {  	s6 =	spop (v2sf);
	(v2sf) =	vpush v0, $0x6;
	_ =	sdelay $0x1  }
0x156: {  	s4 =	sshra.s32 s4, $0x2;
	s1 =	sand.u32 $0x1FFFFFF0, s24  }
0x157: {  	s25 =	sadd.s32 $0xE400, s4;
	s1 =	sadd.s32 s3, s1;
	s8 =	spop (v2sf);
	(v2sf) =	vpush v0, $0x7  }
0x158: {  	[tilespmem:s25], [sflag:$0x2] =	stream.linear.gather [hbm4b:s1+s2], $0x80, $0x38;
	[tilespmem:$0x18800] =	vst v63  }
0x159: {  	s1 =	sand.u32 $0x1FFFFFF0, s28  }
0x15a: {  	s29 =	sadd.s32 $0xE480, s4;
	s1 =	sadd.s32 s3, s1  }
0x15b: {  	[tilespmem:s29], [sflag:$0x2] =	stream.linear.gather [hbm4b:s1+s2], $0x80, $0x38;
	[tilespmem:$0x18800] =	vst v63  }
0x15c: {  	s1 =	sand.u32 $0x1FFFFFF0, s6  }
0x15d: {  	s7 =	sadd.s32 $0xE500, s4;
	s1 =	sadd.s32 s3, s1  }
0x15e: {  	[tilespmem:s7], [sflag:$0x2] =	stream.linear.gather [hbm4b:s1+s2], $0x80, $0x38;
	[tilespmem:$0x18800] =	vst v63  }
0x15f: {  	s10 =	spop (v2sf);
	(v2sf) =	vpush v0, $0x8  }
0x160: {  	s1 =	sand.u32 $0x1FFFFFF0, s8  }
0x161: {  	s9 =	sadd.s32 $0xE580, s4;
	s1 =	sadd.s32 s3, s1;
	s12 =	spop (v2sf);
	(v2sf) =	vpush v0, $0x9  }
0x162: {  	[tilespmem:s9], [sflag:$0x2] =	stream.linear.gather [hbm4b:s1+s2], $0x80, $0x38;
	[tilespmem:$0x18800] =	vst v63  }
0x163: {  	s1 =	sand.u32 $0x1FFFFFF0, s10;
	s14 =	spop (v2sf);
	(v2sf) =	vpush v0, $0xA  }
0x164: {  	s11 =	sadd.s32 $0xE600, s4;
	s1 =	sadd.s32 s3, s1  }
0x165: {  	[tilespmem:s11], [sflag:$0x2] =	stream.linear.gather [hbm4b:s1+s2], $0x80, $0x38;
	[tilespmem:$0x18800] =	vst v63  }
0x166: {  	s16 =	spop (v2sf);
	(v2sf) =	vpush v0, $0xB  }
0x167: {  	s1 =	sand.u32 $0x1FFFFFF0, s12  }
0x168: {  	s13 =	sadd.s32 $0xE680, s4;
	s1 =	sadd.s32 s3, s1  }
0x169: {  	[tilespmem:s13], [sflag:$0x2] =	stream.linear.gather [hbm4b:s1+s2], $0x80, $0x38;
	[tilespmem:$0x18800] =	vst v63  }
0x16a: {  	s1 =	sand.u32 $0x1FFFFFF0, s14  }
0x16b: {  	s15 =	sadd.s32 $0xE700, s4;
	s1 =	sadd.s32 s3, s1  }
0x16c: {  	[tilespmem:s15], [sflag:$0x2] =	stream.linear.gather [hbm4b:s1+s2], $0x80, $0x38;
	[tilespmem:$0x18800] =	vst v63  }
0x16d: {  	s1 =	sand.u32 $0x1FFFFFF0, s16  }
0x16e: {  	s17 =	sadd.s32 $0xE780, s4;
	s1 =	sadd.s32 s3, s1;
	s18 =	spop (v2sf);
	(v2sf) =	vpush v0, $0xC  }
0x16f: {  	[tilespmem:s17], [sflag:$0x2] =	stream.linear.gather [hbm4b:s1+s2], $0x80, $0x38;
	[tilespmem:$0x18800] =	vst v63  }
0x170: {  	s20 =	spop (v2sf);
	(v2sf) =	vpush v0, $0xD  }
0x171: {  	s1 =	sand.u32 $0x1FFFFFF0, s18  }
0x172: {  	s19 =	sadd.s32 $0xE800, s4;
	s1 =	sadd.s32 s3, s1;
	s22 =	spop (v2sf)  }
0x173: {  	(v2sf) =	vpush v0, $0xE;
	[tilespmem:s19], [sflag:$0x2] =	stream.linear.gather [hbm4b:s1+s2], $0x80, $0x38;
	[tilespmem:$0x18800] =	vst v63  }
0x174: {  	s1 =	sand.u32 $0x1FFFFFF0, s20  }
0x175: {  	s21 =	sadd.s32 $0xE880, s4;
	s24 =	spop (v2sf);
	s1 =	sadd.s32 s3, s1  }
0x176: {  	(v2sf) =	vpush v0, $0xF;
	[tilespmem:s21], [sflag:$0x2] =	stream.linear.gather [hbm4b:s1+s2], $0x80, $0x38;
	[tilespmem:$0x18800] =	vst v63  }
0x177: {  	s1 =	sand.u32 $0x1FFFFFF0, s22  }
0x178: {  	s23 =	sadd.s32 $0xE900, s4;
	s1 =	sadd.s32 s3, s1  }
0x179: {  	[tilespmem:s23], [sflag:$0x2] =	stream.linear.gather [hbm4b:s1+s2], $0x80, $0x38;
	[tilespmem:$0x18800] =	vst v63  }
0x17a: {  	s1 =	sand.u32 $0x1FFFFFF0, s24  }
0x17b: {  	s25 =	sadd.s32 $0xE980, s4;
	s1 =	sadd.s32 s3, s1  }
0x17c: {  	[tilespmem:s25], [sflag:$0x2] =	stream.linear.gather [hbm4b:s1+s2], $0x80, $0x38;
	[tilespmem:$0x18800] =	vst v63  }
0x17d: {  	s28 =	spop (v2sf)  }
0x17e: {  	s1 =	sand.u32 $0x1FFFFFF0, s28  }
0x17f: {  	s29 =	sadd.s32 $0xEA00, s4;
	s6 =	spop (v2sf);
	s1 =	sadd.s32 s3, s1  }
0x180: {  	[tilespmem:s29], [sflag:$0x2] =	stream.linear.gather [hbm4b:s1+s2], $0x80, $0x38;
	[tilespmem:$0x18800] =	vst v63  }
0x181: {  	s1 =	sand.u32 $0x1FFFFFF0, s6  }
0x182: {  	s7 =	sadd.s32 $0xEA80, s4;
	s8 =	spop (v2sf);
	s1 =	sadd.s32 s3, s1  }
0x183: {  	[tilespmem:s7], [sflag:$0x2] =	stream.linear.gather [hbm4b:s1+s2], $0x80, $0x38;
	[tilespmem:$0x18800] =	vst v63  }
0x184: {  	s1 =	sand.u32 $0x1FFFFFF0, s8  }
0x185: {  	s9 =	sadd.s32 $0xEB00, s4;
	s10 =	spop (v2sf);
	s1 =	sadd.s32 s3, s1  }
0x186: {  	[tilespmem:s9], [sflag:$0x2] =	stream.linear.gather [hbm4b:s1+s2], $0x80, $0x38;
	[tilespmem:$0x18800] =	vst v63  }
0x187: {  	s1 =	sand.u32 $0x1FFFFFF0, s10  }
0x188: {  	s4 =	sadd.s32 $0xEB80, s4;
	s1 =	sadd.s32 s3, s1  }
0x189: {  	[tilespmem:s4], [sflag:$0x2] =	stream.linear.gather [hbm4b:s1+s2], $0x80, $0x38;
	[tilespmem:$0x18800] =	vst v63  }
0x18a: {  	v0 =	vld.msk [tilespmem:s26+$0x440], $0xff;
	_ =	sdelay $0x4  }
0x18b: {  	v0 =	vshll.u32 v0, $0x4  }
0x18c: {  	(v2sf) =	vpush v0, $0x0;
	_ =	sdelay $0x1  }
0x18d: {  	(v2sf) =	vpush v0, $0x1;
	_ =	sdelay $0x1  }
0x18e: {  	(v2sf) =	vpush v0, $0x2;
	_ =	sdelay $0x2  }
0x18f: {  	(v2sf) =	vpush v0, $0x3;
	_ =	sdelay $0x7  }
0x190: {  	s11 =	spop (v2sf);
	(v2sf) =	vpush v0, $0x4;
	_ =	sdelay $0x1  }
0x191: {  	s14 =	spop (v2sf);
	(v2sf) =	vpush v0, $0x5  }
0x192: {  	s12 =	simm.s32 $0x0;
	s1 =	sand.u32 $0x1FFFFFF0, s11  }
0x193: {  	s13 =	simm.s32 $0x14400;
	s1 =	sadd.s32 s3, s1;
	s16 =	spop (v2sf)  }
0x194: {  	(v2sf) =	vpush v0, $0x6;
	[tilespmem:s13], [sflag:$0x2] =	stream.linear.gather [hbm4b:s1+s12], $0x80, $0x38;
	[tilespmem:$0x18800] =	vst v63  }
0x195: {  	s1 =	sand.u32 $0x1FFFFFF0, s14  }
0x196: {  	s15 =	simm.s32 $0x14480;
	s18 =	spop (v2sf);
	s1 =	sadd.s32 s3, s1  }
0x197: {  	(v2sf) =	vpush v0, $0x7;
	[tilespmem:s15], [sflag:$0x2] =	stream.linear.gather [hbm4b:s1+s12], $0x80, $0x38;
	[tilespmem:$0x18800] =	vst v63  }
0x198: {  	s1 =	sand.u32 $0x1FFFFFF0, s16  }
0x199: {  	s17 =	simm.s32 $0x14500;
	s1 =	sadd.s32 s3, s1  }
0x19a: {  	[tilespmem:s17], [sflag:$0x2] =	stream.linear.gather [hbm4b:s1+s12], $0x80, $0x38;
	[tilespmem:$0x18800] =	vst v63  }
0x19b: {  	s1 =	sand.u32 $0x1FFFFFF0, s18  }
0x19c: {  	s19 =	simm.s32 $0x14580;
	s1 =	sadd.s32 s3, s1  }
0x19d: {  	[tilespmem:s19], [sflag:$0x2] =	stream.linear.gather [hbm4b:s1+s12], $0x80, $0x38;
	[tilespmem:$0x18800] =	vst v63  }
0x19e: {  	s20 =	spop (v2sf)  }
0x19f: {  	s1 =	sand.u32 $0x1FFFFFF0, s20  }
0x1a0: {  	s21 =	simm.s32 $0x14600;
	s22 =	spop (v2sf);
	s1 =	sadd.s32 s3, s1  }
0x1a1: {  	[tilespmem:s21], [sflag:$0x2] =	stream.linear.gather [hbm4b:s1+s12], $0x80, $0x38;
	[tilespmem:$0x18800] =	vst v63  }
0x1a2: {  	s1 =	sand.u32 $0x1FFFFFF0, s22  }
0x1a3: {  	s23 =	simm.s32 $0x14680;
	s24 =	spop (v2sf);
	s1 =	sadd.s32 s3, s1  }
0x1a4: {  	[tilespmem:s23], [sflag:$0x2] =	stream.linear.gather [hbm4b:s1+s12], $0x80, $0x38;
	[tilespmem:$0x18800] =	vst v63  }
0x1a5: {  	s1 =	sand.u32 $0x1FFFFFF0, s24  }
0x1a6: {  	s25 =	simm.s32 $0x14700;
	s26 =	spop (v2sf);
	s1 =	sadd.s32 s3, s1  }
0x1a7: {  	[tilespmem:s25], [sflag:$0x2] =	stream.linear.gather [hbm4b:s1+s12], $0x80, $0x38;
	[tilespmem:$0x18800] =	vst v63  }
0x1a8: {  	s1 =	sand.u32 $0x1FFFFFF0, s26  }
0x1a9: {  	s28 =	simm.s32 $0x14780;
	s29 =	simm.s32 $0x1;
	s1 =	sadd.s32 s3, s1  }
0x1aa: {  	[tilespmem:s28], [sflag:$0x2] =	stream.linear.gather [hbm4b:s1+s12], $0x80, $0x38;
	[tilespmem:$0x18800] =	vst v63  }
0x1ab: {  	_ =	swait.ge [sflag:s29], $0x6400  }
0x1ac: {  	[sflag:s29] =	ssyncset.done $0x0  }
0x1ad: {  	s4 =	simm.s32 $0x0;
	[sflag:s29] =	ssyncadd.s32 $0xFFFF9C00  }
0x1ae: {  	v0 =	vld [tilespmem:s4+$0x8380]  }
0x1af: {  	v1 =	vld [tilespmem:s4+$0x8390]  }
0x1b0: {  	v2 =	vld [tilespmem:s4+$0x8300]  }
0x1b1: {  	v3 =	vld [tilespmem:s4+$0x8310]  }
0x1b2: {  	v4 =	vld [tilespmem:s4+$0x8280]  }
0x1b3: {  	v5 =	vld [tilespmem:s4+$0x8290]  }
0x1b4: {  	v6 =	vld [tilespmem:s4+$0x8200]  }
0x1b5: {  	v7 =	vld [tilespmem:s4+$0x8210]  }
0x1b6: {  	v9 =	vld [tilespmem:s4+$0x8180]  }
0x1b7: {  	v8 =	vld [tilespmem:s4+$0x8190]  }
0x1b8: {  	v11 =	vld [tilespmem:s4+$0x8100]  }
0x1b9: {  	v10 =	vld [tilespmem:s4+$0x8110]  }
0x1ba: {  	v17 =	vld [tilespmem:s4+$0x8080]  }
0x1bb: {  	v16 =	vld [tilespmem:s4+$0x8090]  }
0x1bc: {  	v19 =	vld [tilespmem:s4+$0x8000]  }
0x1bd: {  	v12 =	vimm.f32 $0.0e+00;
	v20 =	vld [tilespmem:s4+$0x8010]  }
0x1be: {  	v15 =	vimm.f32 $0.0e+00;
	v14 =	vimm.f32 $0.0e+00;
	v13 =	vimm.f32 $0.0e+00;
	s5 =	simm.s32 $0x1000;
	v18 =	vld [tilespmem:s4+$0x8020]  }
.LBB2_7:
0x1bf: {  	p0 =	sne.s32 s5, $0x18000;
	v21 =	vld [tilespmem:s4+$0x8030]  }
0x1c0: {  	v22 =	vld [tilespmem:s4+$0x80A0]  }
0x1c1: {  	v23 =	vld [tilespmem:s4+$0x80B0]  }
0x1c2: {  	v24 =	vld [tilespmem:s4+$0x8120]  }
0x1c3: {  	v12 =	vadd.f32 v19, v12;
	v15 =	vadd.f32 v20, v15;
	v19 =	vld [tilespmem:s4+$0x8130]  }
0x1c4: {  	v14 =	vadd.f32 v18, v14;
	v13 =	vadd.f32 v21, v13;
	v18 =	vld [tilespmem:s4+$0x81A0]  }
0x1c5: {  	v12 =	vadd.f32 v17, v12;
	v15 =	vadd.f32 v16, v15;
	v16 =	vld [tilespmem:s4+$0x81B0]  }
0x1c6: {  	v14 =	vadd.f32 v22, v14;
	v13 =	vadd.f32 v23, v13;
	v17 =	vld [tilespmem:s4+$0x8220]  }
0x1c7: {  	v11 =	vadd.f32 v11, v12;
	v10 =	vadd.f32 v10, v15;
	v12 =	vld [tilespmem:s4+$0x8230]  }
0x1c8: {  	v14 =	vadd.f32 v24, v14;
	v13 =	vadd.f32 v19, v13;
	v15 =	vld [tilespmem:s4+$0x82A0]  }
0x1c9: {  	v9 =	vadd.f32 v9, v11;
	v8 =	vadd.f32 v8, v10;
	v10 =	vld [tilespmem:s4+$0x82B0]  }
0x1ca: {  	v11 =	vadd.f32 v18, v14;
	v13 =	vadd.f32 v16, v13;
	v14 =	vld [tilespmem:s4+$0x8320]  }
0x1cb: {  	v6 =	vadd.f32 v6, v9;
	v7 =	vadd.f32 v7, v8;
	v8 =	vld [tilespmem:s4+$0x8330]  }
0x1cc: {  	v9 =	vadd.f32 v17, v11;
	v11 =	vadd.f32 v12, v13;
	v13 =	vld [tilespmem:s4+$0x83A0]  }
0x1cd: {  	v4 =	vadd.f32 v4, v6;
	v5 =	vadd.f32 v5, v7;
	v6 =	vld [tilespmem:s4+$0x83B0];
	s4 =	sshra.s32 s5, $0x2  }
0x1ce: {  	v9 =	vadd.f32 v15, v9;
	v7 =	vld [tilespmem:s4+$0x8380];
	v10 =	vadd.f32 v10, v11  }
0x1cf: {  	v4 =	vadd.f32 v2, v4;
	v5 =	vadd.f32 v3, v5;
	v11 =	vld [tilespmem:s4+$0x8390]  }
0x1d0: {  	v9 =	vadd.f32 v14, v9;
	v2 =	vld [tilespmem:s4+$0x8300];
	v8 =	vadd.f32 v8, v10  }
0x1d1: {  	v12 =	vadd.f32 v0, v4;
	v15 =	vadd.f32 v1, v5;
	v3 =	vld [tilespmem:s4+$0x8310]  }
0x1d2: {  	v14 =	vadd.f32 v13, v9;
	v4 =	vld [tilespmem:s4+$0x8280];
	v13 =	vadd.f32 v6, v8  }
0x1d3: {  	v5 =	vld [tilespmem:s4+$0x8290];
	v0 =	vmov v7  }
0x1d4: {  	v6 =	vld [tilespmem:s4+$0x8200];
	v1 =	vmov v11  }
0x1d5: {  	v7 =	vld [tilespmem:s4+$0x8210]  }
0x1d6: {  	v9 =	vld [tilespmem:s4+$0x8180]  }
0x1d7: {  	v8 =	vld [tilespmem:s4+$0x8190]  }
0x1d8: {  	v11 =	vld [tilespmem:s4+$0x8100]  }
0x1d9: {  	v10 =	vld [tilespmem:s4+$0x8110]  }
.Ltmp2:
0x1da: {  	v17 =	vld [tilespmem:s4+$0x8080];
	(pc) =	sbr.rel @p0 .LBB2_7-.Ltmp2, $4  }
0x1db: {  	v16 =	vld [tilespmem:s4+$0x8090]  }
0x1dc: {  	v19 =	vld [tilespmem:s4+$0x8000]  }
0x1dd: {  	v20 =	vld [tilespmem:s4+$0x8010]  }
0x1de: {  	s5 =	sadd.s32 $0x1000, s5;
	v18 =	vld [tilespmem:s4+$0x8020]  }
0x1df: {  	v21 =	vld [tilespmem:s4+$0x8030]  }
0x1e0: {  	v22 =	vld [tilespmem:s4+$0x80A0]  }
0x1e1: {  	v23 =	vld [tilespmem:s4+$0x80B0];
	v12 =	vadd.f32 v19, v12  }
0x1e2: {  	v43 =	vld [tilespmem:s4+$0x8120];
	v15 =	vadd.f32 v20, v15  }
0x1e3: {  	v44 =	vld [tilespmem:s4+$0x8130];
	v14 =	vadd.f32 v18, v14;
	v12 =	vadd.f32 v17, v12  }
0x1e4: {  	v45 =	vld [tilespmem:s4+$0x81A0];
	v13 =	vadd.f32 v21, v13;
	v15 =	vadd.f32 v16, v15  }
0x1e5: {  	v46 =	vld [tilespmem:s4+$0x81B0];
	v14 =	vadd.f32 v22, v14;
	v11 =	vadd.f32 v11, v12  }
0x1e6: {  	v48 =	vld [tilespmem:s4+$0x8220];
	v47 =	vadd.f32 v23, v13;
	v10 =	vadd.f32 v10, v15  }
0x1e7: {  	v49 =	vld [tilespmem:s4+$0x8230];
	v14 =	vadd.f32 v43, v14;
	v9 =	vadd.f32 v9, v11  }
0x1e8: {  	v51 =	vld [tilespmem:s4+$0x82A0];
	v50 =	vadd.f32 v44, v47;
	v8 =	vadd.f32 v8, v10  }
0x1e9: {  	v52 =	vld [tilespmem:s4+$0x82B0];
	v14 =	vadd.f32 v45, v14;
	v6 =	vadd.f32 v6, v9  }
0x1ea: {  	v54 =	vld [tilespmem:s4+$0x8320];
	v53 =	vadd.f32 v46, v50;
	v7 =	vadd.f32 v7, v8  }
0x1eb: {  	v55 =	vld [tilespmem:s4+$0x8330];
	v13 =	vadd.f32 v48, v14;
	v4 =	vadd.f32 v4, v6  }
0x1ec: {  	v57 =	vld [tilespmem:s4+$0x83A0];
	v56 =	vadd.f32 v49, v53;
	v5 =	vadd.f32 v5, v7  }
0x1ed: {  	v58 =	vld [tilespmem:s4+$0x83B0];
	v12 =	vadd.f32 v51, v13;
	v2 =	vadd.f32 v2, v4  }
0x1ee: {  	v59 =	vadd.f32 v52, v56;
	v3 =	vadd.f32 v3, v5  }
0x1ef: {  	p0 =	seq.s32 s30, $0x3F;
	v60 =	vadd.f32 v54, v12;
	v0 =	vadd.f32 v0, v2  }
.Ltmp3:
0x1f0: {  	s0 =	sand.u32 $0x3FFFFF00, s0;
	v61 =	vadd.f32 v55, v59;
	v1 =	vadd.f32 v1, v3;
	(pc) =	sbr.rel @p0 .LBB2_12-.Ltmp3, $4  }
0x1f1: {  	v62 =	vadd.f32 v57, v60;
	[tilespmem:s0+$0x14800] =	vst v0  }
0x1f2: {  	v63 =	vadd.f32 v58, v61;
	[tilespmem:s0+$0x14810] =	vst v1  }
0x1f3: {  	[tilespmem:s0+$0x14820] =	vst v62  }
0x1f4: {  	[tilespmem:s0+$0x14830] =	vst v63  }
0x1f5: {  	s0 =	rddreg [dreg:$0x6]  }
0x1f6: {  	s0 =	sadd.s32 $0x2, s0  }
0x1f7: {  	s1 =	sshll.u32 s0, $0x8;
	s0 =	sshll.u32 s0, $0x7  }
0x1f8: {  	s4 =	simm.s32 $0x0;
	s1 =	sand.u32 $0xF800, s1;
	s0 =	sand.u32 $0x300, s0  }
0x1f9: {  	s25 =	sand.u32 $0x400, s4;
	s0 =	sor.u32 s0, s1  }
0x1fa: {  	s4 =	sand.u32 $0x70, s4;
	s1 =	sadd.s32 s25, s0  }
0x1fb: {  	s1 =	sadd.s32 s4, s1  }
0x1fc: {  	v0 =	vld [tilespmem:s1+$0x0];
	_ =	sdelay $0x4  }
0x1fd: {  	v0 =	vshll.u32 v0, $0x4  }
0x1fe: {  	(v2sf) =	vpush v0, $0x0  }
0x1ff: {  	(v2sf) =	vpush v0, $0x1  }
0x200: {  	(v2sf) =	vpush v0, $0x2;
	_ =	sdelay $0x1  }
0x201: {  	(v2sf) =	vpush v0, $0x3  }
0x202: {  	(v2sf) =	vpush v0, $0x4;
	_ =	sdelay $0x3  }
0x203: {  	(v2sf) =	vpush v0, $0x5;
	_ =	sdelay $0x1  }
0x204: {  	(v2sf) =	vpush v0, $0x6;
	_ =	sdelay $0x1  }
0x205: {  	s5 =	simm.s32 $0x80;
	s6 =	simm.s32 $0x0;
	s8 =	simm.s32 $0x8080  }
0x206: {  	s12 =	simm.s32 $0x8300;
	s13 =	simm.s32 $0x8380;
	s10 =	simm.s32 $0x8000  }
0x207: {  	s14 =	simm.s32 $0x8200;
	s28 =	simm.s32 $0x8100;
	s9 =	spop (v2sf);
	(v2sf) =	vpush v0, $0x7  }
0x208: {  	s16 =	simm.s32 $0x8280;
	s9 =	sand.u32 $0x1FFFFFF0, s9;
	s11 =	spop (v2sf)  }
0x209: {  	s21 =	simm.s32 $0x8400;
	(v2sf) =	vpush v0, $0x8;
	s9 =	sadd.s32 s3, s9;
	s26 =	spop (v2sf)  }
0x20a: {  	(v2sf) =	vpush v0, $0x9;
	[tilespmem:s10], [sflag:$0x1] =	stream.linear.gather [hbm4b:s9+s2], $0x80, $0x38;
	[tilespmem:$0x18800] =	vst v63  }
0x20b: {  	s7 =	sand.u32 $0x400, s5;
	s11 =	sand.u32 $0x1FFFFFF0, s11;
	s29 =	spop (v2sf);
	(v2sf) =	vpush v0, $0xA  }
0x20c: {  	s11 =	sadd.s32 s3, s11;
	s9 =	sand.u32 $0x1FFFFFF0, s26;
	s15 =	spop (v2sf)  }
0x20d: {  	[tilespmem:s8], [sflag:$0x1] =	stream.linear.gather [hbm4b:s11+s2], $0x80, $0x38;
	[tilespmem:$0x18800] =	vst v63  }
0x20e: {  	s9 =	sadd.s32 s3, s9;
	s11 =	sand.u32 $0x1FFFFFF0, s29;
	s15 =	sand.u32 $0x1FFFFFF0, s15  }
0x20f: {  	[tilespmem:s28], [sflag:$0x1] =	stream.linear.gather [hbm4b:s9+s2], $0x80, $0x38;
	[tilespmem:$0x18800] =	vst v63  }
0x210: {  	(v2sf) =	vpush v0, $0xB;
	s17 =	spop (v2sf);
	s11 =	sadd.s32 s3, s11;
	s9 =	simm.s32 $0x8180  }
0x211: {  	[tilespmem:s9], [sflag:$0x1] =	stream.linear.gather [hbm4b:s11+s2], $0x80, $0x38;
	[tilespmem:$0x18800] =	vst v63  }
0x212: {  	s18 =	sand.u32 $0x1FFFFFF0, s17;
	s19 =	spop (v2sf);
	s9 =	sadd.s32 s3, s15  }
0x213: {  	[tilespmem:s14], [sflag:$0x1] =	stream.linear.gather [hbm4b:s9+s2], $0x80, $0x38;
	[tilespmem:$0x18800] =	vst v63  }
0x214: {  	s4 =	simm.s32 $0x4000;
	(v2sf) =	vpush v0, $0xC;
	s14 =	sand.u32 $0x1FFFFFF0, s19;
	s9 =	sadd.s32 s3, s18  }
0x215: {  	[tilespmem:s16], [sflag:$0x1] =	stream.linear.gather [hbm4b:s9+s2], $0x80, $0x38;
	[tilespmem:$0x18800] =	vst v63  }
0x216: {  	s1 =	simm.s32 $0x2000;
	s14 =	sadd.s32 s3, s14;
	s20 =	spop (v2sf);
	(v2sf) =	vpush v0, $0xD  }
0x217: {  	[tilespmem:s12], [sflag:$0x1] =	stream.linear.gather [hbm4b:s14+s2], $0x80, $0x38;
	[tilespmem:$0x18800] =	vst v63  }
0x218: {  	s10 =	simm.s32 $0x8500;
	s26 =	simm.s32 $0x8480;
	s22 =	spop (v2sf);
	(v2sf) =	vpush v0, $0xE  }
0x219: {  	s8 =	simm.s32 $0x8780;
	s11 =	simm.s32 $0x8580;
	s16 =	spop (v2sf)  }
0x21a: {  	s9 =	sadd.s32 s7, s0;
	s7 =	sand.u32 $0x1FFFFFF0, s20;
	s28 =	spop (v2sf);
	(v2sf) =	vpush v0, $0xF  }
0x21b: {  	s12 =	simm.s32 $0x8600;
	s23 =	sand.u32 $0x1FFFFFF0, s22;
	s7 =	sadd.s32 s3, s7  }
0x21c: {  	[tilespmem:s13], [sflag:$0x1] =	stream.linear.gather [hbm4b:s7+s2], $0x80, $0x38;
	[tilespmem:$0x18800] =	vst v63  }
0x21d: {  	s24 =	sand.u32 $0x1FFFFFF0, s16;
	s25 =	sadd.s32 s3, s23;
	s13 =	simm.s32 $0x8680  }
0x21e: {  	[tilespmem:s21], [sflag:$0x1] =	stream.linear.gather [hbm4b:s25+s2], $0x80, $0x38;
	[tilespmem:$0x18800] =	vst v63  }
0x21f: {  	s7 =	sadd.s32 s3, s24;
	s14 =	sand.u32 $0x1FFFFFF0, s28;
	s29 =	spop (v2sf)  }
0x220: {  	[tilespmem:s26], [sflag:$0x1] =	stream.linear.gather [hbm4b:s7+s2], $0x80, $0x38;
	[tilespmem:$0x18800] =	vst v63  }
0x221: {  	s15 =	sadd.s32 s3, s14;
	s14 =	sand.u32 $0x1FFFFFF0, s29;
	s7 =	simm.s32 $0x10  }
.LBB2_10:
0x222: {  	p0 =	sne.s32 s4, $0x16000  }
0x223: {  	s16 =	sand.u32 $0x70, s7;
	s17 =	spop (v2sf);
	s18 =	smov.u32 s4  }
0x224: {  	[tilespmem:s10], [sflag:$0x1] =	stream.linear.gather [hbm4b:s15+s2], $0x80, $0x38;
	[tilespmem:$0x18800] =	vst v63  }
0x225: {  	s10 =	sadd.s32 s3, s14;
	s14 =	sand.u32 $0x1FFFFFF0, s17;
	s15 =	spop (v2sf)  }
0x226: {  	[tilespmem:s11], [sflag:$0x1] =	stream.linear.gather [hbm4b:s10+s2], $0x80, $0x38;
	[tilespmem:$0x18800] =	vst v63  }
0x227: {  	s10 =	sadd.s32 s3, s14;
	s11 =	sand.u32 $0x1FFFFFF0, s15;
	s14 =	spop (v2sf)  }
0x228: {  	[tilespmem:s12], [sflag:$0x1] =	stream.linear.gather [hbm4b:s10+s2], $0x80, $0x38;
	[tilespmem:$0x18800] =	vst v63  }
0x229: {  	s10 =	sadd.s32 s3, s11;
	s11 =	sand.u32 $0x1FFFFFF0, s14;
	s12 =	spop (v2sf)  }
0x22a: {  	[tilespmem:s13], [sflag:$0x1] =	stream.linear.gather [hbm4b:s10+s2], $0x80, $0x38;
	[tilespmem:$0x18800] =	vst v63  }
0x22b: {  	s6 =	sadd.s32 $0x8700, s6;
	s10 =	sadd.s32 s3, s11;
	s11 =	sand.u32 $0x1FFFFFF0, s12  }
0x22c: {  	[tilespmem:s6], [sflag:$0x1] =	stream.linear.gather [hbm4b:s10+s2], $0x80, $0x38;
	[tilespmem:$0x18800] =	vst v63  }
0x22d: {  	s4 =	sadd.s32 $0x2000, s4;
	s6 =	sadd.s32 s16, s9;
	s9 =	sadd.s32 s3, s11  }
0x22e: {  	[tilespmem:s8], [sflag:$0x1] =	stream.linear.gather [hbm4b:s9+s2], $0x80, $0x38;
	[tilespmem:$0x18800] =	vst v63  }
0x22f: {  	v0 =	vld [tilespmem:s6+$0x0];
	_ =	sdelay $0x4  }
0x230: {  	v0 =	vshll.u32 v0, $0x4  }
0x231: {  	(v2sf) =	vpush v0, $0x0  }
0x232: {  	(v2sf) =	vpush v0, $0x1  }
0x233: {  	(v2sf) =	vpush v0, $0x2  }
0x234: {  	(v2sf) =	vpush v0, $0x3;
	_ =	sdelay $0x1  }
0x235: {  	(v2sf) =	vpush v0, $0x4;
	_ =	sdelay $0x1  }
0x236: {  	s5 =	sadd.s32 $0x80, s5;
	(v2sf) =	vpush v0, $0x5  }
0x237: {  	s9 =	sand.u32 $0x400, s5;
	s6 =	sshra.s32 s1, $0x2;
	s1 =	smov.u32 s18  }
0x238: {  	s19 =	sadd.s32 $0x8080, s6;
	s15 =	sadd.s32 $0x8300, s6;
	s14 =	sadd.s32 $0x8380, s6;
	(v2sf) =	vpush v0, $0x6  }
0x239: {  	s20 =	sadd.s32 $0x8000, s6;
	s21 =	sadd.s32 $0x8200, s6;
	s10 =	sadd.s32 $0x8500, s6  }
0x23a: {  	s18 =	sadd.s32 $0x8280, s6;
	s11 =	sadd.s32 $0x8580, s6;
	s8 =	sadd.s32 $0x8780, s6;
	(v2sf) =	vpush v0, $0x7  }
0x23b: {  	s9 =	sadd.s32 s9, s0;
	s16 =	sadd.s32 $0x8400, s6;
	s12 =	sadd.s32 $0x8600, s6  }
0x23c: {  	s13 =	sadd.s32 $0x8680, s6;
	(v2sf) =	vpush v0, $0x8  }
0x23d: {  	s17 =	sadd.s32 $0x8480, s6  }
0x23e: {  	s22 =	sadd.s32 $0x8180, s6;
	s23 =	spop (v2sf);
	(v2sf) =	vpush v0, $0x9  }
0x23f: {  	s7 =	sadd.s32 $0x10, s7;
	s23 =	sand.u32 $0x1FFFFFF0, s23;
	s24 =	spop (v2sf)  }
0x240: {  	s25 =	sadd.s32 $0x8100, s6;
	s24 =	sand.u32 $0x1FFFFFF0, s24;
	s26 =	spop (v2sf);
	(v2sf) =	vpush v0, $0xA  }
0x241: {  	s23 =	sadd.s32 s3, s23;
	s26 =	sand.u32 $0x1FFFFFF0, s26;
	s28 =	spop (v2sf)  }
0x242: {  	[tilespmem:s20], [sflag:$0x1] =	stream.linear.gather [hbm4b:s23+s2], $0x80, $0x38;
	(v2sf) =	vpush v0, $0xB;
	[tilespmem:$0x18800] =	vst v63  }
0x243: {  	s20 =	sadd.s32 s3, s24;
	s23 =	sand.u32 $0x1FFFFFF0, s28;
	s24 =	spop (v2sf)  }
0x244: {  	[tilespmem:s19], [sflag:$0x1] =	stream.linear.gather [hbm4b:s20+s2], $0x80, $0x38;
	[tilespmem:$0x18800] =	vst v63  }
0x245: {  	s19 =	sadd.s32 s3, s26;
	s20 =	sand.u32 $0x1FFFFFF0, s24;
	s24 =	spop (v2sf)  }
0x246: {  	[tilespmem:s25], [sflag:$0x1] =	stream.linear.gather [hbm4b:s19+s2], $0x80, $0x38;
	(v2sf) =	vpush v0, $0xC;
	[tilespmem:$0x18800] =	vst v63  }
0x247: {  	s19 =	sadd.s32 s3, s23;
	s23 =	sand.u32 $0x1FFFFFF0, s24;
	s24 =	spop (v2sf)  }
0x248: {  	[tilespmem:s22], [sflag:$0x1] =	stream.linear.gather [hbm4b:s19+s2], $0x80, $0x38;
	(v2sf) =	vpush v0, $0xD;
	[tilespmem:$0x18800] =	vst v63  }
0x249: {  	s19 =	sadd.s32 s3, s20;
	s20 =	sand.u32 $0x1FFFFFF0, s24;
	s22 =	spop (v2sf)  }
0x24a: {  	[tilespmem:s21], [sflag:$0x1] =	stream.linear.gather [hbm4b:s19+s2], $0x80, $0x38;
	(v2sf) =	vpush v0, $0xE;
	[tilespmem:$0x18800] =	vst v63  }
0x24b: {  	s19 =	sadd.s32 s3, s23;
	s21 =	sand.u32 $0x1FFFFFF0, s22;
	s22 =	spop (v2sf)  }
0x24c: {  	[tilespmem:s18], [sflag:$0x1] =	stream.linear.gather [hbm4b:s19+s2], $0x80, $0x38;
	(v2sf) =	vpush v0, $0xF;
	[tilespmem:$0x18800] =	vst v63  }
0x24d: {  	s18 =	sadd.s32 s3, s20;
	s19 =	sand.u32 $0x1FFFFFF0, s22;
	s20 =	spop (v2sf)  }
0x24e: {  	[tilespmem:s15], [sflag:$0x1] =	stream.linear.gather [hbm4b:s18+s2], $0x80, $0x38;
	[tilespmem:$0x18800] =	vst v63  }
0x24f: {  	s15 =	sadd.s32 s3, s21;
	s18 =	sand.u32 $0x1FFFFFF0, s20;
	s20 =	spop (v2sf)  }
0x250: {  	[tilespmem:s14], [sflag:$0x1] =	stream.linear.gather [hbm4b:s15+s2], $0x80, $0x38;
	[tilespmem:$0x18800] =	vst v63  }
.Ltmp4:
0x251: {  	_ = 	snop;
	(pc) =	sbr.rel @p0 .LBB2_10-.Ltmp4, $4  }
0x252: {  	s14 =	sadd.s32 s3, s19;
	s15 =	sand.u32 $0x1FFFFFF0, s20;
	s19 =	spop (v2sf)  }
0x253: {  	[tilespmem:s16], [sflag:$0x1] =	stream.linear.gather [hbm4b:s14+s2], $0x80, $0x38;
	[tilespmem:$0x18800] =	vst v63  }
0x254: {  	s15 =	sadd.s32 s3, s15;
	s16 =	sadd.s32 s3, s18;
	s14 =	sand.u32 $0x1FFFFFF0, s19  }
0x255: {  	[tilespmem:s17], [sflag:$0x1] =	stream.linear.gather [hbm4b:s16+s2], $0x80, $0x38;
	[tilespmem:$0x18800] =	vst v63  }
0x256: {  	[tilespmem:s10], [sflag:$0x1] =	stream.linear.gather [hbm4b:s15+s2], $0x80, $0x38;
	[tilespmem:$0x18800] =	vst v63  }
0x257: {  	s4 =	sadd.s32 s3, s14;
	s24 =	spop (v2sf)  }
0x258: {  	[tilespmem:s11], [sflag:$0x1] =	stream.linear.gather [hbm4b:s4+s2], $0x80, $0x38;
	[tilespmem:$0x18800] =	vst v63  }
0x259: {  	s4 =	sand.u32 $0x1FFFFFF0, s24  }
0x25a: {  	s25 =	spop (v2sf);
	s4 =	sadd.s32 s3, s4  }
0x25b: {  	[tilespmem:s12], [sflag:$0x1] =	stream.linear.gather [hbm4b:s4+s2], $0x80, $0x38;
	[tilespmem:$0x18800] =	vst v63  }
0x25c: {  	s4 =	sand.u32 $0x1FFFFFF0, s25  }
0x25d: {  	s26 =	spop (v2sf);
	s4 =	sadd.s32 s3, s4  }
0x25e: {  	[tilespmem:s13], [sflag:$0x1] =	stream.linear.gather [hbm4b:s4+s2], $0x80, $0x38;
	[tilespmem:$0x18800] =	vst v63  }
0x25f: {  	s4 =	sand.u32 $0x1FFFFFF0, s26  }
0x260: {  	s5 =	sadd.s32 $0x8700, s6;
	s28 =	spop (v2sf);
	s4 =	sadd.s32 s3, s4  }
0x261: {  	[tilespmem:s5], [sflag:$0x1] =	stream.linear.gather [hbm4b:s4+s2], $0x80, $0x38;
	[tilespmem:$0x18800] =	vst v63  }
0x262: {  	s4 =	sand.u32 $0x1FFFFFF0, s28  }
0x263: {  	s29 =	sand.u32 $0x70, s7;
	s4 =	sadd.s32 s3, s4  }
0x264: {  	[tilespmem:s8], [sflag:$0x1] =	stream.linear.gather [hbm4b:s4+s2], $0x80, $0x38;
	[tilespmem:$0x18800] =	vst v63  }
0x265: {  	s4 =	sadd.s32 s29, s9  }
0x266: {  	v0 =	vld [tilespmem:s4+$0x0];
	_ =	sdelay $0x4  }
0x267: {  	v0 =	vshll.u32 v0, $0x4  }
0x268: {  	(v2sf) =	vpush v0, $0x0;
	_ =	sdelay $0x1  }
0x269: {  	(v2sf) =	vpush v0, $0x1;
	_ =	sdelay $0x1  }
0x26a: {  	(v2sf) =	vpush v0, $0x2;
	_ =	sdelay $0x2  }
0x26b: {  	(v2sf) =	vpush v0, $0x3;
	_ =	sdelay $0x7  }
0x26c: {  	s5 =	spop (v2sf);
	(v2sf) =	vpush v0, $0x4;
	_ =	sdelay $0x1  }
0x26d: {  	s7 =	spop (v2sf);
	(v2sf) =	vpush v0, $0x5;
	_ =	sdelay $0x1  }
0x26e: {  	s9 =	spop (v2sf);
	(v2sf) =	vpush v0, $0x6;
	_ =	sdelay $0x1  }
0x26f: {  	s1 =	sshra.s32 s1, $0x2;
	s4 =	sand.u32 $0x1FFFFFF0, s5  }
0x270: {  	s6 =	sadd.s32 $0x8000, s1;
	s4 =	sadd.s32 s3, s4;
	s11 =	spop (v2sf);
	(v2sf) =	vpush v0, $0x7  }
0x271: {  	[tilespmem:s6], [sflag:$0x1] =	stream.linear.gather [hbm4b:s4+s2], $0x80, $0x38;
	[tilespmem:$0x18800] =	vst v63  }
0x272: {  	s4 =	sand.u32 $0x1FFFFFF0, s7  }
0x273: {  	s8 =	sadd.s32 $0x8080, s1;
	s4 =	sadd.s32 s3, s4  }
0x274: {  	[tilespmem:s8], [sflag:$0x1] =	stream.linear.gather [hbm4b:s4+s2], $0x80, $0x38;
	[tilespmem:$0x18800] =	vst v63  }
0x275: {  	s4 =	sand.u32 $0x1FFFFFF0, s9  }
0x276: {  	s10 =	sadd.s32 $0x8100, s1;
	s4 =	sadd.s32 s3, s4  }
0x277: {  	[tilespmem:s10], [sflag:$0x1] =	stream.linear.gather [hbm4b:s4+s2], $0x80, $0x38;
	[tilespmem:$0x18800] =	vst v63  }
0x278: {  	s13 =	spop (v2sf);
	(v2sf) =	vpush v0, $0x8  }
0x279: {  	s4 =	sand.u32 $0x1FFFFFF0, s11  }
0x27a: {  	s12 =	sadd.s32 $0x8180, s1;
	s4 =	sadd.s32 s3, s4;
	s15 =	spop (v2sf);
	(v2sf) =	vpush v0, $0x9  }
0x27b: {  	[tilespmem:s12], [sflag:$0x1] =	stream.linear.gather [hbm4b:s4+s2], $0x80, $0x38;
	[tilespmem:$0x18800] =	vst v63  }
0x27c: {  	s4 =	sand.u32 $0x1FFFFFF0, s13;
	s17 =	spop (v2sf);
	(v2sf) =	vpush v0, $0xA  }
0x27d: {  	s14 =	sadd.s32 $0x8200, s1;
	s4 =	sadd.s32 s3, s4  }
0x27e: {  	[tilespmem:s14], [sflag:$0x1] =	stream.linear.gather [hbm4b:s4+s2], $0x80, $0x38;
	[tilespmem:$0x18800] =	vst v63  }
0x27f: {  	s19 =	spop (v2sf);
	(v2sf) =	vpush v0, $0xB  }
0x280: {  	s4 =	sand.u32 $0x1FFFFFF0, s15  }
0x281: {  	s16 =	sadd.s32 $0x8280, s1;
	s4 =	sadd.s32 s3, s4  }
0x282: {  	[tilespmem:s16], [sflag:$0x1] =	stream.linear.gather [hbm4b:s4+s2], $0x80, $0x38;
	[tilespmem:$0x18800] =	vst v63  }
0x283: {  	s4 =	sand.u32 $0x1FFFFFF0, s17  }
0x284: {  	s18 =	sadd.s32 $0x8300, s1;
	s4 =	sadd.s32 s3, s4  }
0x285: {  	[tilespmem:s18], [sflag:$0x1] =	stream.linear.gather [hbm4b:s4+s2], $0x80, $0x38;
	[tilespmem:$0x18800] =	vst v63  }
0x286: {  	s4 =	sand.u32 $0x1FFFFFF0, s19  }
0x287: {  	s20 =	sadd.s32 $0x8380, s1;
	s4 =	sadd.s32 s3, s4;
	s21 =	spop (v2sf);
	(v2sf) =	vpush v0, $0xC  }
0x288: {  	[tilespmem:s20], [sflag:$0x1] =	stream.linear.gather [hbm4b:s4+s2], $0x80, $0x38;
	[tilespmem:$0x18800] =	vst v63  }
0x289: {  	s23 =	spop (v2sf);
	(v2sf) =	vpush v0, $0xD  }
0x28a: {  	s4 =	sand.u32 $0x1FFFFFF0, s21  }
0x28b: {  	s22 =	sadd.s32 $0x8400, s1;
	s4 =	sadd.s32 s3, s4;
	s25 =	spop (v2sf)  }
0x28c: {  	(v2sf) =	vpush v0, $0xE;
	[tilespmem:s22], [sflag:$0x1] =	stream.linear.gather [hbm4b:s4+s2], $0x80, $0x38;
	[tilespmem:$0x18800] =	vst v63  }
0x28d: {  	s4 =	sand.u32 $0x1FFFFFF0, s23  }
0x28e: {  	s24 =	sadd.s32 $0x8480, s1;
	s28 =	spop (v2sf);
	s4 =	sadd.s32 s3, s4  }
0x28f: {  	(v2sf) =	vpush v0, $0xF;
	[tilespmem:s24], [sflag:$0x1] =	stream.linear.gather [hbm4b:s4+s2], $0x80, $0x38;
	[tilespmem:$0x18800] =	vst v63  }
0x290: {  	s4 =	sand.u32 $0x1FFFFFF0, s25  }
0x291: {  	s26 =	sadd.s32 $0x8500, s1;
	s4 =	sadd.s32 s3, s4  }
0x292: {  	[tilespmem:s26], [sflag:$0x1] =	stream.linear.gather [hbm4b:s4+s2], $0x80, $0x38;
	[tilespmem:$0x18800] =	vst v63  }
0x293: {  	s4 =	sand.u32 $0x1FFFFFF0, s28  }
0x294: {  	s29 =	sadd.s32 $0x8580, s1;
	s4 =	sadd.s32 s3, s4  }
0x295: {  	[tilespmem:s29], [sflag:$0x1] =	stream.linear.gather [hbm4b:s4+s2], $0x80, $0x38;
	[tilespmem:$0x18800] =	vst v63  }
0x296: {  	s6 =	spop (v2sf)  }
0x297: {  	s4 =	sand.u32 $0x1FFFFFF0, s6  }
0x298: {  	s7 =	sadd.s32 $0x8600, s1;
	s8 =	spop (v2sf);
	s4 =	sadd.s32 s3, s4  }
0x299: {  	[tilespmem:s7], [sflag:$0x1] =	stream.linear.gather [hbm4b:s4+s2], $0x80, $0x38;
	[tilespmem:$0x18800] =	vst v63  }
0x29a: {  	s4 =	sand.u32 $0x1FFFFFF0, s8  }
0x29b: {  	s9 =	sadd.s32 $0x8680, s1;
	s10 =	spop (v2sf);
	s4 =	sadd.s32 s3, s4  }
0x29c: {  	[tilespmem:s9], [sflag:$0x1] =	stream.linear.gather [hbm4b:s4+s2], $0x80, $0x38;
	[tilespmem:$0x18800] =	vst v63  }
0x29d: {  	s4 =	sand.u32 $0x1FFFFFF0, s10  }
0x29e: {  	s11 =	sadd.s32 $0x8700, s1;
	s12 =	spop (v2sf);
	s4 =	sadd.s32 s3, s4  }
0x29f: {  	[tilespmem:s11], [sflag:$0x1] =	stream.linear.gather [hbm4b:s4+s2], $0x80, $0x38;
	[tilespmem:$0x18800] =	vst v63  }
0x2a0: {  	s4 =	sand.u32 $0x1FFFFFF0, s12  }
0x2a1: {  	s1 =	sadd.s32 $0x8780, s1;
	s4 =	sadd.s32 s3, s4  }
0x2a2: {  	[tilespmem:s1], [sflag:$0x1] =	stream.linear.gather [hbm4b:s4+s2], $0x80, $0x38;
	[tilespmem:$0x18800] =	vst v63  }
0x2a3: {  	v63 =	vld.msk [tilespmem:s0+$0x440], $0xff;
	_ =	sdelay $0x4  }
0x2a4: {  	v0 =	vshll.u32 v63, $0x4  }
0x2a5: {  	(v2sf) =	vpush v0, $0x0;
	_ =	sdelay $0x1  }
0x2a6: {  	(v2sf) =	vpush v0, $0x1;
	_ =	sdelay $0x1  }
0x2a7: {  	(v2sf) =	vpush v0, $0x2;
	_ =	sdelay $0x2  }
0x2a8: {  	(v2sf) =	vpush v0, $0x3;
	_ =	sdelay $0x7  }
0x2a9: {  	s13 =	spop (v2sf);
	(v2sf) =	vpush v0, $0x4;
	_ =	sdelay $0x1  }
0x2aa: {  	s15 =	spop (v2sf);
	(v2sf) =	vpush v0, $0x5  }
0x2ab: {  	s0 =	sand.u32 $0x1FFFFFF0, s13  }
0x2ac: {  	s14 =	simm.s32 $0xE000;
	s0 =	sadd.s32 s3, s0;
	s17 =	spop (v2sf)  }
0x2ad: {  	(v2sf) =	vpush v0, $0x6;
	[tilespmem:s14], [sflag:$0x1] =	stream.linear.gather [hbm4b:s0+s2], $0x80, $0x38;
	[tilespmem:$0x18800] =	vst v63  }
0x2ae: {  	s0 =	sand.u32 $0x1FFFFFF0, s15  }
0x2af: {  	s16 =	simm.s32 $0xE080;
	s19 =	spop (v2sf);
	s0 =	sadd.s32 s3, s0  }
0x2b0: {  	(v2sf) =	vpush v0, $0x7;
	[tilespmem:s16], [sflag:$0x1] =	stream.linear.gather [hbm4b:s0+s2], $0x80, $0x38;
	[tilespmem:$0x18800] =	vst v63  }
0x2b1: {  	s0 =	sand.u32 $0x1FFFFFF0, s17  }
0x2b2: {  	s18 =	simm.s32 $0xE100;
	s0 =	sadd.s32 s3, s0  }
0x2b3: {  	[tilespmem:s18], [sflag:$0x1] =	stream.linear.gather [hbm4b:s0+s2], $0x80, $0x38;
	[tilespmem:$0x18800] =	vst v63  }
0x2b4: {  	s0 =	sand.u32 $0x1FFFFFF0, s19  }
0x2b5: {  	s20 =	simm.s32 $0xE180;
	s0 =	sadd.s32 s3, s0  }
0x2b6: {  	[tilespmem:s20], [sflag:$0x1] =	stream.linear.gather [hbm4b:s0+s2], $0x80, $0x38;
	[tilespmem:$0x18800] =	vst v63  }
0x2b7: {  	s21 =	spop (v2sf)  }
0x2b8: {  	s0 =	sand.u32 $0x1FFFFFF0, s21  }
0x2b9: {  	s22 =	simm.s32 $0xE200;
	s23 =	spop (v2sf);
	s0 =	sadd.s32 s3, s0  }
0x2ba: {  	[tilespmem:s22], [sflag:$0x1] =	stream.linear.gather [hbm4b:s0+s2], $0x80, $0x38;
	[tilespmem:$0x18800] =	vst v63  }
0x2bb: {  	s0 =	sand.u32 $0x1FFFFFF0, s23  }
0x2bc: {  	s24 =	simm.s32 $0xE280;
	s25 =	spop (v2sf);
	s0 =	sadd.s32 s3, s0  }
0x2bd: {  	[tilespmem:s24], [sflag:$0x1] =	stream.linear.gather [hbm4b:s0+s2], $0x80, $0x38;
	[tilespmem:$0x18800] =	vst v63  }
0x2be: {  	s0 =	sand.u32 $0x1FFFFFF0, s25  }
0x2bf: {  	s26 =	simm.s32 $0xE300;
	s28 =	spop (v2sf);
	s0 =	sadd.s32 s3, s0  }
0x2c0: {  	[tilespmem:s26], [sflag:$0x1] =	stream.linear.gather [hbm4b:s0+s2], $0x80, $0x38;
	[tilespmem:$0x18800] =	vst v63  }
0x2c1: {  	s0 =	sand.u32 $0x1FFFFFF0, s28  }
0x2c2: {  	s29 =	simm.s32 $0xE380;
	s0 =	sadd.s32 s3, s0  }
0x2c3: {  	[tilespmem:s29], [sflag:$0x1] =	stream.linear.gather [hbm4b:s0+s2], $0x80, $0x38;
	[tilespmem:$0x18800] =	vst v63  }
.LBB2_12:
0x2c4: {  	s0 =	simm.s32 $0x2  }
0x2c5: {  	_ =	swait.ge [sflag:s0], $0x6400  }
0x2c6: {  	[sflag:s0] =	ssyncset.done $0x0  }
0x2c7: {  	[sflag:s0] =	ssyncadd.s32 $0xFFFF9C00;
	s0 =	simm.s32 $0x0  }
0x2c8: {  	v0 =	vld [tilespmem:s0+$0xE780]  }
0x2c9: {  	v1 =	vld [tilespmem:s0+$0xE790]  }
0x2ca: {  	v2 =	vld [tilespmem:s0+$0xE700]  }
0x2cb: {  	v3 =	vld [tilespmem:s0+$0xE710]  }
0x2cc: {  	v4 =	vld [tilespmem:s0+$0xE680]  }
0x2cd: {  	v5 =	vld [tilespmem:s0+$0xE690]  }
0x2ce: {  	v6 =	vld [tilespmem:s0+$0xE600]  }
0x2cf: {  	v7 =	vld [tilespmem:s0+$0xE610]  }
0x2d0: {  	v9 =	vld [tilespmem:s0+$0xE580]  }
0x2d1: {  	v8 =	vld [tilespmem:s0+$0xE590]  }
0x2d2: {  	v11 =	vld [tilespmem:s0+$0xE500]  }
0x2d3: {  	v10 =	vld [tilespmem:s0+$0xE510]  }
0x2d4: {  	v17 =	vld [tilespmem:s0+$0xE480]  }
0x2d5: {  	v16 =	vld [tilespmem:s0+$0xE490]  }
0x2d6: {  	v19 =	vld [tilespmem:s0+$0xE400]  }
0x2d7: {  	v12 =	vimm.f32 $0.0e+00;
	v20 =	vld [tilespmem:s0+$0xE410]  }
0x2d8: {  	s1 =	simm.s32 $0x1000;
	v15 =	vimm.f32 $0.0e+00;
	v14 =	vimm.f32 $0.0e+00;
	v13 =	vimm.f32 $0.0e+00;
	v18 =	vld [tilespmem:s0+$0xE420]  }
.LBB2_13:
0x2d9: {  	p0 =	sne.s32 s1, $0x18000;
	v21 =	vld [tilespmem:s0+$0xE430]  }
0x2da: {  	v22 =	vld [tilespmem:s0+$0xE4A0]  }
0x2db: {  	v23 =	vld [tilespmem:s0+$0xE4B0]  }
0x2dc: {  	v24 =	vld [tilespmem:s0+$0xE520]  }
0x2dd: {  	v12 =	vadd.f32 v19, v12;
	v15 =	vadd.f32 v20, v15;
	v19 =	vld [tilespmem:s0+$0xE530]  }
0x2de: {  	v14 =	vadd.f32 v18, v14;
	v13 =	vadd.f32 v21, v13;
	v18 =	vld [tilespmem:s0+$0xE5A0]  }
0x2df: {  	v12 =	vadd.f32 v17, v12;
	v15 =	vadd.f32 v16, v15;
	v16 =	vld [tilespmem:s0+$0xE5B0]  }
0x2e0: {  	v14 =	vadd.f32 v22, v14;
	v13 =	vadd.f32 v23, v13;
	v17 =	vld [tilespmem:s0+$0xE620]  }
0x2e1: {  	v11 =	vadd.f32 v11, v12;
	v10 =	vadd.f32 v10, v15;
	v12 =	vld [tilespmem:s0+$0xE630]  }
0x2e2: {  	v14 =	vadd.f32 v24, v14;
	v13 =	vadd.f32 v19, v13;
	v15 =	vld [tilespmem:s0+$0xE6A0]  }
0x2e3: {  	v9 =	vadd.f32 v9, v11;
	v8 =	vadd.f32 v8, v10;
	v10 =	vld [tilespmem:s0+$0xE6B0]  }
0x2e4: {  	v11 =	vadd.f32 v18, v14;
	v13 =	vadd.f32 v16, v13;
	v14 =	vld [tilespmem:s0+$0xE720]  }
0x2e5: {  	v6 =	vadd.f32 v6, v9;
	v7 =	vadd.f32 v7, v8;
	v8 =	vld [tilespmem:s0+$0xE730]  }
0x2e6: {  	v9 =	vadd.f32 v17, v11;
	v11 =	vadd.f32 v12, v13;
	v13 =	vld [tilespmem:s0+$0xE7A0]  }
0x2e7: {  	v4 =	vadd.f32 v4, v6;
	v5 =	vadd.f32 v5, v7;
	v6 =	vld [tilespmem:s0+$0xE7B0];
	s0 =	sshra.s32 s1, $0x2  }
0x2e8: {  	v9 =	vadd.f32 v15, v9;
	v7 =	vld [tilespmem:s0+$0xE780];
	v10 =	vadd.f32 v10, v11  }
0x2e9: {  	v4 =	vadd.f32 v2, v4;
	v5 =	vadd.f32 v3, v5;
	v11 =	vld [tilespmem:s0+$0xE790]  }
0x2ea: {  	v9 =	vadd.f32 v14, v9;
	v2 =	vld [tilespmem:s0+$0xE700];
	v8 =	vadd.f32 v8, v10  }
0x2eb: {  	v12 =	vadd.f32 v0, v4;
	v15 =	vadd.f32 v1, v5;
	v3 =	vld [tilespmem:s0+$0xE710]  }
0x2ec: {  	v14 =	vadd.f32 v13, v9;
	v4 =	vld [tilespmem:s0+$0xE680];
	v13 =	vadd.f32 v6, v8  }
0x2ed: {  	v5 =	vld [tilespmem:s0+$0xE690];
	v0 =	vmov v7  }
0x2ee: {  	v6 =	vld [tilespmem:s0+$0xE600];
	v1 =	vmov v11  }
0x2ef: {  	v7 =	vld [tilespmem:s0+$0xE610]  }
0x2f0: {  	v9 =	vld [tilespmem:s0+$0xE580]  }
0x2f1: {  	v8 =	vld [tilespmem:s0+$0xE590]  }
0x2f2: {  	v11 =	vld [tilespmem:s0+$0xE500]  }
0x2f3: {  	v10 =	vld [tilespmem:s0+$0xE510]  }
.Ltmp5:
0x2f4: {  	v17 =	vld [tilespmem:s0+$0xE480];
	(pc) =	sbr.rel @p0 .LBB2_13-.Ltmp5, $4  }
0x2f5: {  	v16 =	vld [tilespmem:s0+$0xE490]  }
0x2f6: {  	v19 =	vld [tilespmem:s0+$0xE400]  }
0x2f7: {  	v20 =	vld [tilespmem:s0+$0xE410]  }
0x2f8: {  	s1 =	sadd.s32 $0x1000, s1;
	v18 =	vld [tilespmem:s0+$0xE420]  }
0x2f9: {  	v21 =	vld [tilespmem:s0+$0xE430]  }
0x2fa: {  	v22 =	vld [tilespmem:s0+$0xE4A0]  }
0x2fb: {  	v23 =	vld [tilespmem:s0+$0xE4B0];
	v12 =	vadd.f32 v19, v12  }
0x2fc: {  	v43 =	vld [tilespmem:s0+$0xE520];
	v15 =	vadd.f32 v20, v15  }
0x2fd: {  	v44 =	vld [tilespmem:s0+$0xE530];
	v14 =	vadd.f32 v18, v14;
	v12 =	vadd.f32 v17, v12  }
0x2fe: {  	v45 =	vld [tilespmem:s0+$0xE5A0];
	v13 =	vadd.f32 v21, v13;
	v15 =	vadd.f32 v16, v15  }
0x2ff: {  	v46 =	vld [tilespmem:s0+$0xE5B0];
	v14 =	vadd.f32 v22, v14;
	v11 =	vadd.f32 v11, v12  }
0x300: {  	v48 =	vld [tilespmem:s0+$0xE620];
	v47 =	vadd.f32 v23, v13;
	v10 =	vadd.f32 v10, v15  }
0x301: {  	v49 =	vld [tilespmem:s0+$0xE630];
	v14 =	vadd.f32 v43, v14;
	v9 =	vadd.f32 v9, v11  }
0x302: {  	v51 =	vld [tilespmem:s0+$0xE6A0];
	v50 =	vadd.f32 v44, v47;
	v8 =	vadd.f32 v8, v10  }
0x303: {  	v52 =	vld [tilespmem:s0+$0xE6B0];
	v14 =	vadd.f32 v45, v14;
	v6 =	vadd.f32 v6, v9  }
0x304: {  	v54 =	vld [tilespmem:s0+$0xE720];
	v53 =	vadd.f32 v46, v50;
	v7 =	vadd.f32 v7, v8  }
0x305: {  	v55 =	vld [tilespmem:s0+$0xE730];
	v13 =	vadd.f32 v48, v14;
	v4 =	vadd.f32 v4, v6  }
0x306: {  	v57 =	vld [tilespmem:s0+$0xE7A0];
	v56 =	vadd.f32 v49, v53;
	v5 =	vadd.f32 v5, v7  }
0x307: {  	v58 =	vld [tilespmem:s0+$0xE7B0];
	v12 =	vadd.f32 v51, v13;
	v2 =	vadd.f32 v2, v4  }
0x308: {  	s30 =	sadd.s32 $0x1, s30;
	v59 =	vadd.f32 v52, v56;
	v3 =	vadd.f32 v3, v5  }
0x309: {  	p0 =	sne.s32 s30, $0x40;
	v60 =	vadd.f32 v54, v12;
	v0 =	vadd.f32 v0, v2  }
.Ltmp6:
0x30a: {  	v61 =	vadd.f32 v55, v59;
	v1 =	vadd.f32 v1, v3;
	(pc) =	sbr.rel @p0 .LBB2_4-.Ltmp6, $4  }
0x30b: {  	v62 =	vadd.f32 v57, v60;
	[tilespmem:s31+$0x14800] =	vst v0  }
0x30c: {  	v63 =	vadd.f32 v58, v61;
	[tilespmem:s31+$0x14810] =	vst v1  }
0x30d: {  	[tilespmem:s31+$0x14820] =	vst v62  }
0x30e: {  	[tilespmem:s31+$0x14830] =	vst v63  }
0x30f: {  	s0 =	rddreg [dreg:$0x3];
	s1 =	simm.s32 $0x14800;
	s4 =	simm.s32 $0x3  }
0x310: {  	[hbm4b:s0+s2] =	stream.linear.scatter [tilespmem:s1], [sflag:$0x3], $0x4000, $0x38;
	[tilespmem:$0x18800] =	vst v63  }
0x311: {  	_ =	swait.ge [sflag:s4], $0x4000  }
0x312: {  	s30 =	rddreg [dreg:$0x5]  }
0x313: {  	s31 =	rddreg [dreg:$0x4];
	s1 =	sadd.s32 $0x1, s30  }
0x314: {  	p0 =	sne.s32 s1, s31  }
.Ltmp7:
0x315: {  	_ = 	snop;
	(pc) =	sbr.rel @p0 .LBB2_1-.Ltmp7, $3  }
0x316: {  	_ =	sdelay $0x1  }
0x317: {  	[sflag:s4] =	ssyncset.done $0x0  }
0x318: {  	[sflag:s4] =	ssyncadd.s32 $0xFFFFC000  }
0x319: {  	_ =	sfence.sel $0x180000  }
0x31a: {  	[bflag:$0x0] =	sbarrier.arrive $0xFFFF  }
0x31b: {  	_ =	strace $0x90000047  }
0x31c: {  	s0 =	stileid.u32;
	[bflag:$0x2] =	sbarrier.arrive $0xFFFF  }
0x31d: {  	p0 =	sne.s32 s0, $0x0;
	s0 =	rddreg [dreg:$0x1]  }
0x31e: {  	s0 =	sadd.s32 @!p0 $0x100000, s0  }
0x31f: {  	[sflag:s0] =	ssyncadd.tile.s32 @!p0 $0x1;
	_ =	shalt  }
.Lfunc_end2:
_tile_overlayer_lowered:
.L_overlay_start_2:
0x320: {  	(tag) =	ssettag $0x2  }
0x321: {  	s0 =	rddreg [dreg:$0x0];
	s2 =	stileid.u32  }
0x322: {  	s1 =	rddreg [dreg:$0x1];
	p0 =	sne.s32 s2, $0x0  }
0x323: {  	s3 =	rddreg [dreg:$0x2];
	[bflag:$0x3] =	sbarrier.arrive $0xFFFF;
	s2 =	simm.s32 @!p0 $0x1C03  }
0x324: {  	[timem:s3], [sflag:s2] =	dma.local @!p0 [hbm:s0], s1  }
0x325: {  	s0 =	simm.s32 @!p0 $0x3  }
0x326: {  	_ =	swait.ge @!p0 [sflag:s0], s1  }
0x327: {  	s1 =	ssub.s32 @!p0 $0x0, s1;
	[sflag:s0] =	ssyncset.done @!p0 $0x0  }
0x328: {  	[sflag:s0] =	ssyncadd.s32 @!p0 s1  }
0x329: {  	[bflag:$0x3] =	sbarrier.arrive $0xFFFF  }
0x32a: {  	_ =	shalt  }

</sc_bundles>
